<compile_context>
chip_gen: v7x
topology: tpu7x:2x2x1
jax: 0.10.2.dev20260603
libtpu: 0.0.44.dev20260713+nightly
codegen_flags: <defaults>
</compile_context>

<pallas_src>
import functools

import jax
import jax.numpy as jnp
from jax import lax
from jax.experimental import pallas as pl
from jax.experimental.pallas import tpu as pltpu
from jax.experimental.pallas import tpu_sc as plsc

NC, NS = 2, 16
NW = NC * NS
G = 128


def _make_sc_gather(V, D, N, per_w, gpc_rows, n_chunks):
    ch = gpc_rows * G

    mesh = plsc.VectorSubcoreMesh(core_axis_name="c", subcore_axis_name="s")

    rows_per_w = per_w // G

    @functools.partial(
        pl.kernel,
        out_type=jax.ShapeDtypeStruct((N, D), jnp.float32),
        mesh=mesh,
        scratch_types=[
            pltpu.VMEM((rows_per_w, G), jnp.int32),
            pltpu.VMEM((ch, D), jnp.float32),
            pltpu.SemaphoreType.DMA,
        ],
    )
    def sc_gather(table_hbm, idx_hbm, out_hbm, idx_v, rows_v, gsem):
        wid = lax.axis_index("s") * NC + lax.axis_index("c")
        out_row0 = wid * per_w

        pltpu.sync_copy(idx_hbm.at[wid], idx_v)

        def chunk(ci, carry):
            r0 = ci * gpc_rows
            copies = []
            for j in range(gpc_rows):
                copies.append(pltpu.async_copy(
                    table_hbm.at[idx_v.at[r0 + j]],
                    rows_v.at[pl.ds(j * G, G)],
                    gsem))
            for cp in copies:
                cp.wait()
            pltpu.sync_copy(rows_v, out_hbm.at[pl.ds(out_row0 + ci * ch, ch)])
            return carry

        lax.fori_loop(0, n_chunks, chunk, 0)

    return sc_gather


def _score_body(d_ref, q_ref, w_ref, b_ref, out_ref):
    BB = out_ref.shape[0]
    D = d_ref.shape[1]
    LD = d_ref.shape[0] // BB
    LQ = q_ref.shape[0] // BB
    d = d_ref[...]
    q = q_ref[...]
    qn = q / (jnp.sqrt(jnp.sum(q * q, axis=1, keepdims=True)) + 1e-10)
    sqd = d * d
    ones = jnp.ones((1, D), jnp.float32)
    w = w_ref[0, 0]
    b = b_ref[0, 0]
    for bi in range(BB):
        qb = lax.slice(qn, (bi * LQ, 0), ((bi + 1) * LQ, D))
        db = lax.slice(d, (bi * LD, 0), ((bi + 1) * LD, D))
        sb = lax.slice(sqd, (bi * LD, 0), ((bi + 1) * LD, D))
        raw = lax.dot_general(qb, db, (((1,), (1,)), ((), ())),
                              preferred_element_type=jnp.float32)
        nd = lax.dot_general(ones, sb, (((1,), (1,)), ((), ())),
                             preferred_element_type=jnp.float32)
        sim = raw * (1.0 / (jnp.sqrt(nd) + 1e-10))
        mx = jnp.max(sim, axis=1)
        pooled = jnp.sum(mx)
        out_ref[bi, :] = jnp.full((D,), pooled * w + b, dtype=jnp.float32)


NUM_SLABS = 1
BB = 64
GPC = 5


def kernel(query_tokens, document_tokens, embedding_table, score_w, score_b):
    B, LQ = query_tokens.shape
    _, LD = document_tokens.shape
    V, D = embedding_table.shape
    table = embedding_table.astype(jnp.float32)
    w2d = jnp.reshape(score_w, (1, 1)).astype(jnp.float32)
    b2d = jnp.reshape(score_b, (1, 1)).astype(jnp.float32)
    qt = query_tokens.astype(jnp.int32)
    dt = document_tokens.astype(jnp.int32)

    S = NUM_SLABS
    Bs = B // S
    assert Bs * S == B and Bs % BB == 0
    ND = Bs * LD
    n_s = ND + Bs * LQ
    grain = NW * G * GPC
    n_pad = ((n_s + grain - 1) // grain) * grain
    per_w = n_pad // NW
    rows_per_w = per_w // G
    gpc_rows = GPC
    n_chunks = rows_per_w // gpc_rows

    sc_gather = _make_sc_gather(V, D, n_pad, per_w, gpc_rows, n_chunks)
    q_blk0 = ND // (BB * LQ)

    outs = []
    for s in range(S):
        dts = lax.slice(dt, (s * Bs, 0), ((s + 1) * Bs, LD))
        qts = lax.slice(qt, (s * Bs, 0), ((s + 1) * Bs, LQ))
        idx = jnp.concatenate([
            dts.reshape(-1), qts.reshape(-1),
            jnp.arange(n_pad - n_s, dtype=jnp.int32)])
        gathered = sc_gather(table, idx.reshape(NW, rows_per_w, G))
        out = pl.pallas_call(
            _score_body,
            grid=(Bs // BB,),
            in_specs=[
                pl.BlockSpec((BB * LD, D), lambda i: (i, 0)),
                pl.BlockSpec((BB * LQ, D), lambda i: (i + q_blk0, 0)),
                pl.BlockSpec(memory_space=pltpu.SMEM),
                pl.BlockSpec(memory_space=pltpu.SMEM),
            ],
            out_specs=pl.BlockSpec((BB, D), lambda i: (i, 0)),
            out_shape=jax.ShapeDtypeStruct((Bs, D), jnp.float32),
            compiler_params=pltpu.CompilerParams(
                dimension_semantics=("parallel",)),
        )(gathered, gathered, w2d, b2d)
        outs.append(out[:, 0])
    return jnp.concatenate(outs)

# --- scband reference (transcript-rebuilt; emitter-appended) ---
"""Pipeline reference for scband-neural-ir-encoder-34084860461082 (READ-ONLY COPY).

The authoritative reference and input builder live on the scoring server;
editing this copy changes nothing except your own understanding.
"""

import jax, jax.numpy as jnp
import numpy as np

VOCAB = 100000
DIM = 128
B = 1024
LQ = 20
LD = 200


def setup_inputs(seed: int = 0) -> dict:
    key = jax.random.key(seed)
    k1, k2, k3, k4, k5 = jax.random.split(key, 5)
    query_tokens = jax.random.randint(k1, (B, LQ), 0, VOCAB)
    document_tokens = jax.random.randint(k2, (B, LD), 0, VOCAB)
    embedding_table = jax.random.normal(k3, (VOCAB, DIM), dtype=jnp.float32) * 0.02
    # zero out padding row (padding_idx=0)
    embedding_table = embedding_table.at[0].set(0.0)
    score_w = jax.random.normal(k4, (), dtype=jnp.float32)
    score_b = jax.random.normal(k5, (), dtype=jnp.float32) * 0.1
    return {
        "query_tokens": query_tokens,
        "document_tokens": document_tokens,
        "embedding_table": embedding_table,
        "score_w": score_w,
        "score_b": score_b,
    }


def reference(query_tokens, document_tokens, embedding_table, score_w, score_b):
    # word_embeddings lookup (TextFieldEmbedder on token ids)
    q_emb = jnp.take(embedding_table, query_tokens, axis=0)   # [B, LQ, D]
    d_emb = jnp.take(embedding_table, document_tokens, axis=0)  # [B, LD, D]
    # masks derived from token ids > 0 (2-D token tensors branch)
    q_mask = (query_tokens > 0).astype(q_emb.dtype)   # [B, LQ]
    d_mask = (document_tokens > 0).astype(d_emb.dtype)  # [B, LD]
    # inner neural IR model: cosine-sim max-pool match scorer
    qn = q_emb / (jnp.linalg.norm(q_emb, axis=-1, keepdims=True) + 1e-10)
    dn = d_emb / (jnp.linalg.norm(d_emb, axis=-1, keepdims=True) + 1e-10)
    sim = jnp.einsum('bqd,bkd->bqk', qn, dn)  # [B, LQ, LD]
    sim = sim * d_mask[:, None, :]
    max_sim = jnp.max(sim, axis=2)            # [B, LQ]
    pooled = jnp.sum(max_sim * q_mask, axis=1)  # [B]
    score = pooled * score_w + score_b        # [B]
    return score

if __name__ == "__main__":
    import jax
    _d = setup_inputs()
    print(jax.jit(kernel)(*tuple(_d.values())))

</pallas_src>

<mosaic_0001>
#map = affine_map<(d0, d1) -> (0, 0)>
#map1 = affine_map<(d0, d1) -> (0, 0, 0)>
module attributes {stable_mosaic.version = 14 : i64} {
  func.func @sc_gather(%arg0: i32, %arg1: i32, %arg2: memref<100000x128xf32, #tpu.memory_space<hbm>>, %arg3: memref<32x55x128xi32, #tpu.memory_space<hbm>>, %arg4: memref<225280x128xf32, #tpu.memory_space<hbm>>, %arg5: memref<55x128xi32, #tpu.memory_space<vmem>>, %arg6: memref<640x128xf32, #tpu.memory_space<vmem>>, %arg7: memref<!tpu.dma_semaphore, #tpu.memory_space<semaphore_mem>>) attributes {dimension_semantics = [#tpu.dimension_semantics<core_parallel>, #tpu.dimension_semantics<subcore_parallel>], iteration_bounds = array<i64: 2, 16>, scalar_prefetch = 0 : i64, scratch_operands = 3 : i64, tpu.core_type = #tpu.core_type<sc_vector_subcore>, window_params = [{transform_indices = #map}, {transform_indices = #map1}, {transform_indices = #map}]} {
    %mul3A = arith.constant 2 : i32
    %mul3A_0 = arith.muli %arg1, %mul3A : i32
    %add3A = arith.addi %mul3A_0, %arg0 : i32
    %mul3A_1 = arith.constant 7040 : i32
    %mul3A_2 = arith.muli %add3A, %mul3A_1 : i32
    "tpu.region"() ({
      %run_scoped3A = tpu.sem_alloc : memref<!tpu.dma_semaphore, #tpu.memory_space<semaphore_mem>>
      %dma_start3A = arith.constant 0 : i32
      %dma_start3A_8 = arith.constant 0 : i32
      %dma_start3A_9 = tpu.memref_slice %arg3[%add3A, %dma_start3A, %dma_start3A_8] : memref<32x55x128xi32, #tpu.memory_space<hbm>> -> memref<1x55x128xi32, #tpu.memory_space<hbm>>
      %dma_start3A_10 = tpu.memref_squeeze %dma_start3A_9 : memref<1x55x128xi32, #tpu.memory_space<hbm>> -> memref<55x128xi32, #tpu.memory_space<hbm>>
      %dma_start3A_11 = arith.constant 0 : i32
      %dma_start3A_12 = arith.constant 0 : i32
      %dma_start3A_13 = tpu.memref_slice %arg3[%add3A, %dma_start3A_11, %dma_start3A_12] : memref<32x55x128xi32, #tpu.memory_space<hbm>> -> memref<1x55x128xi32, #tpu.memory_space<hbm>>
      %dma_start3A_14 = tpu.memref_squeeze %dma_start3A_13 : memref<1x55x128xi32, #tpu.memory_space<hbm>> -> memref<55x128xi32, #tpu.memory_space<hbm>>
      tpu.enqueue_dma source(%dma_start3A_14 : memref<55x128xi32, #tpu.memory_space<hbm>>) target(%arg5 : memref<55x128xi32, #tpu.memory_space<vmem>>) target_semaphore(%run_scoped3A : memref<!tpu.dma_semaphore, #tpu.memory_space<semaphore_mem>>)
      %dma_wait3A = arith.constant 0 : i32
      %dma_wait3A_15 = arith.constant 0 : i32
      %dma_wait3A_16 = tpu.memref_slice %arg3[%add3A, %dma_wait3A, %dma_wait3A_15] : memref<32x55x128xi32, #tpu.memory_space<hbm>> -> memref<1x55x128xi32, #tpu.memory_space<hbm>>
      %dma_wait3A_17 = tpu.memref_squeeze %dma_wait3A_16 : memref<1x55x128xi32, #tpu.memory_space<hbm>> -> memref<55x128xi32, #tpu.memory_space<hbm>>
      %dma_wait3A_18 = arith.constant 0 : i32
      %dma_wait3A_19 = arith.constant 0 : i32
      %dma_wait3A_20 = tpu.memref_slice %arg3[%add3A, %dma_wait3A_18, %dma_wait3A_19] : memref<32x55x128xi32, #tpu.memory_space<hbm>> -> memref<1x55x128xi32, #tpu.memory_space<hbm>>
      %dma_wait3A_21 = tpu.memref_squeeze %dma_wait3A_20 : memref<1x55x128xi32, #tpu.memory_space<hbm>> -> memref<55x128xi32, #tpu.memory_space<hbm>>
      tpu.wait_dma2 semaphore(%run_scoped3A : memref<!tpu.dma_semaphore, #tpu.memory_space<semaphore_mem>>) src(%dma_wait3A_21 : memref<55x128xi32, #tpu.memory_space<hbm>>) dst(%arg5 : memref<55x128xi32, #tpu.memory_space<vmem>>)
      tpu.yield
    }) : () -> ()
    %scan3A = arith.constant 0 : i32
    %scan3A_3 = arith.constant 0 : i32
    %scan3A_4 = arith.constant 11 : i32
    %scan3A_5 = arith.addi %scan3A_3, %scan3A_4 : i32
    %scan3A_6 = arith.constant 1 : i32
    scf.for %scan3A_8 = %scan3A_3 to %scan3A_5 step %scan3A_6  : i32 {
      %mul3A_9 = arith.constant 5 : i32
      %mul3A_10 = arith.muli %scan3A_8, %mul3A_9 : i32
      %add3A_11 = arith.constant 0 : i32
      %add3A_12 = arith.addi %mul3A_10, %add3A_11 : i32
      %dma_start3A = arith.constant 0 : i32
      %dma_start3A_13 = arith.constant 0 : i32
      %dma_start3A_14 = tpu.memref_slice %arg6[%dma_start3A, %dma_start3A_13] : memref<640x128xf32, #tpu.memory_space<vmem>> -> memref<128x128xf32, #tpu.memory_space<vmem>>
      %dma_start3A_15 = arith.constant 0 : i32
      %dma_start3A_16 = tpu.memref_slice %arg5[%add3A_12, %dma_start3A_15] : memref<55x128xi32, #tpu.memory_space<vmem>> -> memref<1x128xi32, #tpu.memory_space<vmem>>
      %dma_start3A_17 = tpu.memref_squeeze %dma_start3A_16 : memref<1x128xi32, #tpu.memory_space<vmem>> -> memref<128xi32, #tpu.memory_space<vmem>>
      %dma_start3A_18 = arith.constant 0 : i32
      %dma_start3A_19 = arith.constant 0 : i32
      %dma_start3A_20 = tpu.memref_slice %arg2[%dma_start3A_18, %dma_start3A_19] : memref<100000x128xf32, #tpu.memory_space<hbm>> -> memref<100000x128xf32, #tpu.memory_space<hbm>>
      tpu.enqueue_indirect_dma source(%dma_start3A_20 : memref<100000x128xf32, #tpu.memory_space<hbm>>) target(%dma_start3A_14 : memref<128x128xf32, #tpu.memory_space<vmem>>) offsets(%dma_start3A_17 : memref<128xi32, #tpu.memory_space<vmem>>) semaphore(%arg7 : memref<!tpu.dma_semaphore, #tpu.memory_space<semaphore_mem>>)
      %add3A_21 = arith.constant 1 : i32
      %add3A_22 = arith.addi %mul3A_10, %add3A_21 : i32
      %dma_start3A_23 = arith.constant 128 : i32
      %dma_start3A_24 = arith.constant 0 : i32
      %dma_start3A_25 = tpu.memref_slice %arg6[%dma_start3A_23, %dma_start3A_24] : memref<640x128xf32, #tpu.memory_space<vmem>> -> memref<128x128xf32, #tpu.memory_space<vmem>>
      %dma_start3A_26 = arith.constant 0 : i32
      %dma_start3A_27 = tpu.memref_slice %arg5[%add3A_22, %dma_start3A_26] : memref<55x128xi32, #tpu.memory_space<vmem>> -> memref<1x128xi32, #tpu.memory_space<vmem>>
      %dma_start3A_28 = tpu.memref_squeeze %dma_start3A_27 : memref<1x128xi32, #tpu.memory_space<vmem>> -> memref<128xi32, #tpu.memory_space<vmem>>
      %dma_start3A_29 = arith.constant 0 : i32
      %dma_start3A_30 = arith.constant 0 : i32
      %dma_start3A_31 = tpu.memref_slice %arg2[%dma_start3A_29, %dma_start3A_30] : memref<100000x128xf32, #tpu.memory_space<hbm>> -> memref<100000x128xf32, #tpu.memory_space<hbm>>
      tpu.enqueue_indirect_dma source(%dma_start3A_31 : memref<100000x128xf32, #tpu.memory_space<hbm>>) target(%dma_start3A_25 : memref<128x128xf32, #tpu.memory_space<vmem>>) offsets(%dma_start3A_28 : memref<128xi32, #tpu.memory_space<vmem>>) semaphore(%arg7 : memref<!tpu.dma_semaphore, #tpu.memory_space<semaphore_mem>>)
      %add3A_32 = arith.constant 2 : i32
      %add3A_33 = arith.addi %mul3A_10, %add3A_32 : i32
      %dma_start3A_34 = arith.constant 256 : i32
      %dma_start3A_35 = arith.constant 0 : i32
      %dma_start3A_36 = tpu.memref_slice %arg6[%dma_start3A_34, %dma_start3A_35] : memref<640x128xf32, #tpu.memory_space<vmem>> -> memref<128x128xf32, #tpu.memory_space<vmem>>
      %dma_start3A_37 = arith.constant 0 : i32
      %dma_start3A_38 = tpu.memref_slice %arg5[%add3A_33, %dma_start3A_37] : memref<55x128xi32, #tpu.memory_space<vmem>> -> memref<1x128xi32, #tpu.memory_space<vmem>>
      %dma_start3A_39 = tpu.memref_squeeze %dma_start3A_38 : memref<1x128xi32, #tpu.memory_space<vmem>> -> memref<128xi32, #tpu.memory_space<vmem>>
      %dma_start3A_40 = arith.constant 0 : i32
      %dma_start3A_41 = arith.constant 0 : i32
      %dma_start3A_42 = tpu.memref_slice %arg2[%dma_start3A_40, %dma_start3A_41] : memref<100000x128xf32, #tpu.memory_space<hbm>> -> memref<100000x128xf32, #tpu.memory_space<hbm>>
      tpu.enqueue_indirect_dma source(%dma_start3A_42 : memref<100000x128xf32, #tpu.memory_space<hbm>>) target(%dma_start3A_36 : memref<128x128xf32, #tpu.memory_space<vmem>>) offsets(%dma_start3A_39 : memref<128xi32, #tpu.memory_space<vmem>>) semaphore(%arg7 : memref<!tpu.dma_semaphore, #tpu.memory_space<semaphore_mem>>)
      %add3A_43 = arith.constant 3 : i32
      %add3A_44 = arith.addi %mul3A_10, %add3A_43 : i32
      %dma_start3A_45 = arith.constant 384 : i32
      %dma_start3A_46 = arith.constant 0 : i32
      %dma_start3A_47 = tpu.memref_slice %arg6[%dma_start3A_45, %dma_start3A_46] : memref<640x128xf32, #tpu.memory_space<vmem>> -> memref<128x128xf32, #tpu.memory_space<vmem>>
      %dma_start3A_48 = arith.constant 0 : i32
      %dma_start3A_49 = tpu.memref_slice %arg5[%add3A_44, %dma_start3A_48] : memref<55x128xi32, #tpu.memory_space<vmem>> -> memref<1x128xi32, #tpu.memory_space<vmem>>
      %dma_start3A_50 = tpu.memref_squeeze %dma_start3A_49 : memref<1x128xi32, #tpu.memory_space<vmem>> -> memref<128xi32, #tpu.memory_space<vmem>>
      %dma_start3A_51 = arith.constant 0 : i32
      %dma_start3A_52 = arith.constant 0 : i32
      %dma_start3A_53 = tpu.memref_slice %arg2[%dma_start3A_51, %dma_start3A_52] : memref<100000x128xf32, #tpu.memory_space<hbm>> -> memref<100000x128xf32, #tpu.memory_space<hbm>>
      tpu.enqueue_indirect_dma source(%dma_start3A_53 : memref<100000x128xf32, #tpu.memory_space<hbm>>) target(%dma_start3A_47 : memref<128x128xf32, #tpu.memory_space<vmem>>) offsets(%dma_start3A_50 : memref<128xi32, #tpu.memory_space<vmem>>) semaphore(%arg7 : memref<!tpu.dma_semaphore, #tpu.memory_space<semaphore_mem>>)
      %add3A_54 = arith.constant 4 : i32
      %add3A_55 = arith.addi %mul3A_10, %add3A_54 : i32
      %dma_start3A_56 = arith.constant 512 : i32
      %dma_start3A_57 = arith.constant 0 : i32
      %dma_start3A_58 = tpu.memref_slice %arg6[%dma_start3A_56, %dma_start3A_57] : memref<640x128xf32, #tpu.memory_space<vmem>> -> memref<128x128xf32, #tpu.memory_space<vmem>>
      %dma_start3A_59 = arith.constant 0 : i32
      %dma_start3A_60 = tpu.memref_slice %arg5[%add3A_55, %dma_start3A_59] : memref<55x128xi32, #tpu.memory_space<vmem>> -> memref<1x128xi32, #tpu.memory_space<vmem>>
      %dma_start3A_61 = tpu.memref_squeeze %dma_start3A_60 : memref<1x128xi32, #tpu.memory_space<vmem>> -> memref<128xi32, #tpu.memory_space<vmem>>
      %dma_start3A_62 = arith.constant 0 : i32
      %dma_start3A_63 = arith.constant 0 : i32
      %dma_start3A_64 = tpu.memref_slice %arg2[%dma_start3A_62, %dma_start3A_63] : memref<100000x128xf32, #tpu.memory_space<hbm>> -> memref<100000x128xf32, #tpu.memory_space<hbm>>
      tpu.enqueue_indirect_dma source(%dma_start3A_64 : memref<100000x128xf32, #tpu.memory_space<hbm>>) target(%dma_start3A_58 : memref<128x128xf32, #tpu.memory_space<vmem>>) offsets(%dma_start3A_61 : memref<128xi32, #tpu.memory_space<vmem>>) semaphore(%arg7 : memref<!tpu.dma_semaphore, #tpu.memory_space<semaphore_mem>>)
      %dma_wait3A = arith.constant 0 : i32
      %dma_wait3A_65 = arith.constant 0 : i32
      %dma_wait3A_66 = tpu.memref_slice %arg6[%dma_wait3A, %dma_wait3A_65] : memref<640x128xf32, #tpu.memory_space<vmem>> -> memref<128x128xf32, #tpu.memory_space<vmem>>
      %dma_wait3A_67 = arith.constant 0 : i32
      %dma_wait3A_68 = tpu.memref_slice %arg5[%add3A_12, %dma_wait3A_67] : memref<55x128xi32, #tpu.memory_space<vmem>> -> memref<1x128xi32, #tpu.memory_space<vmem>>
      %dma_wait3A_69 = tpu.memref_squeeze %dma_wait3A_68 : memref<1x128xi32, #tpu.memory_space<vmem>> -> memref<128xi32, #tpu.memory_space<vmem>>
      %dma_wait3A_70 = arith.constant 0 : i32
      %dma_wait3A_71 = arith.constant 0 : i32
      %dma_wait3A_72 = tpu.memref_slice %arg2[%dma_wait3A_70, %dma_wait3A_71] : memref<100000x128xf32, #tpu.memory_space<hbm>> -> memref<100000x128xf32, #tpu.memory_space<hbm>>
      tpu.wait_indirect_dma semaphore(%arg7 : memref<!tpu.dma_semaphore, #tpu.memory_space<semaphore_mem>>) src(%dma_wait3A_72 : memref<100000x128xf32, #tpu.memory_space<hbm>>) dst(%dma_wait3A_66 : memref<128x128xf32, #tpu.memory_space<vmem>>)
      %dma_wait3A_73 = arith.constant 128 : i32
      %dma_wait3A_74 = arith.constant 0 : i32
      %dma_wait3A_75 = tpu.memref_slice %arg6[%dma_wait3A_73, %dma_wait3A_74] : memref<640x128xf32, #tpu.memory_space<vmem>> -> memref<128x128xf32, #tpu.memory_space<vmem>>
      %dma_wait3A_76 = arith.constant 0 : i32
      %dma_wait3A_77 = tpu.memref_slice %arg5[%add3A_22, %dma_wait3A_76] : memref<55x128xi32, #tpu.memory_space<vmem>> -> memref<1x128xi32, #tpu.memory_space<vmem>>
      %dma_wait3A_78 = tpu.memref_squeeze %dma_wait3A_77 : memref<1x128xi32, #tpu.memory_space<vmem>> -> memref<128xi32, #tpu.memory_space<vmem>>
      %dma_wait3A_79 = arith.constant 0 : i32
      %dma_wait3A_80 = arith.constant 0 : i32
      %dma_wait3A_81 = tpu.memref_slice %arg2[%dma_wait3A_79, %dma_wait3A_80] : memref<100000x128xf32, #tpu.memory_space<hbm>> -> memref<100000x128xf32, #tpu.memory_space<hbm>>
      tpu.wait_indirect_dma semaphore(%arg7 : memref<!tpu.dma_semaphore, #tpu.memory_space<semaphore_mem>>) src(%dma_wait3A_81 : memref<100000x128xf32, #tpu.memory_space<hbm>>) dst(%dma_wait3A_75 : memref<128x128xf32, #tpu.memory_space<vmem>>)
      %dma_wait3A_82 = arith.constant 256 : i32
      %dma_wait3A_83 = arith.constant 0 : i32
      %dma_wait3A_84 = tpu.memref_slice %arg6[%dma_wait3A_82, %dma_wait3A_83] : memref<640x128xf32, #tpu.memory_space<vmem>> -> memref<128x128xf32, #tpu.memory_space<vmem>>
      %dma_wait3A_85 = arith.constant 0 : i32
      %dma_wait3A_86 = tpu.memref_slice %arg5[%add3A_33, %dma_wait3A_85] : memref<55x128xi32, #tpu.memory_space<vmem>> -> memref<1x128xi32, #tpu.memory_space<vmem>>
      %dma_wait3A_87 = tpu.memref_squeeze %dma_wait3A_86 : memref<1x128xi32, #tpu.memory_space<vmem>> -> memref<128xi32, #tpu.memory_space<vmem>>
      %dma_wait3A_88 = arith.constant 0 : i32
      %dma_wait3A_89 = arith.constant 0 : i32
      %dma_wait3A_90 = tpu.memref_slice %arg2[%dma_wait3A_88, %dma_wait3A_89] : memref<100000x128xf32, #tpu.memory_space<hbm>> -> memref<100000x128xf32, #tpu.memory_space<hbm>>
      tpu.wait_indirect_dma semaphore(%arg7 : memref<!tpu.dma_semaphore, #tpu.memory_space<semaphore_mem>>) src(%dma_wait3A_90 : memref<100000x128xf32, #tpu.memory_space<hbm>>) dst(%dma_wait3A_84 : memref<128x128xf32, #tpu.memory_space<vmem>>)
      %dma_wait3A_91 = arith.constant 384 : i32
      %dma_wait3A_92 = arith.constant 0 : i32
      %dma_wait3A_93 = tpu.memref_slice %arg6[%dma_wait3A_91, %dma_wait3A_92] : memref<640x128xf32, #tpu.memory_space<vmem>> -> memref<128x128xf32, #tpu.memory_space<vmem>>
      %dma_wait3A_94 = arith.constant 0 : i32
      %dma_wait3A_95 = tpu.memref_slice %arg5[%add3A_44, %dma_wait3A_94] : memref<55x128xi32, #tpu.memory_space<vmem>> -> memref<1x128xi32, #tpu.memory_space<vmem>>
      %dma_wait3A_96 = tpu.memref_squeeze %dma_wait3A_95 : memref<1x128xi32, #tpu.memory_space<vmem>> -> memref<128xi32, #tpu.memory_space<vmem>>
      %dma_wait3A_97 = arith.constant 0 : i32
      %dma_wait3A_98 = arith.constant 0 : i32
      %dma_wait3A_99 = tpu.memref_slice %arg2[%dma_wait3A_97, %dma_wait3A_98] : memref<100000x128xf32, #tpu.memory_space<hbm>> -> memref<100000x128xf32, #tpu.memory_space<hbm>>
      tpu.wait_indirect_dma semaphore(%arg7 : memref<!tpu.dma_semaphore, #tpu.memory_space<semaphore_mem>>) src(%dma_wait3A_99 : memref<100000x128xf32, #tpu.memory_space<hbm>>) dst(%dma_wait3A_93 : memref<128x128xf32, #tpu.memory_space<vmem>>)
      %dma_wait3A_100 = arith.constant 512 : i32
      %dma_wait3A_101 = arith.constant 0 : i32
      %dma_wait3A_102 = tpu.memref_slice %arg6[%dma_wait3A_100, %dma_wait3A_101] : memref<640x128xf32, #tpu.memory_space<vmem>> -> memref<128x128xf32, #tpu.memory_space<vmem>>
      %dma_wait3A_103 = arith.constant 0 : i32
      %dma_wait3A_104 = tpu.memref_slice %arg5[%add3A_55, %dma_wait3A_103] : memref<55x128xi32, #tpu.memory_space<vmem>> -> memref<1x128xi32, #tpu.memory_space<vmem>>
      %dma_wait3A_105 = tpu.memref_squeeze %dma_wait3A_104 : memref<1x128xi32, #tpu.memory_space<vmem>> -> memref<128xi32, #tpu.memory_space<vmem>>
      %dma_wait3A_106 = arith.constant 0 : i32
      %dma_wait3A_107 = arith.constant 0 : i32
      %dma_wait3A_108 = tpu.memref_slice %arg2[%dma_wait3A_106, %dma_wait3A_107] : memref<100000x128xf32, #tpu.memory_space<hbm>> -> memref<100000x128xf32, #tpu.memory_space<hbm>>
      tpu.wait_indirect_dma semaphore(%arg7 : memref<!tpu.dma_semaphore, #tpu.memory_space<semaphore_mem>>) src(%dma_wait3A_108 : memref<100000x128xf32, #tpu.memory_space<hbm>>) dst(%dma_wait3A_102 : memref<128x128xf32, #tpu.memory_space<vmem>>)
      %mul3A_109 = arith.constant 640 : i32
      %mul3A_110 = arith.muli %scan3A_8, %mul3A_109 : i32
      %add3A_111 = arith.addi %mul3A_2, %mul3A_110 : i32
      "tpu.region"() ({
        %run_scoped3A = tpu.sem_alloc : memref<!tpu.dma_semaphore, #tpu.memory_space<semaphore_mem>>
        %dma_start3A_112 = arith.constant 0 : i32
        %dma_start3A_113 = tpu.memref_slice %arg4[%add3A_111, %dma_start3A_112] : memref<225280x128xf32, #tpu.memory_space<hbm>> -> memref<640x128xf32, #tpu.memory_space<hbm>>
        %dma_start3A_114 = arith.constant 0 : i32
        %dma_start3A_115 = tpu.memref_slice %arg4[%add3A_111, %dma_start3A_114] : memref<225280x128xf32, #tpu.memory_space<hbm>> -> memref<640x128xf32, #tpu.memory_space<hbm>>
        tpu.enqueue_dma source(%arg6 : memref<640x128xf32, #tpu.memory_space<vmem>>) target(%dma_start3A_115 : memref<640x128xf32, #tpu.memory_space<hbm>>) target_semaphore(%run_scoped3A : memref<!tpu.dma_semaphore, #tpu.memory_space<semaphore_mem>>)
        %dma_wait3A_116 = arith.constant 0 : i32
        %dma_wait3A_117 = tpu.memref_slice %arg4[%add3A_111, %dma_wait3A_116] : memref<225280x128xf32, #tpu.memory_space<hbm>> -> memref<640x128xf32, #tpu.memory_space<hbm>>
        %dma_wait3A_118 = arith.constant 0 : i32
        %dma_wait3A_119 = tpu.memref_slice %arg4[%add3A_111, %dma_wait3A_118] : memref<225280x128xf32, #tpu.memory_space<hbm>> -> memref<640x128xf32, #tpu.memory_space<hbm>>
        tpu.wait_dma2 semaphore(%run_scoped3A : memref<!tpu.dma_semaphore, #tpu.memory_space<semaphore_mem>>) src(%arg6 : memref<640x128xf32, #tpu.memory_space<vmem>>) dst(%dma_wait3A_119 : memref<640x128xf32, #tpu.memory_space<hbm>>)
        tpu.yield
      }) : () -> ()
    }
    %scan3A_7 = arith.constant 11 : i32
    return
  }
}

module attributes {stable_mosaic.version = 14 : i64} {
  func.func @_score_body(%arg0: i32, %arg1: memref<12800x128xf32, #tpu.memory_space<vmem>>, %arg2: memref<1280x128xf32, #tpu.memory_space<vmem>>, %arg3: memref<1x1xf32, #tpu.memory_space<smem>>, %arg4: memref<1x1xf32, #tpu.memory_space<smem>>, %arg5: memref<64x128xf32, #tpu.memory_space<vmem>>) attributes {dimension_semantics = [#tpu.dimension_semantics<parallel>], iteration_bounds = array<i64: 16>, scalar_prefetch = 0 : i64, scratch_operands = 0 : i64, tpu.core_type = #tpu.core_type<tc>, window_params = [{transform_indices = @transform_0, window_bounds = array<i64: 12800, 128>}, {transform_indices = @transform_1, window_bounds = array<i64: 1280, 128>}, {transform_indices = @transform_2, window_bounds = array<i64: 1, 1>}, {transform_indices = @transform_3, window_bounds = array<i64: 1, 1>}, {transform_indices = @transform_4, window_bounds = array<i64: 64, 128>}]} {
    %get3A = arith.constant 0 : index
    %get3A_0 = arith.constant 0 : index
    %get3A_1 = vector.load %arg1[%get3A, %get3A_0] : memref<12800x128xf32, #tpu.memory_space<vmem>>, vector<12800x128xf32>
    %get3A_2 = arith.constant 0 : index
    %get3A_3 = arith.constant 0 : index
    %get3A_4 = vector.load %arg2[%get3A_2, %get3A_3] : memref<1280x128xf32, #tpu.memory_space<vmem>>, vector<1280x128xf32>
    %mul3A = arith.mulf %get3A_4, %get3A_4 : vector<1280x128xf32>
    %reduce_sum3A = arith.constant dense<0.000000e+00> : vector<1280xf32>
    %reduce_sum3A_5 = vector.multi_reduction <add>, %mul3A, %reduce_sum3A [1] : vector<1280x128xf32> to vector<1280xf32>
    %broadcast_in_dim3A = vector.shape_cast %reduce_sum3A_5 : vector<1280xf32> to vector<1280x1xf32>
    %sqrt3A = math.sqrt %broadcast_in_dim3A : vector<1280x1xf32>
    %add3A = arith.constant 1.000000e-10 : f32
    %add3A_6 = vector.broadcast %add3A : f32 to vector<1280x1xf32>
    %add3A_7 = arith.addf %sqrt3A, %add3A_6 : vector<1280x1xf32>
    %div3A = vector.broadcast %add3A_7 : vector<1280x1xf32> to vector<1280x128xf32>
    %div3A_8 = arith.divf %get3A_4, %div3A : vector<1280x128xf32>
    %mul3A_9 = arith.mulf %get3A_1, %get3A_1 : vector<12800x128xf32>
    %broadcast_in_dim3A_10 = arith.constant 1.000000e+00 : f32
    %broadcast_in_dim3A_11 = vector.broadcast %broadcast_in_dim3A_10 : f32 to vector<1x128xf32>
    %get3A_12 = arith.constant 0 : index
    %get3A_13 = arith.constant 0 : index
    %get3A_14 = memref.load %arg3[%get3A_12, %get3A_13] : memref<1x1xf32, #tpu.memory_space<smem>>
    %get3A_15 = arith.constant 0 : index
    %get3A_16 = arith.constant 0 : index
    %get3A_17 = memref.load %arg4[%get3A_15, %get3A_16] : memref<1x1xf32, #tpu.memory_space<smem>>
    %slice3A = vector.extract_strided_slice %div3A_8 {offsets = [0, 0], sizes = [20, 128], strides = [1, 1]} : vector<1280x128xf32> to vector<20x128xf32>
    %slice3A_18 = vector.extract_strided_slice %get3A_1 {offsets = [0, 0], sizes = [200, 128], strides = [1, 1]} : vector<12800x128xf32> to vector<200x128xf32>
    %slice3A_19 = vector.extract_strided_slice %mul3A_9 {offsets = [0, 0], sizes = [200, 128], strides = [1, 1]} : vector<12800x128xf32> to vector<200x128xf32>
    %dot_general3A = arith.constant dense<0.000000e+00> : vector<20x200xf32>
    %dot_general3A_20 = tpu.matmul %slice3A, %slice3A_18, %dot_general3A {dimension_numbers = #tpu.dot_dimension_numbers<[1], [1], [0], [0], [0, 0, 1, 0], [], []>, transpose_lhs_hint = false} : vector<20x128xf32>, vector<200x128xf32>, vector<20x200xf32> -> vector<20x200xf32>
    %dot_general3A_21 = arith.constant dense<0.000000e+00> : vector<1x200xf32>
    %dot_general3A_22 = tpu.matmul %broadcast_in_dim3A_11, %slice3A_19, %dot_general3A_21 {dimension_numbers = #tpu.dot_dimension_numbers<[1], [1], [0], [0], [0, 0, 1, 0], [], []>, transpose_lhs_hint = false} : vector<1x128xf32>, vector<200x128xf32>, vector<1x200xf32> -> vector<1x200xf32>
    %sqrt3A_23 = math.sqrt %dot_general3A_22 : vector<1x200xf32>
    %add3A_24 = arith.constant 1.000000e-10 : f32
    %add3A_25 = vector.broadcast %add3A_24 : f32 to vector<1x200xf32>
    %add3A_26 = arith.addf %sqrt3A_23, %add3A_25 : vector<1x200xf32>
    %div3A_27 = arith.constant 1.000000e+00 : f32
    %div3A_28 = vector.broadcast %div3A_27 : f32 to vector<1x200xf32>
    %div3A_29 = arith.divf %div3A_28, %add3A_26 : vector<1x200xf32>
    %mul3A_30 = vector.broadcast %div3A_29 : vector<1x200xf32> to vector<20x200xf32>
    %mul3A_31 = arith.mulf %dot_general3A_20, %mul3A_30 : vector<20x200xf32>
    %reduce_max3A = arith.constant dense<0xFF800000> : vector<20xf32>
    %reduce_max3A_32 = vector.multi_reduction <maximumf>, %mul3A_31, %reduce_max3A [1] : vector<20x200xf32> to vector<20xf32>
    %reduce_sum3A_33 = vector.shape_cast %reduce_max3A_32 : vector<20xf32> to vector<1x20xf32>
    %reduce_sum3A_34 = arith.constant dense<0.000000e+00> : vector<1xf32>
    %reduce_sum3A_35 = vector.multi_reduction <add>, %reduce_sum3A_33, %reduce_sum3A_34 [1] : vector<1x20xf32> to vector<1xf32>
    %reduce_sum3A_36 = vector.shape_cast %reduce_sum3A_35 : vector<1xf32> to vector<1x1xf32>
    %reduce_sum3A_37 = vector.extract %reduce_sum3A_36[0, 0] : f32 from vector<1x1xf32>
    %mul3A_38 = arith.mulf %reduce_sum3A_37, %get3A_14 : f32
    %add3A_39 = arith.addf %mul3A_38, %get3A_17 : f32
    %broadcast_in_dim3A_40 = vector.broadcast %add3A_39 : f32 to vector<128xf32>
    %swap3A = arith.constant 0 : index
    %swap3A_41 = arith.constant 0 : index
    %swap3A_42 = vector.load %arg5[%swap3A, %swap3A_41] : memref<64x128xf32, #tpu.memory_space<vmem>>, vector<1x128xf32>
    %swap3A_43 = vector.shape_cast %swap3A_42 : vector<1x128xf32> to vector<128xf32>
    %swap3A_44 = vector.shape_cast %broadcast_in_dim3A_40 : vector<128xf32> to vector<1x128xf32>
    tpu.vector_store %arg5[%swap3A, %swap3A_41], %swap3A_44 {strides = array<i32>} : memref<64x128xf32, #tpu.memory_space<vmem>>, vector<1x128xf32>,
    %slice3A_45 = vector.extract_strided_slice %div3A_8 {offsets = [20, 0], sizes = [20, 128], strides = [1, 1]} : vector<1280x128xf32> to vector<20x128xf32>
    %slice3A_46 = vector.extract_strided_slice %get3A_1 {offsets = [200, 0], sizes = [200, 128], strides = [1, 1]} : vector<12800x128xf32> to vector<200x128xf32>
    %slice3A_47 = vector.extract_strided_slice %mul3A_9 {offsets = [200, 0], sizes = [200, 128], strides = [1, 1]} : vector<12800x128xf32> to vector<200x128xf32>
    %dot_general3A_48 = arith.constant dense<0.000000e+00> : vector<20x200xf32>
    %dot_general3A_49 = tpu.matmul %slice3A_45, %slice3A_46, %dot_general3A_48 {dimension_numbers = #tpu.dot_dimension_numbers<[1], [1], [0], [0], [0, 0, 1, 0], [], []>, transpose_lhs_hint = false} : vector<20x128xf32>, vector<200x128xf32>, vector<20x200xf32> -> vector<20x200xf32>
    %dot_general3A_50 = arith.constant dense<0.000000e+00> : vector<1x200xf32>
    %dot_general3A_51 = tpu.matmul %broadcast_in_dim3A_11, %slice3A_47, %dot_general3A_50 {dimension_numbers = #tpu.dot_dimension_numbers<[1], [1], [0], [0], [0, 0, 1, 0], [], []>, transpose_lhs_hint = false} : vector<1x128xf32>, vector<200x128xf32>, vector<1x200xf32> -> vector<1x200xf32>
    %sqrt3A_52 = math.sqrt %dot_general3A_51 : vector<1x200xf32>
    %add3A_53 = arith.constant 1.000000e-10 : f32
    %add3A_54 = vector.broadcast %add3A_53 : f32 to vector<1x200xf32>
    %add3A_55 = arith.addf %sqrt3A_52, %add3A_54 : vector<1x200xf32>
    %div3A_56 = arith.constant 1.000000e+00 : f32
    %div3A_57 = vector.broadcast %div3A_56 : f32 to vector<1x200xf32>
    %div3A_58 = arith.divf %div3A_57, %add3A_55 : vector<1x200xf32>
    %mul3A_59 = vector.broadcast %div3A_58 : vector<1x200xf32> to vector<20x200xf32>
    %mul3A_60 = arith.mulf %dot_general3A_49, %mul3A_59 : vector<20x200xf32>
    %reduce_max3A_61 = arith.constant dense<0xFF800000> : vector<20xf32>
    %reduce_max3A_62 = vector.multi_reduction <maximumf>, %mul3A_60, %reduce_max3A_61 [1] : vector<20x200xf32> to vector<20xf32>
    %reduce_sum3A_63 = vector.shape_cast %reduce_max3A_62 : vector<20xf32> to vector<1x20xf32>
    %reduce_sum3A_64 = arith.constant dense<0.000000e+00> : vector<1xf32>
    %reduce_sum3A_65 = vector.multi_reduction <add>, %reduce_sum3A_63, %reduce_sum3A_64 [1] : vector<1x20xf32> to vector<1xf32>
    %reduce_sum3A_66 = vector.shape_cast %reduce_sum3A_65 : vector<1xf32> to vector<1x1xf32>
    %reduce_sum3A_67 = vector.extract %reduce_sum3A_66[0, 0] : f32 from vector<1x1xf32>
    %mul3A_68 = arith.mulf %reduce_sum3A_67, %get3A_14 : f32
    %add3A_69 = arith.addf %mul3A_68, %get3A_17 : f32
    %broadcast_in_dim3A_70 = vector.broadcast %add3A_69 : f32 to vector<128xf32>
    %swap3A_71 = arith.constant 1 : index
    %swap3A_72 = arith.constant 0 : index
    %swap3A_73 = vector.load %arg5[%swap3A_71, %swap3A_72] : memref<64x128xf32, #tpu.memory_space<vmem>>, vector<1x128xf32>
    %swap3A_74 = vector.shape_cast %swap3A_73 : vector<1x128xf32> to vector<128xf32>
    %swap3A_75 = vector.shape_cast %broadcast_in_dim3A_70 : vector<128xf32> to vector<1x128xf32>
    tpu.vector_store %arg5[%swap3A_71, %swap3A_72], %swap3A_75 {strides = array<i32>} : memref<64x128xf32, #tpu.memory_space<vmem>>, vector<1x128xf32>,
    %slice3A_76 = vector.extract_strided_slice %div3A_8 {offsets = [40, 0], sizes = [20, 128], strides = [1, 1]} : vector<1280x128xf32> to vector<20x128xf32>
    %slice3A_77 = vector.extract_strided_slice %get3A_1 {offsets = [400, 0], sizes = [200, 128], strides = [1, 1]} : vector<12800x128xf32> to vector<200x128xf32>
    %slice3A_78 = vector.extract_strided_slice %mul3A_9 {offsets = [400, 0], sizes = [200, 128], strides = [1, 1]} : vector<12800x128xf32> to vector<200x128xf32>
    %dot_general3A_79 = arith.constant dense<0.000000e+00> : vector<20x200xf32>
    %dot_general3A_80 = tpu.matmul %slice3A_76, %slice3A_77, %dot_general3A_79 {dimension_numbers = #tpu.dot_dimension_numbers<[1], [1], [0], [0], [0, 0, 1, 0], [], []>, transpose_lhs_hint = false} : vector<20x128xf32>, vector<200x128xf32>, vector<20x200xf32> -> vector<20x200xf32>
    %dot_general3A_81 = arith.constant dense<0.000000e+00> : vector<1x200xf32>
    %dot_general3A_82 = tpu.matmul %broadcast_in_dim3A_11, %slice3A_78, %dot_general3A_81 {dimension_numbers = #tpu.dot_dimension_numbers<[1], [1], [0], [0], [0, 0, 1, 0], [], []>, transpose_lhs_hint = false} : vector<1x128xf32>, vector<200x128xf32>, vector<1x200xf32> -> vector<1x200xf32>
    %sqrt3A_83 = math.sqrt %dot_general3A_82 : vector<1x200xf32>
    %add3A_84 = arith.constant 1.000000e-10 : f32
    %add3A_85 = vector.broadcast %add3A_84 : f32 to vector<1x200xf32>
    %add3A_86 = arith.addf %sqrt3A_83, %add3A_85 : vector<1x200xf32>
    %div3A_87 = arith.constant 1.000000e+00 : f32
    %div3A_88 = vector.broadcast %div3A_87 : f32 to vector<1x200xf32>
    %div3A_89 = arith.divf %div3A_88, %add3A_86 : vector<1x200xf32>
    %mul3A_90 = vector.broadcast %div3A_89 : vector<1x200xf32> to vector<20x200xf32>
    %mul3A_91 = arith.mulf %dot_general3A_80, %mul3A_90 : vector<20x200xf32>
    %reduce_max3A_92 = arith.constant dense<0xFF800000> : vector<20xf32>
    %reduce_max3A_93 = vector.multi_reduction <maximumf>, %mul3A_91, %reduce_max3A_92 [1] : vector<20x200xf32> to vector<20xf32>
    %reduce_sum3A_94 = vector.shape_cast %reduce_max3A_93 : vector<20xf32> to vector<1x20xf32>
    %reduce_sum3A_95 = arith.constant dense<0.000000e+00> : vector<1xf32>
    %reduce_sum3A_96 = vector.multi_reduction <add>, %reduce_sum3A_94, %reduce_sum3A_95 [1] : vector<1x20xf32> to vector<1xf32>
    %reduce_sum3A_97 = vector.shape_cast %reduce_sum3A_96 : vector<1xf32> to vector<1x1xf32>
    %reduce_sum3A_98 = vector.extract %reduce_sum3A_97[0, 0] : f32 from vector<1x1xf32>
    %mul3A_99 = arith.mulf %reduce_sum3A_98, %get3A_14 : f32
    %add3A_100 = arith.addf %mul3A_99, %get3A_17 : f32
    %broadcast_in_dim3A_101 = vector.broadcast %add3A_100 : f32 to vector<128xf32>
    %swap3A_102 = arith.constant 2 : index
    %swap3A_103 = arith.constant 0 : index
    %swap3A_104 = vector.load %arg5[%swap3A_102, %swap3A_103] : memref<64x128xf32, #tpu.memory_space<vmem>>, vector<1x128xf32>
    %swap3A_105 = vector.shape_cast %swap3A_104 : vector<1x128xf32> to vector<128xf32>
    %swap3A_106 = vector.shape_cast %broadcast_in_dim3A_101 : vector<128xf32> to vector<1x128xf32>
    tpu.vector_store %arg5[%swap3A_102, %swap3A_103], %swap3A_106 {strides = array<i32>} : memref<64x128xf32, #tpu.memory_space<vmem>>, vector<1x128xf32>,
    %slice3A_107 = vector.extract_strided_slice %div3A_8 {offsets = [60, 0], sizes = [20, 128], strides = [1, 1]} : vector<1280x128xf32> to vector<20x128xf32>
    %slice3A_108 = vector.extract_strided_slice %get3A_1 {offsets = [600, 0], sizes = [200, 128], strides = [1, 1]} : vector<12800x128xf32> to vector<200x128xf32>
    %slice3A_109 = vector.extract_strided_slice %mul3A_9 {offsets = [600, 0], sizes = [200, 128], strides = [1, 1]} : vector<12800x128xf32> to vector<200x128xf32>
    %dot_general3A_110 = arith.constant dense<0.000000e+00> : vector<20x200xf32>
    %dot_general3A_111 = tpu.matmul %slice3A_107, %slice3A_108, %dot_general3A_110 {dimension_numbers = #tpu.dot_dimension_numbers<[1], [1], [0], [0], [0, 0, 1, 0], [], []>, transpose_lhs_hint = false} : vector<20x128xf32>, vector<200x128xf32>, vector<20x200xf32> -> vector<20x200xf32>
    %dot_general3A_112 = arith.constant dense<0.000000e+00> : vector<1x200xf32>
    %dot_general3A_113 = tpu.matmul %broadcast_in_dim3A_11, %slice3A_109, %dot_general3A_112 {dimension_numbers = #tpu.dot_dimension_numbers<[1], [1], [0], [0], [0, 0, 1, 0], [], []>, transpose_lhs_hint = false} : vector<1x128xf32>, vector<200x128xf32>, vector<1x200xf32> -> vector<1x200xf32>
    %sqrt3A_114 = math.sqrt %dot_general3A_113 : vector<1x200xf32>
    %add3A_115 = arith.constant 1.000000e-10 : f32
    %add3A_116 = vector.broadcast %add3A_115 : f32 to vector<1x200xf32>
    %add3A_117 = arith.addf %sqrt3A_114, %add3A_116 : vector<1x200xf32>
    %div3A_118 = arith.constant 1.000000e+00 : f32
    %div3A_119 = vector.broadcast %div3A_118 : f32 to vector<1x200xf32>
    %div3A_120 = arith.divf %div3A_119, %add3A_117 : vector<1x200xf32>
    %mul3A_121 = vector.broadcast %div3A_120 : vector<1x200xf32> to vector<20x200xf32>
    %mul3A_122 = arith.mulf %dot_general3A_111, %mul3A_121 : vector<20x200xf32>
    %reduce_max3A_123 = arith.constant dense<0xFF800000> : vector<20xf32>
    %reduce_max3A_124 = vector.multi_reduction <maximumf>, %mul3A_122, %reduce_max3A_123 [1] : vector<20x200xf32> to vector<20xf32>
    %reduce_sum3A_125 = vector.shape_cast %reduce_max3A_124 : vector<20xf32> to vector<1x20xf32>
    %reduce_sum3A_126 = arith.constant dense<0.000000e+00> : vector<1xf32>
    %reduce_sum3A_127 = vector.multi_reduction <add>, %reduce_sum3A_125, %reduce_sum3A_126 [1] : vector<1x20xf32> to vector<1xf32>
    %reduce_sum3A_128 = vector.shape_cast %reduce_sum3A_127 : vector<1xf32> to vector<1x1xf32>
    %reduce_sum3A_129 = vector.extract %reduce_sum3A_128[0, 0] : f32 from vector<1x1xf32>
    %mul3A_130 = arith.mulf %reduce_sum3A_129, %get3A_14 : f32
    %add3A_131 = arith.addf %mul3A_130, %get3A_17 : f32
    %broadcast_in_dim3A_132 = vector.broadcast %add3A_131 : f32 to vector<128xf32>
    %swap3A_133 = arith.constant 3 : index
    %swap3A_134 = arith.constant 0 : index
    %swap3A_135 = vector.load %arg5[%swap3A_133, %swap3A_134] : memref<64x128xf32, #tpu.memory_space<vmem>>, vector<1x128xf32>
    %swap3A_136 = vector.shape_cast %swap3A_135 : vector<1x128xf32> to vector<128xf32>
    %swap3A_137 = vector.shape_cast %broadcast_in_dim3A_132 : vector<128xf32> to vector<1x128xf32>
    tpu.vector_store %arg5[%swap3A_133, %swap3A_134], %swap3A_137 {strides = array<i32>} : memref<64x128xf32, #tpu.memory_space<vmem>>, vector<1x128xf32>,
    %slice3A_138 = vector.extract_strided_slice %div3A_8 {offsets = [80, 0], sizes = [20, 128], strides = [1, 1]} : vector<1280x128xf32> to vector<20x128xf32>
    %slice3A_139 = vector.extract_strided_slice %get3A_1 {offsets = [800, 0], sizes = [200, 128], strides = [1, 1]} : vector<12800x128xf32> to vector<200x128xf32>
    %slice3A_140 = vector.extract_strided_slice %mul3A_9 {offsets = [800, 0], sizes = [200, 128], strides = [1, 1]} : vector<12800x128xf32> to vector<200x128xf32>
    %dot_general3A_141 = arith.constant dense<0.000000e+00> : vector<20x200xf32>
    %dot_general3A_142 = tpu.matmul %slice3A_138, %slice3A_139, %dot_general3A_141 {dimension_numbers = #tpu.dot_dimension_numbers<[1], [1], [0], [0], [0, 0, 1, 0], [], []>, transpose_lhs_hint = false} : vector<20x128xf32>, vector<200x128xf32>, vector<20x200xf32> -> vector<20x200xf32>
    %dot_general3A_143 = arith.constant dense<0.000000e+00> : vector<1x200xf32>
    %dot_general3A_144 = tpu.matmul %broadcast_in_dim3A_11, %slice3A_140, %dot_general3A_143 {dimension_numbers = #tpu.dot_dimension_numbers<[1], [1], [0], [0], [0, 0, 1, 0], [], []>, transpose_lhs_hint = false} : vector<1x128xf32>, vector<200x128xf32>, vector<1x200xf32> -> vector<1x200xf32>
    %sqrt3A_145 = math.sqrt %dot_general3A_144 : vector<1x200xf32>
    %add3A_146 = arith.constant 1.000000e-10 : f32
    %add3A_147 = vector.broadcast %add3A_146 : f32 to vector<1x200xf32>
    %add3A_148 = arith.addf %sqrt3A_145, %add3A_147 : vector<1x200xf32>
    %div3A_149 = arith.constant 1.000000e+00 : f32
    %div3A_150 = vector.broadcast %div3A_149 : f32 to vector<1x200xf32>
    %div3A_151 = arith.divf %div3A_150, %add3A_148 : vector<1x200xf32>
    %mul3A_152 = vector.broadcast %div3A_151 : vector<1x200xf32> to vector<20x200xf32>
    %mul3A_153 = arith.mulf %dot_general3A_142, %mul3A_152 : vector<20x200xf32>
    %reduce_max3A_154 = arith.constant dense<0xFF800000> : vector<20xf32>
    %reduce_max3A_155 = vector.multi_reduction <maximumf>, %mul3A_153, %reduce_max3A_154 [1] : vector<20x200xf32> to vector<20xf32>
    %reduce_sum3A_156 = vector.shape_cast %reduce_max3A_155 : vector<20xf32> to vector<1x20xf32>
    %reduce_sum3A_157 = arith.constant dense<0.000000e+00> : vector<1xf32>
    %reduce_sum3A_158 = vector.multi_reduction <add>, %reduce_sum3A_156, %reduce_sum3A_157 [1] : vector<1x20xf32> to vector<1xf32>
    %reduce_sum3A_159 = vector.shape_cast %reduce_sum3A_158 : vector<1xf32> to vector<1x1xf32>
    %reduce_sum3A_160 = vector.extract %reduce_sum3A_159[0, 0] : f32 from vector<1x1xf32>
    %mul3A_161 = arith.mulf %reduce_sum3A_160, %get3A_14 : f32
    %add3A_162 = arith.addf %mul3A_161, %get3A_17 : f32
    %broadcast_in_dim3A_163 = vector.broadcast %add3A_162 : f32 to vector<128xf32>
    %swap3A_164 = arith.constant 4 : index
    %swap3A_165 = arith.constant 0 : index
    %swap3A_166 = vector.load %arg5[%swap3A_164, %swap3A_165] : memref<64x128xf32, #tpu.memory_space<vmem>>, vector<1x128xf32>
    %swap3A_167 = vector.shape_cast %swap3A_166 : vector<1x128xf32> to vector<128xf32>
    %swap3A_168 = vector.shape_cast %broadcast_in_dim3A_163 : vector<128xf32> to vector<1x128xf32>
    tpu.vector_store %arg5[%swap3A_164, %swap3A_165], %swap3A_168 {strides = array<i32>} : memref<64x128xf32, #tpu.memory_space<vmem>>, vector<1x128xf32>,
    %slice3A_169 = vector.extract_strided_slice %div3A_8 {offsets = [100, 0], sizes = [20, 128], strides = [1, 1]} : vector<1280x128xf32> to vector<20x128xf32>
    %slice3A_170 = vector.extract_strided_slice %get3A_1 {offsets = [1000, 0], sizes = [200, 128], strides = [1, 1]} : vector<12800x128xf32> to vector<200x128xf32>
    %slice3A_171 = vector.extract_strided_slice %mul3A_9 {offsets = [1000, 0], sizes = [200, 128], strides = [1, 1]} : vector<12800x128xf32> to vector<200x128xf32>
    %dot_general3A_172 = arith.constant dense<0.000000e+00> : vector<20x200xf32>
    %dot_general3A_173 = tpu.matmul %slice3A_169, %slice3A_170, %dot_general3A_172 {dimension_numbers = #tpu.dot_dimension_numbers<[1], [1], [0], [0], [0, 0, 1, 0], [], []>, transpose_lhs_hint = false} : vector<20x128xf32>, vector<200x128xf32>, vector<20x200xf32> -> vector<20x200xf32>
    %dot_general3A_174 = arith.constant dense<0.000000e+00> : vector<1x200xf32>
    %dot_general3A_175 = tpu.matmul %broadcast_in_dim3A_11, %slice3A_171, %dot_general3A_174 {dimension_numbers = #tpu.dot_dimension_numbers<[1], [1], [0], [0], [0, 0, 1, 0], [], []>, transpose_lhs_hint = false} : vector<1x128xf32>, vector<200x128xf32>, vector<1x200xf32> -> vector<1x200xf32>
    %sqrt3A_176 = math.sqrt %dot_general3A_175 : vector<1x200xf32>
    %add3A_177 = arith.constant 1.000000e-10 : f32
    %add3A_178 = vector.broadcast %add3A_177 : f32 to vector<1x200xf32>
    %add3A_179 = arith.addf %sqrt3A_176, %add3A_178 : vector<1x200xf32>
    %div3A_180 = arith.constant 1.000000e+00 : f32
    %div3A_181 = vector.broadcast %div3A_180 : f32 to vector<1x200xf32>
    %div3A_182 = arith.divf %div3A_181, %add3A_179 : vector<1x200xf32>
    %mul3A_183 = vector.broadcast %div3A_182 : vector<1x200xf32> to vector<20x200xf32>
    %mul3A_184 = arith.mulf %dot_general3A_173, %mul3A_183 : vector<20x200xf32>
    %reduce_max3A_185 = arith.constant dense<0xFF800000> : vector<20xf32>
    %reduce_max3A_186 = vector.multi_reduction <maximumf>, %mul3A_184, %reduce_max3A_185 [1] : vector<20x200xf32> to vector<20xf32>
    %reduce_sum3A_187 = vector.shape_cast %reduce_max3A_186 : vector<20xf32> to vector<1x20xf32>
    %reduce_sum3A_188 = arith.constant dense<0.000000e+00> : vector<1xf32>
    %reduce_sum3A_189 = vector.multi_reduction <add>, %reduce_sum3A_187, %reduce_sum3A_188 [1] : vector<1x20xf32> to vector<1xf32>
    %reduce_sum3A_190 = vector.shape_cast %reduce_sum3A_189 : vector<1xf32> to vector<1x1xf32>
    %reduce_sum3A_191 = vector.extract %reduce_sum3A_190[0, 0] : f32 from vector<1x1xf32>
    %mul3A_192 = arith.mulf %reduce_sum3A_191, %get3A_14 : f32
    %add3A_193 = arith.addf %mul3A_192, %get3A_17 : f32
    %broadcast_in_dim3A_194 = vector.broadcast %add3A_193 : f32 to vector<128xf32>
    %swap3A_195 = arith.constant 5 : index
    %swap3A_196 = arith.constant 0 : index
    %swap3A_197 = vector.load %arg5[%swap3A_195, %swap3A_196] : memref<64x128xf32, #tpu.memory_space<vmem>>, vector<1x128xf32>
    %swap3A_198 = vector.shape_cast %swap3A_197 : vector<1x128xf32> to vector<128xf32>
    %swap3A_199 = vector.shape_cast %broadcast_in_dim3A_194 : vector<128xf32> to vector<1x128xf32>
    tpu.vector_store %arg5[%swap3A_195, %swap3A_196], %swap3A_199 {strides = array<i32>} : memref<64x128xf32, #tpu.memory_space<vmem>>, vector<1x128xf32>,
    %slice3A_200 = vector.extract_strided_slice %div3A_8 {offsets = [120, 0], sizes = [20, 128], strides = [1, 1]} : vector<1280x128xf32> to vector<20x128xf32>
    %slice3A_201 = vector.extract_strided_slice %get3A_1 {offsets = [1200, 0], sizes = [200, 128], strides = [1, 1]} : vector<12800x128xf32> to vector<200x128xf32>
    %slice3A_202 = vector.extract_strided_slice %mul3A_9 {offsets = [1200, 0], sizes = [200, 128], strides = [1, 1]} : vector<12800x128xf32> to vector<200x128xf32>
    %dot_general3A_203 = arith.constant dense<0.000000e+00> : vector<20x200xf32>
    %dot_general3A_204 = tpu.matmul %slice3A_200, %slice3A_201, %dot_general3A_203 {dimension_numbers = #tpu.dot_dimension_numbers<[1], [1], [0], [0], [0, 0, 1, 0], [], []>, transpose_lhs_hint = false} : vector<20x128xf32>, vector<200x128xf32>, vector<20x200xf32> -> vector<20x200xf32>
    %dot_general3A_205 = arith.constant dense<0.000000e+00> : vector<1x200xf32>
    %dot_general3A_206 = tpu.matmul %broadcast_in_dim3A_11, %slice3A_202, %dot_general3A_205 {dimension_numbers = #tpu.dot_dimension_numbers<[1], [1], [0], [0], [0, 0, 1, 0], [], []>, transpose_lhs_hint = false} : vector<1x128xf32>, vector<200x128xf32>, vector<1x200xf32> -> vector<1x200xf32>
    %sqrt3A_207 = math.sqrt %dot_general3A_206 : vector<1x200xf32>
    %add3A_208 = arith.constant 1.000000e-10 : f32
    %add3A_209 = vector.broadcast %add3A_208 : f32 to vector<1x200xf32>
    %add3A_210 = arith.addf %sqrt3A_207, %add3A_209 : vector<1x200xf32>
    %div3A_211 = arith.constant 1.000000e+00 : f32
    %div3A_212 = vector.broadcast %div3A_211 : f32 to vector<1x200xf32>
    %div3A_213 = arith.divf %div3A_212, %add3A_210 : vector<1x200xf32>
    %mul3A_214 = vector.broadcast %div3A_213 : vector<1x200xf32> to vector<20x200xf32>
    %mul3A_215 = arith.mulf %dot_general3A_204, %mul3A_214 : vector<20x200xf32>
    %reduce_max3A_216 = arith.constant dense<0xFF800000> : vector<20xf32>
    %reduce_max3A_217 = vector.multi_reduction <maximumf>, %mul3A_215, %reduce_max3A_216 [1] : vector<20x200xf32> to vector<20xf32>
    %reduce_sum3A_218 = vector.shape_cast %reduce_max3A_217 : vector<20xf32> to vector<1x20xf32>
    %reduce_sum3A_219 = arith.constant dense<0.000000e+00> : vector<1xf32>
    %reduce_sum3A_220 = vector.multi_reduction <add>, %reduce_sum3A_218, %reduce_sum3A_219 [1] : vector<1x20xf32> to vector<1xf32>
    %reduce_sum3A_221 = vector.shape_cast %reduce_sum3A_220 : vector<1xf32> to vector<1x1xf32>
    %reduce_sum3A_222 = vector.extract %reduce_sum3A_221[0, 0] : f32 from vector<1x1xf32>
    %mul3A_223 = arith.mulf %reduce_sum3A_222, %get3A_14 : f32
    %add3A_224 = arith.addf %mul3A_223, %get3A_17 : f32
    %broadcast_in_dim3A_225 = vector.broadcast %add3A_224 : f32 to vector<128xf32>
    %swap3A_226 = arith.constant 6 : index
    %swap3A_227 = arith.constant 0 : index
    %swap3A_228 = vector.load %arg5[%swap3A_226, %swap3A_227] : memref<64x128xf32, #tpu.memory_space<vmem>>, vector<1x128xf32>
    %swap3A_229 = vector.shape_cast %swap3A_228 : vector<1x128xf32> to vector<128xf32>
    %swap3A_230 = vector.shape_cast %broadcast_in_dim3A_225 : vector<128xf32> to vector<1x128xf32>
    tpu.vector_store %arg5[%swap3A_226, %swap3A_227], %swap3A_230 {strides = array<i32>} : memref<64x128xf32, #tpu.memory_space<vmem>>, vector<1x128xf32>,
    %slice3A_231 = vector.extract_strided_slice %div3A_8 {offsets = [140, 0], sizes = [20, 128], strides = [1, 1]} : vector<1280x128xf32> to vector<20x128xf32>
    %slice3A_232 = vector.extract_strided_slice %get3A_1 {offsets = [1400, 0], sizes = [200, 128], strides = [1, 1]} : vector<12800x128xf32> to vector<200x128xf32>
    %slice3A_233 = vector.extract_strided_slice %mul3A_9 {offsets = [1400, 0], sizes = [200, 128], strides = [1, 1]} : vector<12800x128xf32> to vector<200x128xf32>
    %dot_general3A_234 = arith.constant dense<0.000000e+00> : vector<20x200xf32>
    %dot_general3A_235 = tpu.matmul %slice3A_231, %slice3A_232, %dot_general3A_234 {dimension_numbers = #tpu.dot_dimension_numbers<[1], [1], [0], [0], [0, 0, 1, 0], [], []>, transpose_lhs_hint = false} : vector<20x128xf32>, vector<200x128xf32>, vector<20x200xf32> -> vector<20x200xf32>
    %dot_general3A_236 = arith.constant dense<0.000000e+00> : vector<1x200xf32>
    %dot_general3A_237 = tpu.matmul %broadcast_in_dim3A_11, %slice3A_233, %dot_general3A_236 {dimension_numbers = #tpu.dot_dimension_numbers<[1], [1], [0], [0], [0, 0, 1, 0], [], []>, transpose_lhs_hint = false} : vector<1x128xf32>, vector<200x128xf32>, vector<1x200xf32> -> vector<1x200xf32>
    %sqrt3A_238 = math.sqrt %dot_general3A_237 : vector<1x200xf32>
    %add3A_239 = arith.constant 1.000000e-10 : f32
    %add3A_240 = vector.broadcast %add3A_239 : f32 to vector<1x200xf32>
    %add3A_241 = arith.addf %sqrt3A_238, %add3A_240 : vector<1x200xf32>
    %div3A_242 = arith.constant 1.000000e+00 : f32
    %div3A_243 = vector.broadcast %div3A_242 : f32 to vector<1x200xf32>
    %div3A_244 = arith.divf %div3A_243, %add3A_241 : vector<1x200xf32>
    %mul3A_245 = vector.broadcast %div3A_244 : vector<1x200xf32> to vector<20x200xf32>
    %mul3A_246 = arith.mulf %dot_general3A_235, %mul3A_245 : vector<20x200xf32>
    %reduce_max3A_247 = arith.constant dense<0xFF800000> : vector<20xf32>
    %reduce_max3A_248 = vector.multi_reduction <maximumf>, %mul3A_246, %reduce_max3A_247 [1] : vector<20x200xf32> to vector<20xf32>
    %reduce_sum3A_249 = vector.shape_cast %reduce_max3A_248 : vector<20xf32> to vector<1x20xf32>
    %reduce_sum3A_250 = arith.constant dense<0.000000e+00> : vector<1xf32>
    %reduce_sum3A_251 = vector.multi_reduction <add>, %reduce_sum3A_249, %reduce_sum3A_250 [1] : vector<1x20xf32> to vector<1xf32>
    %reduce_sum3A_252 = vector.shape_cast %reduce_sum3A_251 : vector<1xf32> to vector<1x1xf32>
    %reduce_sum3A_253 = vector.extract %reduce_sum3A_252[0, 0] : f32 from vector<1x1xf32>
    %mul3A_254 = arith.mulf %reduce_sum3A_253, %get3A_14 : f32
    %add3A_255 = arith.addf %mul3A_254, %get3A_17 : f32
    %broadcast_in_dim3A_256 = vector.broadcast %add3A_255 : f32 to vector<128xf32>
    %swap3A_257 = arith.constant 7 : index
    %swap3A_258 = arith.constant 0 : index
    %swap3A_259 = vector.load %arg5[%swap3A_257, %swap3A_258] : memref<64x128xf32, #tpu.memory_space<vmem>>, vector<1x128xf32>
    %swap3A_260 = vector.shape_cast %swap3A_259 : vector<1x128xf32> to vector<128xf32>
    %swap3A_261 = vector.shape_cast %broadcast_in_dim3A_256 : vector<128xf32> to vector<1x128xf32>
    tpu.vector_store %arg5[%swap3A_257, %swap3A_258], %swap3A_261 {strides = array<i32>} : memref<64x128xf32, #tpu.memory_space<vmem>>, vector<1x128xf32>,
    %slice3A_262 = vector.extract_strided_slice %div3A_8 {offsets = [160, 0], sizes = [20, 128], strides = [1, 1]} : vector<1280x128xf32> to vector<20x128xf32>
    %slice3A_263 = vector.extract_strided_slice %get3A_1 {offsets = [1600, 0], sizes = [200, 128], strides = [1, 1]} : vector<12800x128xf32> to vector<200x128xf32>
    %slice3A_264 = vector.extract_strided_slice %mul3A_9 {offsets = [1600, 0], sizes = [200, 128], strides = [1, 1]} : vector<12800x128xf32> to vector<200x128xf32>
    %dot_general3A_265 = arith.constant dense<0.000000e+00> : vector<20x200xf32>
    %dot_general3A_266 = tpu.matmul %slice3A_262, %slice3A_263, %dot_general3A_265 {dimension_numbers = #tpu.dot_dimension_numbers<[1], [1], [0], [0], [0, 0, 1, 0], [], []>, transpose_lhs_hint = false} : vector<20x128xf32>, vector<200x128xf32>, vector<20x200xf32> -> vector<20x200xf32>
    %dot_general3A_267 = arith.constant dense<0.000000e+00> : vector<1x200xf32>
    %dot_general3A_268 = tpu.matmul %broadcast_in_dim3A_11, %slice3A_264, %dot_general3A_267 {dimension_numbers = #tpu.dot_dimension_numbers<[1], [1], [0], [0], [0, 0, 1, 0], [], []>, transpose_lhs_hint = false} : vector<1x128xf32>, vector<200x128xf32>, vector<1x200xf32> -> vector<1x200xf32>
    %sqrt3A_269 = math.sqrt %dot_general3A_268 : vector<1x200xf32>
    %add3A_270 = arith.constant 1.000000e-10 : f32
    %add3A_271 = vector.broadcast %add3A_270 : f32 to vector<1x200xf32>
    %add3A_272 = arith.addf %sqrt3A_269, %add3A_271 : vector<1x200xf32>
    %div3A_273 = arith.constant 1.000000e+00 : f32
    %div3A_274 = vector.broadcast %div3A_273 : f32 to vector<1x200xf32>
    %div3A_275 = arith.divf %div3A_274, %add3A_272 : vector<1x200xf32>
    %mul3A_276 = vector.broadcast %div3A_275 : vector<1x200xf32> to vector<20x200xf32>
    %mul3A_277 = arith.mulf %dot_general3A_266, %mul3A_276 : vector<20x200xf32>
    %reduce_max3A_278 = arith.constant dense<0xFF800000> : vector<20xf32>
    %reduce_max3A_279 = vector.multi_reduction <maximumf>, %mul3A_277, %reduce_max3A_278 [1] : vector<20x200xf32> to vector<20xf32>
    %reduce_sum3A_280 = vector.shape_cast %reduce_max3A_279 : vector<20xf32> to vector<1x20xf32>
    %reduce_sum3A_281 = arith.constant dense<0.000000e+00> : vector<1xf32>
    %reduce_sum3A_282 = vector.multi_reduction <add>, %reduce_sum3A_280, %reduce_sum3A_281 [1] : vector<1x20xf32> to vector<1xf32>
    %reduce_sum3A_283 = vector.shape_cast %reduce_sum3A_282 : vector<1xf32> to vector<1x1xf32>
    %reduce_sum3A_284 = vector.extract %reduce_sum3A_283[0, 0] : f32 from vector<1x1xf32>
    %mul3A_285 = arith.mulf %reduce_sum3A_284, %get3A_14 : f32
    %add3A_286 = arith.addf %mul3A_285, %get3A_17 : f32
    %broadcast_in_dim3A_287 = vector.broadcast %add3A_286 : f32 to vector<128xf32>
    %swap3A_288 = arith.constant 8 : index
    %swap3A_289 = arith.constant 0 : index
    %swap3A_290 = vector.load %arg5[%swap3A_288, %swap3A_289] : memref<64x128xf32, #tpu.memory_space<vmem>>, vector<1x128xf32>
    %swap3A_291 = vector.shape_cast %swap3A_290 : vector<1x128xf32> to vector<128xf32>
    %swap3A_292 = vector.shape_cast %broadcast_in_dim3A_287 : vector<128xf32> to vector<1x128xf32>
    tpu.vector_store %arg5[%swap3A_288, %swap3A_289], %swap3A_292 {strides = array<i32>} : memref<64x128xf32, #tpu.memory_space<vmem>>, vector<1x128xf32>,
    %slice3A_293 = vector.extract_strided_slice %div3A_8 {offsets = [180, 0], sizes = [20, 128], strides = [1, 1]} : vector<1280x128xf32> to vector<20x128xf32>
    %slice3A_294 = vector.extract_strided_slice %get3A_1 {offsets = [1800, 0], sizes = [200, 128], strides = [1, 1]} : vector<12800x128xf32> to vector<200x128xf32>
    %slice3A_295 = vector.extract_strided_slice %mul3A_9 {offsets = [1800, 0], sizes = [200, 128], strides = [1, 1]} : vector<12800x128xf32> to vector<200x128xf32>
    %dot_general3A_296 = arith.constant dense<0.000000e+00> : vector<20x200xf32>
    %dot_general3A_297 = tpu.matmul %slice3A_293, %slice3A_294, %dot_general3A_296 {dimension_numbers = #tpu.dot_dimension_numbers<[1], [1], [0], [0], [0, 0, 1, 0], [], []>, transpose_lhs_hint = false} : vector<20x128xf32>, vector<200x128xf32>, vector<20x200xf32> -> vector<20x200xf32>
    %dot_general3A_298 = arith.constant dense<0.000000e+00> : vector<1x200xf32>
    %dot_general3A_299 = tpu.matmul %broadcast_in_dim3A_11, %slice3A_295, %dot_general3A_298 {dimension_numbers = #tpu.dot_dimension_numbers<[1], [1], [0], [0], [0, 0, 1, 0], [], []>, transpose_lhs_hint = false} : vector<1x128xf32>, vector<200x128xf32>, vector<1x200xf32> -> vector<1x200xf32>
    %sqrt3A_300 = math.sqrt %dot_general3A_299 : vector<1x200xf32>
    %add3A_301 = arith.constant 1.000000e-10 : f32
    %add3A_302 = vector.broadcast %add3A_301 : f32 to vector<1x200xf32>
    %add3A_303 = arith.addf %sqrt3A_300, %add3A_302 : vector<1x200xf32>
    %div3A_304 = arith.constant 1.000000e+00 : f32
    %div3A_305 = vector.broadcast %div3A_304 : f32 to vector<1x200xf32>
    %div3A_306 = arith.divf %div3A_305, %add3A_303 : vector<1x200xf32>
    %mul3A_307 = vector.broadcast %div3A_306 : vector<1x200xf32> to vector<20x200xf32>
    %mul3A_308 = arith.mulf %dot_general3A_297, %mul3A_307 : vector<20x200xf32>
    %reduce_max3A_309 = arith.constant dense<0xFF800000> : vector<20xf32>
    %reduce_max3A_310 = vector.multi_reduction <maximumf>, %mul3A_308, %reduce_max3A_309 [1] : vector<20x200xf32> to vector<20xf32>
    %reduce_sum3A_311 = vector.shape_cast %reduce_max3A_310 : vector<20xf32> to vector<1x20xf32>
    %reduce_sum3A_312 = arith.constant dense<0.000000e+00> : vector<1xf32>
    %reduce_sum3A_313 = vector.multi_reduction <add>, %reduce_sum3A_311, %reduce_sum3A_312 [1] : vector<1x20xf32> to vector<1xf32>
    %reduce_sum3A_314 = vector.shape_cast %reduce_sum3A_313 : vector<1xf32> to vector<1x1xf32>
    %reduce_sum3A_315 = vector.extract %reduce_sum3A_314[0, 0] : f32 from vector<1x1xf32>
    %mul3A_316 = arith.mulf %reduce_sum3A_315, %get3A_14 : f32
    %add3A_317 = arith.addf %mul3A_316, %get3A_17 : f32
    %broadcast_in_dim3A_318 = vector.broadcast %add3A_317 : f32 to vector<128xf32>
    %swap3A_319 = arith.constant 9 : index
    %swap3A_320 = arith.constant 0 : index
    %swap3A_321 = vector.load %arg5[%swap3A_319, %swap3A_320] : memref<64x128xf32, #tpu.memory_space<vmem>>, vector<1x128xf32>
    %swap3A_322 = vector.shape_cast %swap3A_321 : vector<1x128xf32> to vector<128xf32>
    %swap3A_323 = vector.shape_cast %broadcast_in_dim3A_318 : vector<128xf32> to vector<1x128xf32>
    tpu.vector_store %arg5[%swap3A_319, %swap3A_320], %swap3A_323 {strides = array<i32>} : memref<64x128xf32, #tpu.memory_space<vmem>>, vector<1x128xf32>,
    %slice3A_324 = vector.extract_strided_slice %div3A_8 {offsets = [200, 0], sizes = [20, 128], strides = [1, 1]} : vector<1280x128xf32> to vector<20x128xf32>
    %slice3A_325 = vector.extract_strided_slice %get3A_1 {offsets = [2000, 0], sizes = [200, 128], strides = [1, 1]} : vector<12800x128xf32> to vector<200x128xf32>
    %slice3A_326 = vector.extract_strided_slice %mul3A_9 {offsets = [2000, 0], sizes = [200, 128], strides = [1, 1]} : vector<12800x128xf32> to vector<200x128xf32>
    %dot_general3A_327 = arith.constant dense<0.000000e+00> : vector<20x200xf32>
    %dot_general3A_328 = tpu.matmul %slice3A_324, %slice3A_325, %dot_general3A_327 {dimension_numbers = #tpu.dot_dimension_numbers<[1], [1], [0], [0], [0, 0, 1, 0], [], []>, transpose_lhs_hint = false} : vector<20x128xf32>, vector<200x128xf32>, vector<20x200xf32> -> vector<20x200xf32>
    %dot_general3A_329 = arith.constant dense<0.000000e+00> : vector<1x200xf32>
    %dot_general3A_330 = tpu.matmul %broadcast_in_dim3A_11, %slice3A_326, %dot_general3A_329 {dimension_numbers = #tpu.dot_dimension_numbers<[1], [1], [0], [0], [0, 0, 1, 0], [], []>, transpose_lhs_hint = false} : vector<1x128xf32>, vector<200x128xf32>, vector<1x200xf32> -> vector<1x200xf32>
    %sqrt3A_331 = math.sqrt %dot_general3A_330 : vector<1x200xf32>
    %add3A_332 = arith.constant 1.000000e-10 : f32
    %add3A_333 = vector.broadcast %add3A_332 : f32 to vector<1x200xf32>
    %add3A_334 = arith.addf %sqrt3A_331, %add3A_333 : vector<1x200xf32>
    %div3A_335 = arith.constant 1.000000e+00 : f32
    %div3A_336 = vector.broadcast %div3A_335 : f32 to vector<1x200xf32>
    %div3A_337 = arith.divf %div3A_336, %add3A_334 : vector<1x200xf32>
    %mul3A_338 = vector.broadcast %div3A_337 : vector<1x200xf32> to vector<20x200xf32>
    %mul3A_339 = arith.mulf %dot_general3A_328, %mul3A_338 : vector<20x200xf32>
    %reduce_max3A_340 = arith.constant dense<0xFF800000> : vector<20xf32>
    %reduce_max3A_341 = vector.multi_reduction <maximumf>, %mul3A_339, %reduce_max3A_340 [1] : vector<20x200xf32> to vector<20xf32>
    %reduce_sum3A_342 = vector.shape_cast %reduce_max3A_341 : vector<20xf32> to vector<1x20xf32>
    %reduce_sum3A_343 = arith.constant dense<0.000000e+00> : vector<1xf32>
    %reduce_sum3A_344 = vector.multi_reduction <add>, %reduce_sum3A_342, %reduce_sum3A_343 [1] : vector<1x20xf32> to vector<1xf32>
    %reduce_sum3A_345 = vector.shape_cast %reduce_sum3A_344 : vector<1xf32> to vector<1x1xf32>
    %reduce_sum3A_346 = vector.extract %reduce_sum3A_345[0, 0] : f32 from vector<1x1xf32>
    %mul3A_347 = arith.mulf %reduce_sum3A_346, %get3A_14 : f32
    %add3A_348 = arith.addf %mul3A_347, %get3A_17 : f32
    %broadcast_in_dim3A_349 = vector.broadcast %add3A_348 : f32 to vector<128xf32>
    %swap3A_350 = arith.constant 10 : index
    %swap3A_351 = arith.constant 0 : index
    %swap3A_352 = vector.load %arg5[%swap3A_350, %swap3A_351] : memref<64x128xf32, #tpu.memory_space<vmem>>, vector<1x128xf32>
    %swap3A_353 = vector.shape_cast %swap3A_352 : vector<1x128xf32> to vector<128xf32>
    %swap3A_354 = vector.shape_cast %broadcast_in_dim3A_349 : vector<128xf32> to vector<1x128xf32>
    tpu.vector_store %arg5[%swap3A_350, %swap3A_351], %swap3A_354 {strides = array<i32>} : memref<64x128xf32, #tpu.memory_space<vmem>>, vector<1x128xf32>,
    %slice3A_355 = vector.extract_strided_slice %div3A_8 {offsets = [220, 0], sizes = [20, 128], strides = [1, 1]} : vector<1280x128xf32> to vector<20x128xf32>
    %slice3A_356 = vector.extract_strided_slice %get3A_1 {offsets = [2200, 0], sizes = [200, 128], strides = [1, 1]} : vector<12800x128xf32> to vector<200x128xf32>
    %slice3A_357 = vector.extract_strided_slice %mul3A_9 {offsets = [2200, 0], sizes = [200, 128], strides = [1, 1]} : vector<12800x128xf32> to vector<200x128xf32>
    %dot_general3A_358 = arith.constant dense<0.000000e+00> : vector<20x200xf32>
    %dot_general3A_359 = tpu.matmul %slice3A_355, %slice3A_356, %dot_general3A_358 {dimension_numbers = #tpu.dot_dimension_numbers<[1], [1], [0], [0], [0, 0, 1, 0], [], []>, transpose_lhs_hint = false} : vector<20x128xf32>, vector<200x128xf32>, vector<20x200xf32> -> vector<20x200xf32>
    %dot_general3A_360 = arith.constant dense<0.000000e+00> : vector<1x200xf32>
    %dot_general3A_361 = tpu.matmul %broadcast_in_dim3A_11, %slice3A_357, %dot_general3A_360 {dimension_numbers = #tpu.dot_dimension_numbers<[1], [1], [0], [0], [0, 0, 1, 0], [], []>, transpose_lhs_hint = false} : vector<1x128xf32>, vector<200x128xf32>, vector<1x200xf32> -> vector<1x200xf32>
    %sqrt3A_362 = math.sqrt %dot_general3A_361 : vector<1x200xf32>
    %add3A_363 = arith.constant 1.000000e-10 : f32
    %add3A_364 = vector.broadcast %add3A_363 : f32 to vector<1x200xf32>
    %add3A_365 = arith.addf %sqrt3A_362, %add3A_364 : vector<1x200xf32>
    %div3A_366 = arith.constant 1.000000e+00 : f32
    %div3A_367 = vector.broadcast %div3A_366 : f32 to vector<1x200xf32>
    %div3A_368 = arith.divf %div3A_367, %add3A_365 : vector<1x200xf32>
    %mul3A_369 = vector.broadcast %div3A_368 : vector<1x200xf32> to vector<20x200xf32>
    %mul3A_370 = arith.mulf %dot_general3A_359, %mul3A_369 : vector<20x200xf32>
    %reduce_max3A_371 = arith.constant dense<0xFF800000> : vector<20xf32>
    %reduce_max3A_372 = vector.multi_reduction <maximumf>, %mul3A_370, %reduce_max3A_371 [1] : vector<20x200xf32> to vector<20xf32>
    %reduce_sum3A_373 = vector.shape_cast %reduce_max3A_372 : vector<20xf32> to vector<1x20xf32>
    %reduce_sum3A_374 = arith.constant dense<0.000000e+00> : vector<1xf32>
    %reduce_sum3A_375 = vector.multi_reduction <add>, %reduce_sum3A_373, %reduce_sum3A_374 [1] : vector<1x20xf32> to vector<1xf32>
    %reduce_sum3A_376 = vector.shape_cast %reduce_sum3A_375 : vector<1xf32> to vector<1x1xf32>
    %reduce_sum3A_377 = vector.extract %reduce_sum3A_376[0, 0] : f32 from vector<1x1xf32>
    %mul3A_378 = arith.mulf %reduce_sum3A_377, %get3A_14 : f32
    %add3A_379 = arith.addf %mul3A_378, %get3A_17 : f32
    %broadcast_in_dim3A_380 = vector.broadcast %add3A_379 : f32 to vector<128xf32>
    %swap3A_381 = arith.constant 11 : index
    %swap3A_382 = arith.constant 0 : index
    %swap3A_383 = vector.load %arg5[%swap3A_381, %swap3A_382] : memref<64x128xf32, #tpu.memory_space<vmem>>, vector<1x128xf32>
    %swap3A_384 = vector.shape_cast %swap3A_383 : vector<1x128xf32> to vector<128xf32>
    %swap3A_385 = vector.shape_cast %broadcast_in_dim3A_380 : vector<128xf32> to vector<1x128xf32>
    tpu.vector_store %arg5[%swap3A_381, %swap3A_382], %swap3A_385 {strides = array<i32>} : memref<64x128xf32, #tpu.memory_space<vmem>>, vector<1x128xf32>,
    %slice3A_386 = vector.extract_strided_slice %div3A_8 {offsets = [240, 0], sizes = [20, 128], strides = [1, 1]} : vector<1280x128xf32> to vector<20x128xf32>
    %slice3A_387 = vector.extract_strided_slice %get3A_1 {offsets = [2400, 0], sizes = [200, 128], strides = [1, 1]} : vector<12800x128xf32> to vector<200x128xf32>
    %slice3A_388 = vector.extract_strided_slice %mul3A_9 {offsets = [2400, 0], sizes = [200, 128], strides = [1, 1]} : vector<12800x128xf32> to vector<200x128xf32>
    %dot_general3A_389 = arith.constant dense<0.000000e+00> : vector<20x200xf32>
    %dot_general3A_390 = tpu.matmul %slice3A_386, %slice3A_387, %dot_general3A_389 {dimension_numbers = #tpu.dot_dimension_numbers<[1], [1], [0], [0], [0, 0, 1, 0], [], []>, transpose_lhs_hint = false} : vector<20x128xf32>, vector<200x128xf32>, vector<20x200xf32> -> vector<20x200xf32>
    %dot_general3A_391 = arith.constant dense<0.000000e+00> : vector<1x200xf32>
    %dot_general3A_392 = tpu.matmul %broadcast_in_dim3A_11, %slice3A_388, %dot_general3A_391 {dimension_numbers = #tpu.dot_dimension_numbers<[1], [1], [0], [0], [0, 0, 1, 0], [], []>, transpose_lhs_hint = false} : vector<1x128xf32>, vector<200x128xf32>, vector<1x200xf32> -> vector<1x200xf32>
    %sqrt3A_393 = math.sqrt %dot_general3A_392 : vector<1x200xf32>
    %add3A_394 = arith.constant 1.000000e-10 : f32
    %add3A_395 = vector.broadcast %add3A_394 : f32 to vector<1x200xf32>
    %add3A_396 = arith.addf %sqrt3A_393, %add3A_395 : vector<1x200xf32>
    %div3A_397 = arith.constant 1.000000e+00 : f32
    %div3A_398 = vector.broadcast %div3A_397 : f32 to vector<1x200xf32>
    %div3A_399 = arith.divf %div3A_398, %add3A_396 : vector<1x200xf32>
    %mul3A_400 = vector.broadcast %div3A_399 : vector<1x200xf32> to vector<20x200xf32>
    %mul3A_401 = arith.mulf %dot_general3A_390, %mul3A_400 : vector<20x200xf32>
    %reduce_max3A_402 = arith.constant dense<0xFF800000> : vector<20xf32>
    %reduce_max3A_403 = vector.multi_reduction <maximumf>, %mul3A_401, %reduce_max3A_402 [1] : vector<20x200xf32> to vector<20xf32>
    %reduce_sum3A_404 = vector.shape_cast %reduce_max3A_403 : vector<20xf32> to vector<1x20xf32>
    %reduce_sum3A_405 = arith.constant dense<0.000000e+00> : vector<1xf32>
    %reduce_sum3A_406 = vector.multi_reduction <add>, %reduce_sum3A_404, %reduce_sum3A_405 [1] : vector<1x20xf32> to vector<1xf32>
    %reduce_sum3A_407 = vector.shape_cast %reduce_sum3A_406 : vector<1xf32> to vector<1x1xf32>
    %reduce_sum3A_408 = vector.extract %reduce_sum3A_407[0, 0] : f32 from vector<1x1xf32>
    %mul3A_409 = arith.mulf %reduce_sum3A_408, %get3A_14 : f32
    %add3A_410 = arith.addf %mul3A_409, %get3A_17 : f32
    %broadcast_in_dim3A_411 = vector.broadcast %add3A_410 : f32 to vector<128xf32>
    %swap3A_412 = arith.constant 12 : index
    %swap3A_413 = arith.constant 0 : index
    %swap3A_414 = vector.load %arg5[%swap3A_412, %swap3A_413] : memref<64x128xf32, #tpu.memory_space<vmem>>, vector<1x128xf32>
    %swap3A_415 = vector.shape_cast %swap3A_414 : vector<1x128xf32> to vector<128xf32>
    %swap3A_416 = vector.shape_cast %broadcast_in_dim3A_411 : vector<128xf32> to vector<1x128xf32>
    tpu.vector_store %arg5[%swap3A_412, %swap3A_413], %swap3A_416 {strides = array<i32>} : memref<64x128xf32, #tpu.memory_space<vmem>>, vector<1x128xf32>,
    %slice3A_417 = vector.extract_strided_slice %div3A_8 {offsets = [260, 0], sizes = [20, 128], strides = [1, 1]} : vector<1280x128xf32> to vector<20x128xf32>
    %slice3A_418 = vector.extract_strided_slice %get3A_1 {offsets = [2600, 0], sizes = [200, 128], strides = [1, 1]} : vector<12800x128xf32> to vector<200x128xf32>
    %slice3A_419 = vector.extract_strided_slice %mul3A_9 {offsets = [2600, 0], sizes = [200, 128], strides = [1, 1]} : vector<12800x128xf32> to vector<200x128xf32>
    %dot_general3A_420 = arith.constant dense<0.000000e+00> : vector<20x200xf32>
    %dot_general3A_421 = tpu.matmul %slice3A_417, %slice3A_418, %dot_general3A_420 {dimension_numbers = #tpu.dot_dimension_numbers<[1], [1], [0], [0], [0, 0, 1, 0], [], []>, transpose_lhs_hint = false} : vector<20x128xf32>, vector<200x128xf32>, vector<20x200xf32> -> vector<20x200xf32>
    %dot_general3A_422 = arith.constant dense<0.000000e+00> : vector<1x200xf32>
    %dot_general3A_423 = tpu.matmul %broadcast_in_dim3A_11, %slice3A_419, %dot_general3A_422 {dimension_numbers = #tpu.dot_dimension_numbers<[1], [1], [0], [0], [0, 0, 1, 0], [], []>, transpose_lhs_hint = false} : vector<1x128xf32>, vector<200x128xf32>, vector<1x200xf32> -> vector<1x200xf32>
    %sqrt3A_424 = math.sqrt %dot_general3A_423 : vector<1x200xf32>
    %add3A_425 = arith.constant 1.000000e-10 : f32
    %add3A_426 = vector.broadcast %add3A_425 : f32 to vector<1x200xf32>
    %add3A_427 = arith.addf %sqrt3A_424, %add3A_426 : vector<1x200xf32>
    %div3A_428 = arith.constant 1.000000e+00 : f32
    %div3A_429 = vector.broadcast %div3A_428 : f32 to vector<1x200xf32>
    %div3A_430 = arith.divf %div3A_429, %add3A_427 : vector<1x200xf32>
    %mul3A_431 = vector.broadcast %div3A_430 : vector<1x200xf32> to vector<20x200xf32>
    %mul3A_432 = arith.mulf %dot_general3A_421, %mul3A_431 : vector<20x200xf32>
    %reduce_max3A_433 = arith.constant dense<0xFF800000> : vector<20xf32>
    %reduce_max3A_434 = vector.multi_reduction <maximumf>, %mul3A_432, %reduce_max3A_433 [1] : vector<20x200xf32> to vector<20xf32>
    %reduce_sum3A_435 = vector.shape_cast %reduce_max3A_434 : vector<20xf32> to vector<1x20xf32>
    %reduce_sum3A_436 = arith.constant dense<0.000000e+00> : vector<1xf32>
    %reduce_sum3A_437 = vector.multi_reduction <add>, %reduce_sum3A_435, %reduce_sum3A_436 [1] : vector<1x20xf32> to vector<1xf32>
    %reduce_sum3A_438 = vector.shape_cast %reduce_sum3A_437 : vector<1xf32> to vector<1x1xf32>
    %reduce_sum3A_439 = vector.extract %reduce_sum3A_438[0, 0] : f32 from vector<1x1xf32>
    %mul3A_440 = arith.mulf %reduce_sum3A_439, %get3A_14 : f32
    %add3A_441 = arith.addf %mul3A_440, %get3A_17 : f32
    %broadcast_in_dim3A_442 = vector.broadcast %add3A_441 : f32 to vector<128xf32>
    %swap3A_443 = arith.constant 13 : index
    %swap3A_444 = arith.constant 0 : index
    %swap3A_445 = vector.load %arg5[%swap3A_443, %swap3A_444] : memref<64x128xf32, #tpu.memory_space<vmem>>, vector<1x128xf32>
    %swap3A_446 = vector.shape_cast %swap3A_445 : vector<1x128xf32> to vector<128xf32>
    %swap3A_447 = vector.shape_cast %broadcast_in_dim3A_442 : vector<128xf32> to vector<1x128xf32>
    tpu.vector_store %arg5[%swap3A_443, %swap3A_444], %swap3A_447 {strides = array<i32>} : memref<64x128xf32, #tpu.memory_space<vmem>>, vector<1x128xf32>,
    %slice3A_448 = vector.extract_strided_slice %div3A_8 {offsets = [280, 0], sizes = [20, 128], strides = [1, 1]} : vector<1280x128xf32> to vector<20x128xf32>
    %slice3A_449 = vector.extract_strided_slice %get3A_1 {offsets = [2800, 0], sizes = [200, 128], strides = [1, 1]} : vector<12800x128xf32> to vector<200x128xf32>
    %slice3A_450 = vector.extract_strided_slice %mul3A_9 {offsets = [2800, 0], sizes = [200, 128], strides = [1, 1]} : vector<12800x128xf32> to vector<200x128xf32>
    %dot_general3A_451 = arith.constant dense<0.000000e+00> : vector<20x200xf32>
    %dot_general3A_452 = tpu.matmul %slice3A_448, %slice3A_449, %dot_general3A_451 {dimension_numbers = #tpu.dot_dimension_numbers<[1], [1], [0], [0], [0, 0, 1, 0], [], []>, transpose_lhs_hint = false} : vector<20x128xf32>, vector<200x128xf32>, vector<20x200xf32> -> vector<20x200xf32>
    %dot_general3A_453 = arith.constant dense<0.000000e+00> : vector<1x200xf32>
    %dot_general3A_454 = tpu.matmul %broadcast_in_dim3A_11, %slice3A_450, %dot_general3A_453 {dimension_numbers = #tpu.dot_dimension_numbers<[1], [1], [0], [0], [0, 0, 1, 0], [], []>, transpose_lhs_hint = false} : vector<1x128xf32>, vector<200x128xf32>, vector<1x200xf32> -> vector<1x200xf32>
    %sqrt3A_455 = math.sqrt %dot_general3A_454 : vector<1x200xf32>
    %add3A_456 = arith.constant 1.000000e-10 : f32
    %add3A_457 = vector.broadcast %add3A_456 : f32 to vector<1x200xf32>
    %add3A_458 = arith.addf %sqrt3A_455, %add3A_457 : vector<1x200xf32>
    %div3A_459 = arith.constant 1.000000e+00 : f32
    %div3A_460 = vector.broadcast %div3A_459 : f32 to vector<1x200xf32>
    %div3A_461 = arith.divf %div3A_460, %add3A_458 : vector<1x200xf32>
    %mul3A_462 = vector.broadcast %div3A_461 : vector<1x200xf32> to vector<20x200xf32>
    %mul3A_463 = arith.mulf %dot_general3A_452, %mul3A_462 : vector<20x200xf32>
    %reduce_max3A_464 = arith.constant dense<0xFF800000> : vector<20xf32>
    %reduce_max3A_465 = vector.multi_reduction <maximumf>, %mul3A_463, %reduce_max3A_464 [1] : vector<20x200xf32> to vector<20xf32>
    %reduce_sum3A_466 = vector.shape_cast %reduce_max3A_465 : vector<20xf32> to vector<1x20xf32>
    %reduce_sum3A_467 = arith.constant dense<0.000000e+00> : vector<1xf32>
    %reduce_sum3A_468 = vector.multi_reduction <add>, %reduce_sum3A_466, %reduce_sum3A_467 [1] : vector<1x20xf32> to vector<1xf32>
    %reduce_sum3A_469 = vector.shape_cast %reduce_sum3A_468 : vector<1xf32> to vector<1x1xf32>
    %reduce_sum3A_470 = vector.extract %reduce_sum3A_469[0, 0] : f32 from vector<1x1xf32>
    %mul3A_471 = arith.mulf %reduce_sum3A_470, %get3A_14 : f32
    %add3A_472 = arith.addf %mul3A_471, %get3A_17 : f32
    %broadcast_in_dim3A_473 = vector.broadcast %add3A_472 : f32 to vector<128xf32>
    %swap3A_474 = arith.constant 14 : index
    %swap3A_475 = arith.constant 0 : index
    %swap3A_476 = vector.load %arg5[%swap3A_474, %swap3A_475] : memref<64x128xf32, #tpu.memory_space<vmem>>, vector<1x128xf32>
    %swap3A_477 = vector.shape_cast %swap3A_476 : vector<1x128xf32> to vector<128xf32>
    %swap3A_478 = vector.shape_cast %broadcast_in_dim3A_473 : vector<128xf32> to vector<1x128xf32>
    tpu.vector_store %arg5[%swap3A_474, %swap3A_475], %swap3A_478 {strides = array<i32>} : memref<64x128xf32, #tpu.memory_space<vmem>>, vector<1x128xf32>,
    %slice3A_479 = vector.extract_strided_slice %div3A_8 {offsets = [300, 0], sizes = [20, 128], strides = [1, 1]} : vector<1280x128xf32> to vector<20x128xf32>
    %slice3A_480 = vector.extract_strided_slice %get3A_1 {offsets = [3000, 0], sizes = [200, 128], strides = [1, 1]} : vector<12800x128xf32> to vector<200x128xf32>
    %slice3A_481 = vector.extract_strided_slice %mul3A_9 {offsets = [3000, 0], sizes = [200, 128], strides = [1, 1]} : vector<12800x128xf32> to vector<200x128xf32>
    %dot_general3A_482 = arith.constant dense<0.000000e+00> : vector<20x200xf32>
    %dot_general3A_483 = tpu.matmul %slice3A_479, %slice3A_480, %dot_general3A_482 {dimension_numbers = #tpu.dot_dimension_numbers<[1], [1], [0], [0], [0, 0, 1, 0], [], []>, transpose_lhs_hint = false} : vector<20x128xf32>, vector<200x128xf32>, vector<20x200xf32> -> vector<20x200xf32>
    %dot_general3A_484 = arith.constant dense<0.000000e+00> : vector<1x200xf32>
    %dot_general3A_485 = tpu.matmul %broadcast_in_dim3A_11, %slice3A_481, %dot_general3A_484 {dimension_numbers = #tpu.dot_dimension_numbers<[1], [1], [0], [0], [0, 0, 1, 0], [], []>, transpose_lhs_hint = false} : vector<1x128xf32>, vector<200x128xf32>, vector<1x200xf32> -> vector<1x200xf32>
    %sqrt3A_486 = math.sqrt %dot_general3A_485 : vector<1x200xf32>
    %add3A_487 = arith.constant 1.000000e-10 : f32
    %add3A_488 = vector.broadcast %add3A_487 : f32 to vector<1x200xf32>
    %add3A_489 = arith.addf %sqrt3A_486, %add3A_488 : vector<1x200xf32>
    %div3A_490 = arith.constant 1.000000e+00 : f32
    %div3A_491 = vector.broadcast %div3A_490 : f32 to vector<1x200xf32>
    %div3A_492 = arith.divf %div3A_491, %add3A_489 : vector<1x200xf32>
    %mul3A_493 = vector.broadcast %div3A_492 : vector<1x200xf32> to vector<20x200xf32>
    %mul3A_494 = arith.mulf %dot_general3A_483, %mul3A_493 : vector<20x200xf32>
    %reduce_max3A_495 = arith.constant dense<0xFF800000> : vector<20xf32>
    %reduce_max3A_496 = vector.multi_reduction <maximumf>, %mul3A_494, %reduce_max3A_495 [1] : vector<20x200xf32> to vector<20xf32>
    %reduce_sum3A_497 = vector.shape_cast %reduce_max3A_496 : vector<20xf32> to vector<1x20xf32>
    %reduce_sum3A_498 = arith.constant dense<0.000000e+00> : vector<1xf32>
    %reduce_sum3A_499 = vector.multi_reduction <add>, %reduce_sum3A_497, %reduce_sum3A_498 [1] : vector<1x20xf32> to vector<1xf32>
    %reduce_sum3A_500 = vector.shape_cast %reduce_sum3A_499 : vector<1xf32> to vector<1x1xf32>
    %reduce_sum3A_501 = vector.extract %reduce_sum3A_500[0, 0] : f32 from vector<1x1xf32>
    %mul3A_502 = arith.mulf %reduce_sum3A_501, %get3A_14 : f32
    %add3A_503 = arith.addf %mul3A_502, %get3A_17 : f32
    %broadcast_in_dim3A_504 = vector.broadcast %add3A_503 : f32 to vector<128xf32>
    %swap3A_505 = arith.constant 15 : index
    %swap3A_506 = arith.constant 0 : index
    %swap3A_507 = vector.load %arg5[%swap3A_505, %swap3A_506] : memref<64x128xf32, #tpu.memory_space<vmem>>, vector<1x128xf32>
    %swap3A_508 = vector.shape_cast %swap3A_507 : vector<1x128xf32> to vector<128xf32>
    %swap3A_509 = vector.shape_cast %broadcast_in_dim3A_504 : vector<128xf32> to vector<1x128xf32>
    tpu.vector_store %arg5[%swap3A_505, %swap3A_506], %swap3A_509 {strides = array<i32>} : memref<64x128xf32, #tpu.memory_space<vmem>>, vector<1x128xf32>,
    %slice3A_510 = vector.extract_strided_slice %div3A_8 {offsets = [320, 0], sizes = [20, 128], strides = [1, 1]} : vector<1280x128xf32> to vector<20x128xf32>
    %slice3A_511 = vector.extract_strided_slice %get3A_1 {offsets = [3200, 0], sizes = [200, 128], strides = [1, 1]} : vector<12800x128xf32> to vector<200x128xf32>
    %slice3A_512 = vector.extract_strided_slice %mul3A_9 {offsets = [3200, 0], sizes = [200, 128], strides = [1, 1]} : vector<12800x128xf32> to vector<200x128xf32>
    %dot_general3A_513 = arith.constant dense<0.000000e+00> : vector<20x200xf32>
    %dot_general3A_514 = tpu.matmul %slice3A_510, %slice3A_511, %dot_general3A_513 {dimension_numbers = #tpu.dot_dimension_numbers<[1], [1], [0], [0], [0, 0, 1, 0], [], []>, transpose_lhs_hint = false} : vector<20x128xf32>, vector<200x128xf32>, vector<20x200xf32> -> vector<20x200xf32>
    %dot_general3A_515 = arith.constant dense<0.000000e+00> : vector<1x200xf32>
    %dot_general3A_516 = tpu.matmul %broadcast_in_dim3A_11, %slice3A_512, %dot_general3A_515 {dimension_numbers = #tpu.dot_dimension_numbers<[1], [1], [0], [0], [0, 0, 1, 0], [], []>, transpose_lhs_hint = false} : vector<1x128xf32>, vector<200x128xf32>, vector<1x200xf32> -> vector<1x200xf32>
    %sqrt3A_517 = math.sqrt %dot_general3A_516 : vector<1x200xf32>
    %add3A_518 = arith.constant 1.000000e-10 : f32
    %add3A_519 = vector.broadcast %add3A_518 : f32 to vector<1x200xf32>
    %add3A_520 = arith.addf %sqrt3A_517, %add3A_519 : vector<1x200xf32>
    %div3A_521 = arith.constant 1.000000e+00 : f32
    %div3A_522 = vector.broadcast %div3A_521 : f32 to vector<1x200xf32>
    %div3A_523 = arith.divf %div3A_522, %add3A_520 : vector<1x200xf32>
    %mul3A_524 = vector.broadcast %div3A_523 : vector<1x200xf32> to vector<20x200xf32>
    %mul3A_525 = arith.mulf %dot_general3A_514, %mul3A_524 : vector<20x200xf32>
    %reduce_max3A_526 = arith.constant dense<0xFF800000> : vector<20xf32>
    %reduce_max3A_527 = vector.multi_reduction <maximumf>, %mul3A_525, %reduce_max3A_526 [1] : vector<20x200xf32> to vector<20xf32>
    %reduce_sum3A_528 = vector.shape_cast %reduce_max3A_527 : vector<20xf32> to vector<1x20xf32>
    %reduce_sum3A_529 = arith.constant dense<0.000000e+00> : vector<1xf32>
    %reduce_sum3A_530 = vector.multi_reduction <add>, %reduce_sum3A_528, %reduce_sum3A_529 [1] : vector<1x20xf32> to vector<1xf32>
    %reduce_sum3A_531 = vector.shape_cast %reduce_sum3A_530 : vector<1xf32> to vector<1x1xf32>
    %reduce_sum3A_532 = vector.extract %reduce_sum3A_531[0, 0] : f32 from vector<1x1xf32>
    %mul3A_533 = arith.mulf %reduce_sum3A_532, %get3A_14 : f32
    %add3A_534 = arith.addf %mul3A_533, %get3A_17 : f32
    %broadcast_in_dim3A_535 = vector.broadcast %add3A_534 : f32 to vector<128xf32>
    %swap3A_536 = arith.constant 16 : index
    %swap3A_537 = arith.constant 0 : index
    %swap3A_538 = vector.load %arg5[%swap3A_536, %swap3A_537] : memref<64x128xf32, #tpu.memory_space<vmem>>, vector<1x128xf32>
    %swap3A_539 = vector.shape_cast %swap3A_538 : vector<1x128xf32> to vector<128xf32>
    %swap3A_540 = vector.shape_cast %broadcast_in_dim3A_535 : vector<128xf32> to vector<1x128xf32>
    tpu.vector_store %arg5[%swap3A_536, %swap3A_537], %swap3A_540 {strides = array<i32>} : memref<64x128xf32, #tpu.memory_space<vmem>>, vector<1x128xf32>,
    %slice3A_541 = vector.extract_strided_slice %div3A_8 {offsets = [340, 0], sizes = [20, 128], strides = [1, 1]} : vector<1280x128xf32> to vector<20x128xf32>
    %slice3A_542 = vector.extract_strided_slice %get3A_1 {offsets = [3400, 0], sizes = [200, 128], strides = [1, 1]} : vector<12800x128xf32> to vector<200x128xf32>
    %slice3A_543 = vector.extract_strided_slice %mul3A_9 {offsets = [3400, 0], sizes = [200, 128], strides = [1, 1]} : vector<12800x128xf32> to vector<200x128xf32>
    %dot_general3A_544 = arith.constant dense<0.000000e+00> : vector<20x200xf32>
    %dot_general3A_545 = tpu.matmul %slice3A_541, %slice3A_542, %dot_general3A_544 {dimension_numbers = #tpu.dot_dimension_numbers<[1], [1], [0], [0], [0, 0, 1, 0], [], []>, transpose_lhs_hint = false} : vector<20x128xf32>, vector<200x128xf32>, vector<20x200xf32> -> vector<20x200xf32>
    %dot_general3A_546 = arith.constant dense<0.000000e+00> : vector<1x200xf32>
    %dot_general3A_547 = tpu.matmul %broadcast_in_dim3A_11, %slice3A_543, %dot_general3A_546 {dimension_numbers = #tpu.dot_dimension_numbers<[1], [1], [0], [0], [0, 0, 1, 0], [], []>, transpose_lhs_hint = false} : vector<1x128xf32>, vector<200x128xf32>, vector<1x200xf32> -> vector<1x200xf32>
    %sqrt3A_548 = math.sqrt %dot_general3A_547 : vector<1x200xf32>
    %add3A_549 = arith.constant 1.000000e-10 : f32
    %add3A_550 = vector.broadcast %add3A_549 : f32 to vector<1x200xf32>
    %add3A_551 = arith.addf %sqrt3A_548, %add3A_550 : vector<1x200xf32>
    %div3A_552 = arith.constant 1.000000e+00 : f32
    %div3A_553 = vector.broadcast %div3A_552 : f32 to vector<1x200xf32>
    %div3A_554 = arith.divf %div3A_553, %add3A_551 : vector<1x200xf32>
    %mul3A_555 = vector.broadcast %div3A_554 : vector<1x200xf32> to vector<20x200xf32>
    %mul3A_556 = arith.mulf %dot_general3A_545, %mul3A_555 : vector<20x200xf32>
    %reduce_max3A_557 = arith.constant dense<0xFF800000> : vector<20xf32>
    %reduce_max3A_558 = vector.multi_reduction <maximumf>, %mul3A_556, %reduce_max3A_557 [1] : vector<20x200xf32> to vector<20xf32>
    %reduce_sum3A_559 = vector.shape_cast %reduce_max3A_558 : vector<20xf32> to vector<1x20xf32>
    %reduce_sum3A_560 = arith.constant dense<0.000000e+00> : vector<1xf32>
    %reduce_sum3A_561 = vector.multi_reduction <add>, %reduce_sum3A_559, %reduce_sum3A_560 [1] : vector<1x20xf32> to vector<1xf32>
    %reduce_sum3A_562 = vector.shape_cast %reduce_sum3A_561 : vector<1xf32> to vector<1x1xf32>
    %reduce_sum3A_563 = vector.extract %reduce_sum3A_562[0, 0] : f32 from vector<1x1xf32>
    %mul3A_564 = arith.mulf %reduce_sum3A_563, %get3A_14 : f32
    %add3A_565 = arith.addf %mul3A_564, %get3A_17 : f32
    %broadcast_in_dim3A_566 = vector.broadcast %add3A_565 : f32 to vector<128xf32>
    %swap3A_567 = arith.constant 17 : index
    %swap3A_568 = arith.constant 0 : index
    %swap3A_569 = vector.load %arg5[%swap3A_567, %swap3A_568] : memref<64x128xf32, #tpu.memory_space<vmem>>, vector<1x128xf32>
    %swap3A_570 = vector.shape_cast %swap3A_569 : vector<1x128xf32> to vector<128xf32>
    %swap3A_571 = vector.shape_cast %broadcast_in_dim3A_566 : vector<128xf32> to vector<1x128xf32>
    tpu.vector_store %arg5[%swap3A_567, %swap3A_568], %swap3A_571 {strides = array<i32>} : memref<64x128xf32, #tpu.memory_space<vmem>>, vector<1x128xf32>,
    %slice3A_572 = vector.extract_strided_slice %div3A_8 {offsets = [360, 0], sizes = [20, 128], strides = [1, 1]} : vector<1280x128xf32> to vector<20x128xf32>
    %slice3A_573 = vector.extract_strided_slice %get3A_1 {offsets = [3600, 0], sizes = [200, 128], strides = [1, 1]} : vector<12800x128xf32> to vector<200x128xf32>
    %slice3A_574 = vector.extract_strided_slice %mul3A_9 {offsets = [3600, 0], sizes = [200, 128], strides = [1, 1]} : vector<12800x128xf32> to vector<200x128xf32>
    %dot_general3A_575 = arith.constant dense<0.000000e+00> : vector<20x200xf32>
    %dot_general3A_576 = tpu.matmul %slice3A_572, %slice3A_573, %dot_general3A_575 {dimension_numbers = #tpu.dot_dimension_numbers<[1], [1], [0], [0], [0, 0, 1, 0], [], []>, transpose_lhs_hint = false} : vector<20x128xf32>, vector<200x128xf32>, vector<20x200xf32> -> vector<20x200xf32>
    %dot_general3A_577 = arith.constant dense<0.000000e+00> : vector<1x200xf32>
    %dot_general3A_578 = tpu.matmul %broadcast_in_dim3A_11, %slice3A_574, %dot_general3A_577 {dimension_numbers = #tpu.dot_dimension_numbers<[1], [1], [0], [0], [0, 0, 1, 0], [], []>, transpose_lhs_hint = false} : vector<1x128xf32>, vector<200x128xf32>, vector<1x200xf32> -> vector<1x200xf32>
    %sqrt3A_579 = math.sqrt %dot_general3A_578 : vector<1x200xf32>
    %add3A_580 = arith.constant 1.000000e-10 : f32
    %add3A_581 = vector.broadcast %add3A_580 : f32 to vector<1x200xf32>
    %add3A_582 = arith.addf %sqrt3A_579, %add3A_581 : vector<1x200xf32>
    %div3A_583 = arith.constant 1.000000e+00 : f32
    %div3A_584 = vector.broadcast %div3A_583 : f32 to vector<1x200xf32>
    %div3A_585 = arith.divf %div3A_584, %add3A_582 : vector<1x200xf32>
    %mul3A_586 = vector.broadcast %div3A_585 : vector<1x200xf32> to vector<20x200xf32>
    %mul3A_587 = arith.mulf %dot_general3A_576, %mul3A_586 : vector<20x200xf32>
    %reduce_max3A_588 = arith.constant dense<0xFF800000> : vector<20xf32>
    %reduce_max3A_589 = vector.multi_reduction <maximumf>, %mul3A_587, %reduce_max3A_588 [1] : vector<20x200xf32> to vector<20xf32>
    %reduce_sum3A_590 = vector.shape_cast %reduce_max3A_589 : vector<20xf32> to vector<1x20xf32>
    %reduce_sum3A_591 = arith.constant dense<0.000000e+00> : vector<1xf32>
    %reduce_sum3A_592 = vector.multi_reduction <add>, %reduce_sum3A_590, %reduce_sum3A_591 [1] : vector<1x20xf32> to vector<1xf32>
    %reduce_sum3A_593 = vector.shape_cast %reduce_sum3A_592 : vector<1xf32> to vector<1x1xf32>
    %reduce_sum3A_594 = vector.extract %reduce_sum3A_593[0, 0] : f32 from vector<1x1xf32>
    %mul3A_595 = arith.mulf %reduce_sum3A_594, %get3A_14 : f32
    %add3A_596 = arith.addf %mul3A_595, %get3A_17 : f32
    %broadcast_in_dim3A_597 = vector.broadcast %add3A_596 : f32 to vector<128xf32>
    %swap3A_598 = arith.constant 18 : index
    %swap3A_599 = arith.constant 0 : index
    %swap3A_600 = vector.load %arg5[%swap3A_598, %swap3A_599] : memref<64x128xf32, #tpu.memory_space<vmem>>, vector<1x128xf32>
    %swap3A_601 = vector.shape_cast %swap3A_600 : vector<1x128xf32> to vector<128xf32>
    %swap3A_602 = vector.shape_cast %broadcast_in_dim3A_597 : vector<128xf32> to vector<1x128xf32>
    tpu.vector_store %arg5[%swap3A_598, %swap3A_599], %swap3A_602 {strides = array<i32>} : memref<64x128xf32, #tpu.memory_space<vmem>>, vector<1x128xf32>,
    %slice3A_603 = vector.extract_strided_slice %div3A_8 {offsets = [380, 0], sizes = [20, 128], strides = [1, 1]} : vector<1280x128xf32> to vector<20x128xf32>
    %slice3A_604 = vector.extract_strided_slice %get3A_1 {offsets = [3800, 0], sizes = [200, 128], strides = [1, 1]} : vector<12800x128xf32> to vector<200x128xf32>
    %slice3A_605 = vector.extract_strided_slice %mul3A_9 {offsets = [3800, 0], sizes = [200, 128], strides = [1, 1]} : vector<12800x128xf32> to vector<200x128xf32>
    %dot_general3A_606 = arith.constant dense<0.000000e+00> : vector<20x200xf32>
    %dot_general3A_607 = tpu.matmul %slice3A_603, %slice3A_604, %dot_general3A_606 {dimension_numbers = #tpu.dot_dimension_numbers<[1], [1], [0], [0], [0, 0, 1, 0], [], []>, transpose_lhs_hint = false} : vector<20x128xf32>, vector<200x128xf32>, vector<20x200xf32> -> vector<20x200xf32>
    %dot_general3A_608 = arith.constant dense<0.000000e+00> : vector<1x200xf32>
    %dot_general3A_609 = tpu.matmul %broadcast_in_dim3A_11, %slice3A_605, %dot_general3A_608 {dimension_numbers = #tpu.dot_dimension_numbers<[1], [1], [0], [0], [0, 0, 1, 0], [], []>, transpose_lhs_hint = false} : vector<1x128xf32>, vector<200x128xf32>, vector<1x200xf32> -> vector<1x200xf32>
    %sqrt3A_610 = math.sqrt %dot_general3A_609 : vector<1x200xf32>
    %add3A_611 = arith.constant 1.000000e-10 : f32
    %add3A_612 = vector.broadcast %add3A_611 : f32 to vector<1x200xf32>
    %add3A_613 = arith.addf %sqrt3A_610, %add3A_612 : vector<1x200xf32>
    %div3A_614 = arith.constant 1.000000e+00 : f32
    %div3A_615 = vector.broadcast %div3A_614 : f32 to vector<1x200xf32>
    %div3A_616 = arith.divf %div3A_615, %add3A_613 : vector<1x200xf32>
    %mul3A_617 = vector.broadcast %div3A_616 : vector<1x200xf32> to vector<20x200xf32>
    %mul3A_618 = arith.mulf %dot_general3A_607, %mul3A_617 : vector<20x200xf32>
    %reduce_max3A_619 = arith.constant dense<0xFF800000> : vector<20xf32>
    %reduce_max3A_620 = vector.multi_reduction <maximumf>, %mul3A_618, %reduce_max3A_619 [1] : vector<20x200xf32> to vector<20xf32>
    %reduce_sum3A_621 = vector.shape_cast %reduce_max3A_620 : vector<20xf32> to vector<1x20xf32>
    %reduce_sum3A_622 = arith.constant dense<0.000000e+00> : vector<1xf32>
    %reduce_sum3A_623 = vector.multi_reduction <add>, %reduce_sum3A_621, %reduce_sum3A_622 [1] : vector<1x20xf32> to vector<1xf32>
    %reduce_sum3A_624 = vector.shape_cast %reduce_sum3A_623 : vector<1xf32> to vector<1x1xf32>
    %reduce_sum3A_625 = vector.extract %reduce_sum3A_624[0, 0] : f32 from vector<1x1xf32>
    %mul3A_626 = arith.mulf %reduce_sum3A_625, %get3A_14 : f32
    %add3A_627 = arith.addf %mul3A_626, %get3A_17 : f32
    %broadcast_in_dim3A_628 = vector.broadcast %add3A_627 : f32 to vector<128xf32>
    %swap3A_629 = arith.constant 19 : index
    %swap3A_630 = arith.constant 0 : index
    %swap3A_631 = vector.load %arg5[%swap3A_629, %swap3A_630] : memref<64x128xf32, #tpu.memory_space<vmem>>, vector<1x128xf32>
    %swap3A_632 = vector.shape_cast %swap3A_631 : vector<1x128xf32> to vector<128xf32>
    %swap3A_633 = vector.shape_cast %broadcast_in_dim3A_628 : vector<128xf32> to vector<1x128xf32>
    tpu.vector_store %arg5[%swap3A_629, %swap3A_630], %swap3A_633 {strides = array<i32>} : memref<64x128xf32, #tpu.memory_space<vmem>>, vector<1x128xf32>,
    %slice3A_634 = vector.extract_strided_slice %div3A_8 {offsets = [400, 0], sizes = [20, 128], strides = [1, 1]} : vector<1280x128xf32> to vector<20x128xf32>
    %slice3A_635 = vector.extract_strided_slice %get3A_1 {offsets = [4000, 0], sizes = [200, 128], strides = [1, 1]} : vector<12800x128xf32> to vector<200x128xf32>
    %slice3A_636 = vector.extract_strided_slice %mul3A_9 {offsets = [4000, 0], sizes = [200, 128], strides = [1, 1]} : vector<12800x128xf32> to vector<200x128xf32>
    %dot_general3A_637 = arith.constant dense<0.000000e+00> : vector<20x200xf32>
    %dot_general3A_638 = tpu.matmul %slice3A_634, %slice3A_635, %dot_general3A_637 {dimension_numbers = #tpu.dot_dimension_numbers<[1], [1], [0], [0], [0, 0, 1, 0], [], []>, transpose_lhs_hint = false} : vector<20x128xf32>, vector<200x128xf32>, vector<20x200xf32> -> vector<20x200xf32>
    %dot_general3A_639 = arith.constant dense<0.000000e+00> : vector<1x200xf32>
    %dot_general3A_640 = tpu.matmul %broadcast_in_dim3A_11, %slice3A_636, %dot_general3A_639 {dimension_numbers = #tpu.dot_dimension_numbers<[1], [1], [0], [0], [0, 0, 1, 0], [], []>, transpose_lhs_hint = false} : vector<1x128xf32>, vector<200x128xf32>, vector<1x200xf32> -> vector<1x200xf32>
    %sqrt3A_641 = math.sqrt %dot_general3A_640 : vector<1x200xf32>
    %add3A_642 = arith.constant 1.000000e-10 : f32
    %add3A_643 = vector.broadcast %add3A_642 : f32 to vector<1x200xf32>
    %add3A_644 = arith.addf %sqrt3A_641, %add3A_643 : vector<1x200xf32>
    %div3A_645 = arith.constant 1.000000e+00 : f32
    %div3A_646 = vector.broadcast %div3A_645 : f32 to vector<1x200xf32>
    %div3A_647 = arith.divf %div3A_646, %add3A_644 : vector<1x200xf32>
    %mul3A_648 = vector.broadcast %div3A_647 : vector<1x200xf32> to vector<20x200xf32>
    %mul3A_649 = arith.mulf %dot_general3A_638, %mul3A_648 : vector<20x200xf32>
    %reduce_max3A_650 = arith.constant dense<0xFF800000> : vector<20xf32>
    %reduce_max3A_651 = vector.multi_reduction <maximumf>, %mul3A_649, %reduce_max3A_650 [1] : vector<20x200xf32> to vector<20xf32>
    %reduce_sum3A_652 = vector.shape_cast %reduce_max3A_651 : vector<20xf32> to vector<1x20xf32>
    %reduce_sum3A_653 = arith.constant dense<0.000000e+00> : vector<1xf32>
    %reduce_sum3A_654 = vector.multi_reduction <add>, %reduce_sum3A_652, %reduce_sum3A_653 [1] : vector<1x20xf32> to vector<1xf32>
    %reduce_sum3A_655 = vector.shape_cast %reduce_sum3A_654 : vector<1xf32> to vector<1x1xf32>
    %reduce_sum3A_656 = vector.extract %reduce_sum3A_655[0, 0] : f32 from vector<1x1xf32>
    %mul3A_657 = arith.mulf %reduce_sum3A_656, %get3A_14 : f32
    %add3A_658 = arith.addf %mul3A_657, %get3A_17 : f32
    %broadcast_in_dim3A_659 = vector.broadcast %add3A_658 : f32 to vector<128xf32>
    %swap3A_660 = arith.constant 20 : index
    %swap3A_661 = arith.constant 0 : index
    %swap3A_662 = vector.load %arg5[%swap3A_660, %swap3A_661] : memref<64x128xf32, #tpu.memory_space<vmem>>, vector<1x128xf32>
    %swap3A_663 = vector.shape_cast %swap3A_662 : vector<1x128xf32> to vector<128xf32>
    %swap3A_664 = vector.shape_cast %broadcast_in_dim3A_659 : vector<128xf32> to vector<1x128xf32>
    tpu.vector_store %arg5[%swap3A_660, %swap3A_661], %swap3A_664 {strides = array<i32>} : memref<64x128xf32, #tpu.memory_space<vmem>>, vector<1x128xf32>,
    %slice3A_665 = vector.extract_strided_slice %div3A_8 {offsets = [420, 0], sizes = [20, 128], strides = [1, 1]} : vector<1280x128xf32> to vector<20x128xf32>
    %slice3A_666 = vector.extract_strided_slice %get3A_1 {offsets = [4200, 0], sizes = [200, 128], strides = [1, 1]} : vector<12800x128xf32> to vector<200x128xf32>
    %slice3A_667 = vector.extract_strided_slice %mul3A_9 {offsets = [4200, 0], sizes = [200, 128], strides = [1, 1]} : vector<12800x128xf32> to vector<200x128xf32>
    %dot_general3A_668 = arith.constant dense<0.000000e+00> : vector<20x200xf32>
    %dot_general3A_669 = tpu.matmul %slice3A_665, %slice3A_666, %dot_general3A_668 {dimension_numbers = #tpu.dot_dimension_numbers<[1], [1], [0], [0], [0, 0, 1, 0], [], []>, transpose_lhs_hint = false} : vector<20x128xf32>, vector<200x128xf32>, vector<20x200xf32> -> vector<20x200xf32>
    %dot_general3A_670 = arith.constant dense<0.000000e+00> : vector<1x200xf32>
    %dot_general3A_671 = tpu.matmul %broadcast_in_dim3A_11, %slice3A_667, %dot_general3A_670 {dimension_numbers = #tpu.dot_dimension_numbers<[1], [1], [0], [0], [0, 0, 1, 0], [], []>, transpose_lhs_hint = false} : vector<1x128xf32>, vector<200x128xf32>, vector<1x200xf32> -> vector<1x200xf32>
    %sqrt3A_672 = math.sqrt %dot_general3A_671 : vector<1x200xf32>
    %add3A_673 = arith.constant 1.000000e-10 : f32
    %add3A_674 = vector.broadcast %add3A_673 : f32 to vector<1x200xf32>
    %add3A_675 = arith.addf %sqrt3A_672, %add3A_674 : vector<1x200xf32>
    %div3A_676 = arith.constant 1.000000e+00 : f32
    %div3A_677 = vector.broadcast %div3A_676 : f32 to vector<1x200xf32>
    %div3A_678 = arith.divf %div3A_677, %add3A_675 : vector<1x200xf32>
    %mul3A_679 = vector.broadcast %div3A_678 : vector<1x200xf32> to vector<20x200xf32>
    %mul3A_680 = arith.mulf %dot_general3A_669, %mul3A_679 : vector<20x200xf32>
    %reduce_max3A_681 = arith.constant dense<0xFF800000> : vector<20xf32>
    %reduce_max3A_682 = vector.multi_reduction <maximumf>, %mul3A_680, %reduce_max3A_681 [1] : vector<20x200xf32> to vector<20xf32>
    %reduce_sum3A_683 = vector.shape_cast %reduce_max3A_682 : vector<20xf32> to vector<1x20xf32>
    %reduce_sum3A_684 = arith.constant dense<0.000000e+00> : vector<1xf32>
    %reduce_sum3A_685 = vector.multi_reduction <add>, %reduce_sum3A_683, %reduce_sum3A_684 [1] : vector<1x20xf32> to vector<1xf32>
    %reduce_sum3A_686 = vector.shape_cast %reduce_sum3A_685 : vector<1xf32> to vector<1x1xf32>
    %reduce_sum3A_687 = vector.extract %reduce_sum3A_686[0, 0] : f32 from vector<1x1xf32>
    %mul3A_688 = arith.mulf %reduce_sum3A_687, %get3A_14 : f32
    %add3A_689 = arith.addf %mul3A_688, %get3A_17 : f32
    %broadcast_in_dim3A_690 = vector.broadcast %add3A_689 : f32 to vector<128xf32>
    %swap3A_691 = arith.constant 21 : index
    %swap3A_692 = arith.constant 0 : index
    %swap3A_693 = vector.load %arg5[%swap3A_691, %swap3A_692] : memref<64x128xf32, #tpu.memory_space<vmem>>, vector<1x128xf32>
    %swap3A_694 = vector.shape_cast %swap3A_693 : vector<1x128xf32> to vector<128xf32>
    %swap3A_695 = vector.shape_cast %broadcast_in_dim3A_690 : vector<128xf32> to vector<1x128xf32>
    tpu.vector_store %arg5[%swap3A_691, %swap3A_692], %swap3A_695 {strides = array<i32>} : memref<64x128xf32, #tpu.memory_space<vmem>>, vector<1x128xf32>,
    %slice3A_696 = vector.extract_strided_slice %div3A_8 {offsets = [440, 0], sizes = [20, 128], strides = [1, 1]} : vector<1280x128xf32> to vector<20x128xf32>
    %slice3A_697 = vector.extract_strided_slice %get3A_1 {offsets = [4400, 0], sizes = [200, 128], strides = [1, 1]} : vector<12800x128xf32> to vector<200x128xf32>
    %slice3A_698 = vector.extract_strided_slice %mul3A_9 {offsets = [4400, 0], sizes = [200, 128], strides = [1, 1]} : vector<12800x128xf32> to vector<200x128xf32>
    %dot_general3A_699 = arith.constant dense<0.000000e+00> : vector<20x200xf32>
    %dot_general3A_700 = tpu.matmul %slice3A_696, %slice3A_697, %dot_general3A_699 {dimension_numbers = #tpu.dot_dimension_numbers<[1], [1], [0], [0], [0, 0, 1, 0], [], []>, transpose_lhs_hint = false} : vector<20x128xf32>, vector<200x128xf32>, vector<20x200xf32> -> vector<20x200xf32>
    %dot_general3A_701 = arith.constant dense<0.000000e+00> : vector<1x200xf32>
    %dot_general3A_702 = tpu.matmul %broadcast_in_dim3A_11, %slice3A_698, %dot_general3A_701 {dimension_numbers = #tpu.dot_dimension_numbers<[1], [1], [0], [0], [0, 0, 1, 0], [], []>, transpose_lhs_hint = false} : vector<1x128xf32>, vector<200x128xf32>, vector<1x200xf32> -> vector<1x200xf32>
    %sqrt3A_703 = math.sqrt %dot_general3A_702 : vector<1x200xf32>
    %add3A_704 = arith.constant 1.000000e-10 : f32
    %add3A_705 = vector.broadcast %add3A_704 : f32 to vector<1x200xf32>
    %add3A_706 = arith.addf %sqrt3A_703, %add3A_705 : vector<1x200xf32>
    %div3A_707 = arith.constant 1.000000e+00 : f32
    %div3A_708 = vector.broadcast %div3A_707 : f32 to vector<1x200xf32>
    %div3A_709 = arith.divf %div3A_708, %add3A_706 : vector<1x200xf32>
    %mul3A_710 = vector.broadcast %div3A_709 : vector<1x200xf32> to vector<20x200xf32>
    %mul3A_711 = arith.mulf %dot_general3A_700, %mul3A_710 : vector<20x200xf32>
    %reduce_max3A_712 = arith.constant dense<0xFF800000> : vector<20xf32>
    %reduce_max3A_713 = vector.multi_reduction <maximumf>, %mul3A_711, %reduce_max3A_712 [1] : vector<20x200xf32> to vector<20xf32>
    %reduce_sum3A_714 = vector.shape_cast %reduce_max3A_713 : vector<20xf32> to vector<1x20xf32>
    %reduce_sum3A_715 = arith.constant dense<0.000000e+00> : vector<1xf32>
    %reduce_sum3A_716 = vector.multi_reduction <add>, %reduce_sum3A_714, %reduce_sum3A_715 [1] : vector<1x20xf32> to vector<1xf32>
    %reduce_sum3A_717 = vector.shape_cast %reduce_sum3A_716 : vector<1xf32> to vector<1x1xf32>
    %reduce_sum3A_718 = vector.extract %reduce_sum3A_717[0, 0] : f32 from vector<1x1xf32>
    %mul3A_719 = arith.mulf %reduce_sum3A_718, %get3A_14 : f32
    %add3A_720 = arith.addf %mul3A_719, %get3A_17 : f32
    %broadcast_in_dim3A_721 = vector.broadcast %add3A_720 : f32 to vector<128xf32>
    %swap3A_722 = arith.constant 22 : index
    %swap3A_723 = arith.constant 0 : index
    %swap3A_724 = vector.load %arg5[%swap3A_722, %swap3A_723] : memref<64x128xf32, #tpu.memory_space<vmem>>, vector<1x128xf32>
    %swap3A_725 = vector.shape_cast %swap3A_724 : vector<1x128xf32> to vector<128xf32>
    %swap3A_726 = vector.shape_cast %broadcast_in_dim3A_721 : vector<128xf32> to vector<1x128xf32>
    tpu.vector_store %arg5[%swap3A_722, %swap3A_723], %swap3A_726 {strides = array<i32>} : memref<64x128xf32, #tpu.memory_space<vmem>>, vector<1x128xf32>,
    %slice3A_727 = vector.extract_strided_slice %div3A_8 {offsets = [460, 0], sizes = [20, 128], strides = [1, 1]} : vector<1280x128xf32> to vector<20x128xf32>
    %slice3A_728 = vector.extract_strided_slice %get3A_1 {offsets = [4600, 0], sizes = [200, 128], strides = [1, 1]} : vector<12800x128xf32> to vector<200x128xf32>
    %slice3A_729 = vector.extract_strided_slice %mul3A_9 {offsets = [4600, 0], sizes = [200, 128], strides = [1, 1]} : vector<12800x128xf32> to vector<200x128xf32>
    %dot_general3A_730 = arith.constant dense<0.000000e+00> : vector<20x200xf32>
    %dot_general3A_731 = tpu.matmul %slice3A_727, %slice3A_728, %dot_general3A_730 {dimension_numbers = #tpu.dot_dimension_numbers<[1], [1], [0], [0], [0, 0, 1, 0], [], []>, transpose_lhs_hint = false} : vector<20x128xf32>, vector<200x128xf32>, vector<20x200xf32> -> vector<20x200xf32>
    %dot_general3A_732 = arith.constant dense<0.000000e+00> : vector<1x200xf32>
    %dot_general3A_733 = tpu.matmul %broadcast_in_dim3A_11, %slice3A_729, %dot_general3A_732 {dimension_numbers = #tpu.dot_dimension_numbers<[1], [1], [0], [0], [0, 0, 1, 0], [], []>, transpose_lhs_hint = false} : vector<1x128xf32>, vector<200x128xf32>, vector<1x200xf32> -> vector<1x200xf32>
    %sqrt3A_734 = math.sqrt %dot_general3A_733 : vector<1x200xf32>
    %add3A_735 = arith.constant 1.000000e-10 : f32
    %add3A_736 = vector.broadcast %add3A_735 : f32 to vector<1x200xf32>
    %add3A_737 = arith.addf %sqrt3A_734, %add3A_736 : vector<1x200xf32>
    %div3A_738 = arith.constant 1.000000e+00 : f32
    %div3A_739 = vector.broadcast %div3A_738 : f32 to vector<1x200xf32>
    %div3A_740 = arith.divf %div3A_739, %add3A_737 : vector<1x200xf32>
    %mul3A_741 = vector.broadcast %div3A_740 : vector<1x200xf32> to vector<20x200xf32>
    %mul3A_742 = arith.mulf %dot_general3A_731, %mul3A_741 : vector<20x200xf32>
    %reduce_max3A_743 = arith.constant dense<0xFF800000> : vector<20xf32>
    %reduce_max3A_744 = vector.multi_reduction <maximumf>, %mul3A_742, %reduce_max3A_743 [1] : vector<20x200xf32> to vector<20xf32>
    %reduce_sum3A_745 = vector.shape_cast %reduce_max3A_744 : vector<20xf32> to vector<1x20xf32>
    %reduce_sum3A_746 = arith.constant dense<0.000000e+00> : vector<1xf32>
    %reduce_sum3A_747 = vector.multi_reduction <add>, %reduce_sum3A_745, %reduce_sum3A_746 [1] : vector<1x20xf32> to vector<1xf32>
    %reduce_sum3A_748 = vector.shape_cast %reduce_sum3A_747 : vector<1xf32> to vector<1x1xf32>
    %reduce_sum3A_749 = vector.extract %reduce_sum3A_748[0, 0] : f32 from vector<1x1xf32>
    %mul3A_750 = arith.mulf %reduce_sum3A_749, %get3A_14 : f32
    %add3A_751 = arith.addf %mul3A_750, %get3A_17 : f32
    %broadcast_in_dim3A_752 = vector.broadcast %add3A_751 : f32 to vector<128xf32>
    %swap3A_753 = arith.constant 23 : index
    %swap3A_754 = arith.constant 0 : index
    %swap3A_755 = vector.load %arg5[%swap3A_753, %swap3A_754] : memref<64x128xf32, #tpu.memory_space<vmem>>, vector<1x128xf32>
    %swap3A_756 = vector.shape_cast %swap3A_755 : vector<1x128xf32> to vector<128xf32>
    %swap3A_757 = vector.shape_cast %broadcast_in_dim3A_752 : vector<128xf32> to vector<1x128xf32>
    tpu.vector_store %arg5[%swap3A_753, %swap3A_754], %swap3A_757 {strides = array<i32>} : memref<64x128xf32, #tpu.memory_space<vmem>>, vector<1x128xf32>,
    %slice3A_758 = vector.extract_strided_slice %div3A_8 {offsets = [480, 0], sizes = [20, 128], strides = [1, 1]} : vector<1280x128xf32> to vector<20x128xf32>
    %slice3A_759 = vector.extract_strided_slice %get3A_1 {offsets = [4800, 0], sizes = [200, 128], strides = [1, 1]} : vector<12800x128xf32> to vector<200x128xf32>
    %slice3A_760 = vector.extract_strided_slice %mul3A_9 {offsets = [4800, 0], sizes = [200, 128], strides = [1, 1]} : vector<12800x128xf32> to vector<200x128xf32>
    %dot_general3A_761 = arith.constant dense<0.000000e+00> : vector<20x200xf32>
    %dot_general3A_762 = tpu.matmul %slice3A_758, %slice3A_759, %dot_general3A_761 {dimension_numbers = #tpu.dot_dimension_numbers<[1], [1], [0], [0], [0, 0, 1, 0], [], []>, transpose_lhs_hint = false} : vector<20x128xf32>, vector<200x128xf32>, vector<20x200xf32> -> vector<20x200xf32>
    %dot_general3A_763 = arith.constant dense<0.000000e+00> : vector<1x200xf32>
    %dot_general3A_764 = tpu.matmul %broadcast_in_dim3A_11, %slice3A_760, %dot_general3A_763 {dimension_numbers = #tpu.dot_dimension_numbers<[1], [1], [0], [0], [0, 0, 1, 0], [], []>, transpose_lhs_hint = false} : vector<1x128xf32>, vector<200x128xf32>, vector<1x200xf32> -> vector<1x200xf32>
    %sqrt3A_765 = math.sqrt %dot_general3A_764 : vector<1x200xf32>
    %add3A_766 = arith.constant 1.000000e-10 : f32
    %add3A_767 = vector.broadcast %add3A_766 : f32 to vector<1x200xf32>
    %add3A_768 = arith.addf %sqrt3A_765, %add3A_767 : vector<1x200xf32>
    %div3A_769 = arith.constant 1.000000e+00 : f32
    %div3A_770 = vector.broadcast %div3A_769 : f32 to vector<1x200xf32>
    %div3A_771 = arith.divf %div3A_770, %add3A_768 : vector<1x200xf32>
    %mul3A_772 = vector.broadcast %div3A_771 : vector<1x200xf32> to vector<20x200xf32>
    %mul3A_773 = arith.mulf %dot_general3A_762, %mul3A_772 : vector<20x200xf32>
    %reduce_max3A_774 = arith.constant dense<0xFF800000> : vector<20xf32>
    %reduce_max3A_775 = vector.multi_reduction <maximumf>, %mul3A_773, %reduce_max3A_774 [1] : vector<20x200xf32> to vector<20xf32>
    %reduce_sum3A_776 = vector.shape_cast %reduce_max3A_775 : vector<20xf32> to vector<1x20xf32>
    %reduce_sum3A_777 = arith.constant dense<0.000000e+00> : vector<1xf32>
    %reduce_sum3A_778 = vector.multi_reduction <add>, %reduce_sum3A_776, %reduce_sum3A_777 [1] : vector<1x20xf32> to vector<1xf32>
    %reduce_sum3A_779 = vector.shape_cast %reduce_sum3A_778 : vector<1xf32> to vector<1x1xf32>
    %reduce_sum3A_780 = vector.extract %reduce_sum3A_779[0, 0] : f32 from vector<1x1xf32>
    %mul3A_781 = arith.mulf %reduce_sum3A_780, %get3A_14 : f32
    %add3A_782 = arith.addf %mul3A_781, %get3A_17 : f32
    %broadcast_in_dim3A_783 = vector.broadcast %add3A_782 : f32 to vector<128xf32>
    %swap3A_784 = arith.constant 24 : index
    %swap3A_785 = arith.constant 0 : index
    %swap3A_786 = vector.load %arg5[%swap3A_784, %swap3A_785] : memref<64x128xf32, #tpu.memory_space<vmem>>, vector<1x128xf32>
    %swap3A_787 = vector.shape_cast %swap3A_786 : vector<1x128xf32> to vector<128xf32>
    %swap3A_788 = vector.shape_cast %broadcast_in_dim3A_783 : vector<128xf32> to vector<1x128xf32>
    tpu.vector_store %arg5[%swap3A_784, %swap3A_785], %swap3A_788 {strides = array<i32>} : memref<64x128xf32, #tpu.memory_space<vmem>>, vector<1x128xf32>,
    %slice3A_789 = vector.extract_strided_slice %div3A_8 {offsets = [500, 0], sizes = [20, 128], strides = [1, 1]} : vector<1280x128xf32> to vector<20x128xf32>
    %slice3A_790 = vector.extract_strided_slice %get3A_1 {offsets = [5000, 0], sizes = [200, 128], strides = [1, 1]} : vector<12800x128xf32> to vector<200x128xf32>
    %slice3A_791 = vector.extract_strided_slice %mul3A_9 {offsets = [5000, 0], sizes = [200, 128], strides = [1, 1]} : vector<12800x128xf32> to vector<200x128xf32>
    %dot_general3A_792 = arith.constant dense<0.000000e+00> : vector<20x200xf32>
    %dot_general3A_793 = tpu.matmul %slice3A_789, %slice3A_790, %dot_general3A_792 {dimension_numbers = #tpu.dot_dimension_numbers<[1], [1], [0], [0], [0, 0, 1, 0], [], []>, transpose_lhs_hint = false} : vector<20x128xf32>, vector<200x128xf32>, vector<20x200xf32> -> vector<20x200xf32>
    %dot_general3A_794 = arith.constant dense<0.000000e+00> : vector<1x200xf32>
    %dot_general3A_795 = tpu.matmul %broadcast_in_dim3A_11, %slice3A_791, %dot_general3A_794 {dimension_numbers = #tpu.dot_dimension_numbers<[1], [1], [0], [0], [0, 0, 1, 0], [], []>, transpose_lhs_hint = false} : vector<1x128xf32>, vector<200x128xf32>, vector<1x200xf32> -> vector<1x200xf32>
    %sqrt3A_796 = math.sqrt %dot_general3A_795 : vector<1x200xf32>
    %add3A_797 = arith.constant 1.000000e-10 : f32
    %add3A_798 = vector.broadcast %add3A_797 : f32 to vector<1x200xf32>
    %add3A_799 = arith.addf %sqrt3A_796, %add3A_798 : vector<1x200xf32>
    %div3A_800 = arith.constant 1.000000e+00 : f32
    %div3A_801 = vector.broadcast %div3A_800 : f32 to vector<1x200xf32>
    %div3A_802 = arith.divf %div3A_801, %add3A_799 : vector<1x200xf32>
    %mul3A_803 = vector.broadcast %div3A_802 : vector<1x200xf32> to vector<20x200xf32>
    %mul3A_804 = arith.mulf %dot_general3A_793, %mul3A_803 : vector<20x200xf32>
    %reduce_max3A_805 = arith.constant dense<0xFF800000> : vector<20xf32>
    %reduce_max3A_806 = vector.multi_reduction <maximumf>, %mul3A_804, %reduce_max3A_805 [1] : vector<20x200xf32> to vector<20xf32>
    %reduce_sum3A_807 = vector.shape_cast %reduce_max3A_806 : vector<20xf32> to vector<1x20xf32>
    %reduce_sum3A_808 = arith.constant dense<0.000000e+00> : vector<1xf32>
    %reduce_sum3A_809 = vector.multi_reduction <add>, %reduce_sum3A_807, %reduce_sum3A_808 [1] : vector<1x20xf32> to vector<1xf32>
    %reduce_sum3A_810 = vector.shape_cast %reduce_sum3A_809 : vector<1xf32> to vector<1x1xf32>
    %reduce_sum3A_811 = vector.extract %reduce_sum3A_810[0, 0] : f32 from vector<1x1xf32>
    %mul3A_812 = arith.mulf %reduce_sum3A_811, %get3A_14 : f32
    %add3A_813 = arith.addf %mul3A_812, %get3A_17 : f32
    %broadcast_in_dim3A_814 = vector.broadcast %add3A_813 : f32 to vector<128xf32>
    %swap3A_815 = arith.constant 25 : index
    %swap3A_816 = arith.constant 0 : index
    %swap3A_817 = vector.load %arg5[%swap3A_815, %swap3A_816] : memref<64x128xf32, #tpu.memory_space<vmem>>, vector<1x128xf32>
    %swap3A_818 = vector.shape_cast %swap3A_817 : vector<1x128xf32> to vector<128xf32>
    %swap3A_819 = vector.shape_cast %broadcast_in_dim3A_814 : vector<128xf32> to vector<1x128xf32>
    tpu.vector_store %arg5[%swap3A_815, %swap3A_816], %swap3A_819 {strides = array<i32>} : memref<64x128xf32, #tpu.memory_space<vmem>>, vector<1x128xf32>,
    %slice3A_820 = vector.extract_strided_slice %div3A_8 {offsets = [520, 0], sizes = [20, 128], strides = [1, 1]} : vector<1280x128xf32> to vector<20x128xf32>
    %slice3A_821 = vector.extract_strided_slice %get3A_1 {offsets = [5200, 0], sizes = [200, 128], strides = [1, 1]} : vector<12800x128xf32> to vector<200x128xf32>
    %slice3A_822 = vector.extract_strided_slice %mul3A_9 {offsets = [5200, 0], sizes = [200, 128], strides = [1, 1]} : vector<12800x128xf32> to vector<200x128xf32>
    %dot_general3A_823 = arith.constant dense<0.000000e+00> : vector<20x200xf32>
    %dot_general3A_824 = tpu.matmul %slice3A_820, %slice3A_821, %dot_general3A_823 {dimension_numbers = #tpu.dot_dimension_numbers<[1], [1], [0], [0], [0, 0, 1, 0], [], []>, transpose_lhs_hint = false} : vector<20x128xf32>, vector<200x128xf32>, vector<20x200xf32> -> vector<20x200xf32>
    %dot_general3A_825 = arith.constant dense<0.000000e+00> : vector<1x200xf32>
    %dot_general3A_826 = tpu.matmul %broadcast_in_dim3A_11, %slice3A_822, %dot_general3A_825 {dimension_numbers = #tpu.dot_dimension_numbers<[1], [1], [0], [0], [0, 0, 1, 0], [], []>, transpose_lhs_hint = false} : vector<1x128xf32>, vector<200x128xf32>, vector<1x200xf32> -> vector<1x200xf32>
    %sqrt3A_827 = math.sqrt %dot_general3A_826 : vector<1x200xf32>
    %add3A_828 = arith.constant 1.000000e-10 : f32
    %add3A_829 = vector.broadcast %add3A_828 : f32 to vector<1x200xf32>
    %add3A_830 = arith.addf %sqrt3A_827, %add3A_829 : vector<1x200xf32>
    %div3A_831 = arith.constant 1.000000e+00 : f32
    %div3A_832 = vector.broadcast %div3A_831 : f32 to vector<1x200xf32>
    %div3A_833 = arith.divf %div3A_832, %add3A_830 : vector<1x200xf32>
    %mul3A_834 = vector.broadcast %div3A_833 : vector<1x200xf32> to vector<20x200xf32>
    %mul3A_835 = arith.mulf %dot_general3A_824, %mul3A_834 : vector<20x200xf32>
    %reduce_max3A_836 = arith.constant dense<0xFF800000> : vector<20xf32>
    %reduce_max3A_837 = vector.multi_reduction <maximumf>, %mul3A_835, %reduce_max3A_836 [1] : vector<20x200xf32> to vector<20xf32>
    %reduce_sum3A_838 = vector.shape_cast %reduce_max3A_837 : vector<20xf32> to vector<1x20xf32>
    %reduce_sum3A_839 = arith.constant dense<0.000000e+00> : vector<1xf32>
    %reduce_sum3A_840 = vector.multi_reduction <add>, %reduce_sum3A_838, %reduce_sum3A_839 [1] : vector<1x20xf32> to vector<1xf32>
    %reduce_sum3A_841 = vector.shape_cast %reduce_sum3A_840 : vector<1xf32> to vector<1x1xf32>
    %reduce_sum3A_842 = vector.extract %reduce_sum3A_841[0, 0] : f32 from vector<1x1xf32>
    %mul3A_843 = arith.mulf %reduce_sum3A_842, %get3A_14 : f32
    %add3A_844 = arith.addf %mul3A_843, %get3A_17 : f32
    %broadcast_in_dim3A_845 = vector.broadcast %add3A_844 : f32 to vector<128xf32>
    %swap3A_846 = arith.constant 26 : index
    %swap3A_847 = arith.constant 0 : index
    %swap3A_848 = vector.load %arg5[%swap3A_846, %swap3A_847] : memref<64x128xf32, #tpu.memory_space<vmem>>, vector<1x128xf32>
    %swap3A_849 = vector.shape_cast %swap3A_848 : vector<1x128xf32> to vector<128xf32>
    %swap3A_850 = vector.shape_cast %broadcast_in_dim3A_845 : vector<128xf32> to vector<1x128xf32>
    tpu.vector_store %arg5[%swap3A_846, %swap3A_847], %swap3A_850 {strides = array<i32>} : memref<64x128xf32, #tpu.memory_space<vmem>>, vector<1x128xf32>,
    %slice3A_851 = vector.extract_strided_slice %div3A_8 {offsets = [540, 0], sizes = [20, 128], strides = [1, 1]} : vector<1280x128xf32> to vector<20x128xf32>
    %slice3A_852 = vector.extract_strided_slice %get3A_1 {offsets = [5400, 0], sizes = [200, 128], strides = [1, 1]} : vector<12800x128xf32> to vector<200x128xf32>
    %slice3A_853 = vector.extract_strided_slice %mul3A_9 {offsets = [5400, 0], sizes = [200, 128], strides = [1, 1]} : vector<12800x128xf32> to vector<200x128xf32>
    %dot_general3A_854 = arith.constant dense<0.000000e+00> : vector<20x200xf32>
    %dot_general3A_855 = tpu.matmul %slice3A_851, %slice3A_852, %dot_general3A_854 {dimension_numbers = #tpu.dot_dimension_numbers<[1], [1], [0], [0], [0, 0, 1, 0], [], []>, transpose_lhs_hint = false} : vector<20x128xf32>, vector<200x128xf32>, vector<20x200xf32> -> vector<20x200xf32>
    %dot_general3A_856 = arith.constant dense<0.000000e+00> : vector<1x200xf32>
    %dot_general3A_857 = tpu.matmul %broadcast_in_dim3A_11, %slice3A_853, %dot_general3A_856 {dimension_numbers = #tpu.dot_dimension_numbers<[1], [1], [0], [0], [0, 0, 1, 0], [], []>, transpose_lhs_hint = false} : vector<1x128xf32>, vector<200x128xf32>, vector<1x200xf32> -> vector<1x200xf32>
    %sqrt3A_858 = math.sqrt %dot_general3A_857 : vector<1x200xf32>
    %add3A_859 = arith.constant 1.000000e-10 : f32
    %add3A_860 = vector.broadcast %add3A_859 : f32 to vector<1x200xf32>
    %add3A_861 = arith.addf %sqrt3A_858, %add3A_860 : vector<1x200xf32>
    %div3A_862 = arith.constant 1.000000e+00 : f32
    %div3A_863 = vector.broadcast %div3A_862 : f32 to vector<1x200xf32>
    %div3A_864 = arith.divf %div3A_863, %add3A_861 : vector<1x200xf32>
    %mul3A_865 = vector.broadcast %div3A_864 : vector<1x200xf32> to vector<20x200xf32>
    %mul3A_866 = arith.mulf %dot_general3A_855, %mul3A_865 : vector<20x200xf32>
    %reduce_max3A_867 = arith.constant dense<0xFF800000> : vector<20xf32>
    %reduce_max3A_868 = vector.multi_reduction <maximumf>, %mul3A_866, %reduce_max3A_867 [1] : vector<20x200xf32> to vector<20xf32>
    %reduce_sum3A_869 = vector.shape_cast %reduce_max3A_868 : vector<20xf32> to vector<1x20xf32>
    %reduce_sum3A_870 = arith.constant dense<0.000000e+00> : vector<1xf32>
    %reduce_sum3A_871 = vector.multi_reduction <add>, %reduce_sum3A_869, %reduce_sum3A_870 [1] : vector<1x20xf32> to vector<1xf32>
    %reduce_sum3A_872 = vector.shape_cast %reduce_sum3A_871 : vector<1xf32> to vector<1x1xf32>
    %reduce_sum3A_873 = vector.extract %reduce_sum3A_872[0, 0] : f32 from vector<1x1xf32>
    %mul3A_874 = arith.mulf %reduce_sum3A_873, %get3A_14 : f32
    %add3A_875 = arith.addf %mul3A_874, %get3A_17 : f32
    %broadcast_in_dim3A_876 = vector.broadcast %add3A_875 : f32 to vector<128xf32>
    %swap3A_877 = arith.constant 27 : index
    %swap3A_878 = arith.constant 0 : index
    %swap3A_879 = vector.load %arg5[%swap3A_877, %swap3A_878] : memref<64x128xf32, #tpu.memory_space<vmem>>, vector<1x128xf32>
    %swap3A_880 = vector.shape_cast %swap3A_879 : vector<1x128xf32> to vector<128xf32>
    %swap3A_881 = vector.shape_cast %broadcast_in_dim3A_876 : vector<128xf32> to vector<1x128xf32>
    tpu.vector_store %arg5[%swap3A_877, %swap3A_878], %swap3A_881 {strides = array<i32>} : memref<64x128xf32, #tpu.memory_space<vmem>>, vector<1x128xf32>,
    %slice3A_882 = vector.extract_strided_slice %div3A_8 {offsets = [560, 0], sizes = [20, 128], strides = [1, 1]} : vector<1280x128xf32> to vector<20x128xf32>
    %slice3A_883 = vector.extract_strided_slice %get3A_1 {offsets = [5600, 0], sizes = [200, 128], strides = [1, 1]} : vector<12800x128xf32> to vector<200x128xf32>
    %slice3A_884 = vector.extract_strided_slice %mul3A_9 {offsets = [5600, 0], sizes = [200, 128], strides = [1, 1]} : vector<12800x128xf32> to vector<200x128xf32>
    %dot_general3A_885 = arith.constant dense<0.000000e+00> : vector<20x200xf32>
    %dot_general3A_886 = tpu.matmul %slice3A_882, %slice3A_883, %dot_general3A_885 {dimension_numbers = #tpu.dot_dimension_numbers<[1], [1], [0], [0], [0, 0, 1, 0], [], []>, transpose_lhs_hint = false} : vector<20x128xf32>, vector<200x128xf32>, vector<20x200xf32> -> vector<20x200xf32>
    %dot_general3A_887 = arith.constant dense<0.000000e+00> : vector<1x200xf32>
    %dot_general3A_888 = tpu.matmul %broadcast_in_dim3A_11, %slice3A_884, %dot_general3A_887 {dimension_numbers = #tpu.dot_dimension_numbers<[1], [1], [0], [0], [0, 0, 1, 0], [], []>, transpose_lhs_hint = false} : vector<1x128xf32>, vector<200x128xf32>, vector<1x200xf32> -> vector<1x200xf32>
    %sqrt3A_889 = math.sqrt %dot_general3A_888 : vector<1x200xf32>
    %add3A_890 = arith.constant 1.000000e-10 : f32
    %add3A_891 = vector.broadcast %add3A_890 : f32 to vector<1x200xf32>
    %add3A_892 = arith.addf %sqrt3A_889, %add3A_891 : vector<1x200xf32>
    %div3A_893 = arith.constant 1.000000e+00 : f32
    %div3A_894 = vector.broadcast %div3A_893 : f32 to vector<1x200xf32>
    %div3A_895 = arith.divf %div3A_894, %add3A_892 : vector<1x200xf32>
    %mul3A_896 = vector.broadcast %div3A_895 : vector<1x200xf32> to vector<20x200xf32>
    %mul3A_897 = arith.mulf %dot_general3A_886, %mul3A_896 : vector<20x200xf32>
    %reduce_max3A_898 = arith.constant dense<0xFF800000> : vector<20xf32>
    %reduce_max3A_899 = vector.multi_reduction <maximumf>, %mul3A_897, %reduce_max3A_898 [1] : vector<20x200xf32> to vector<20xf32>
    %reduce_sum3A_900 = vector.shape_cast %reduce_max3A_899 : vector<20xf32> to vector<1x20xf32>
    %reduce_sum3A_901 = arith.constant dense<0.000000e+00> : vector<1xf32>
    %reduce_sum3A_902 = vector.multi_reduction <add>, %reduce_sum3A_900, %reduce_sum3A_901 [1] : vector<1x20xf32> to vector<1xf32>
    %reduce_sum3A_903 = vector.shape_cast %reduce_sum3A_902 : vector<1xf32> to vector<1x1xf32>
    %reduce_sum3A_904 = vector.extract %reduce_sum3A_903[0, 0] : f32 from vector<1x1xf32>
    %mul3A_905 = arith.mulf %reduce_sum3A_904, %get3A_14 : f32
    %add3A_906 = arith.addf %mul3A_905, %get3A_17 : f32
    %broadcast_in_dim3A_907 = vector.broadcast %add3A_906 : f32 to vector<128xf32>
    %swap3A_908 = arith.constant 28 : index
    %swap3A_909 = arith.constant 0 : index
    %swap3A_910 = vector.load %arg5[%swap3A_908, %swap3A_909] : memref<64x128xf32, #tpu.memory_space<vmem>>, vector<1x128xf32>
    %swap3A_911 = vector.shape_cast %swap3A_910 : vector<1x128xf32> to vector<128xf32>
    %swap3A_912 = vector.shape_cast %broadcast_in_dim3A_907 : vector<128xf32> to vector<1x128xf32>
    tpu.vector_store %arg5[%swap3A_908, %swap3A_909], %swap3A_912 {strides = array<i32>} : memref<64x128xf32, #tpu.memory_space<vmem>>, vector<1x128xf32>,
    %slice3A_913 = vector.extract_strided_slice %div3A_8 {offsets = [580, 0], sizes = [20, 128], strides = [1, 1]} : vector<1280x128xf32> to vector<20x128xf32>
    %slice3A_914 = vector.extract_strided_slice %get3A_1 {offsets = [5800, 0], sizes = [200, 128], strides = [1, 1]} : vector<12800x128xf32> to vector<200x128xf32>
    %slice3A_915 = vector.extract_strided_slice %mul3A_9 {offsets = [5800, 0], sizes = [200, 128], strides = [1, 1]} : vector<12800x128xf32> to vector<200x128xf32>
    %dot_general3A_916 = arith.constant dense<0.000000e+00> : vector<20x200xf32>
    %dot_general3A_917 = tpu.matmul %slice3A_913, %slice3A_914, %dot_general3A_916 {dimension_numbers = #tpu.dot_dimension_numbers<[1], [1], [0], [0], [0, 0, 1, 0], [], []>, transpose_lhs_hint = false} : vector<20x128xf32>, vector<200x128xf32>, vector<20x200xf32> -> vector<20x200xf32>
    %dot_general3A_918 = arith.constant dense<0.000000e+00> : vector<1x200xf32>
    %dot_general3A_919 = tpu.matmul %broadcast_in_dim3A_11, %slice3A_915, %dot_general3A_918 {dimension_numbers = #tpu.dot_dimension_numbers<[1], [1], [0], [0], [0, 0, 1, 0], [], []>, transpose_lhs_hint = false} : vector<1x128xf32>, vector<200x128xf32>, vector<1x200xf32> -> vector<1x200xf32>
    %sqrt3A_920 = math.sqrt %dot_general3A_919 : vector<1x200xf32>
    %add3A_921 = arith.constant 1.000000e-10 : f32
    %add3A_922 = vector.broadcast %add3A_921 : f32 to vector<1x200xf32>
    %add3A_923 = arith.addf %sqrt3A_920, %add3A_922 : vector<1x200xf32>
    %div3A_924 = arith.constant 1.000000e+00 : f32
    %div3A_925 = vector.broadcast %div3A_924 : f32 to vector<1x200xf32>
    %div3A_926 = arith.divf %div3A_925, %add3A_923 : vector<1x200xf32>
    %mul3A_927 = vector.broadcast %div3A_926 : vector<1x200xf32> to vector<20x200xf32>
    %mul3A_928 = arith.mulf %dot_general3A_917, %mul3A_927 : vector<20x200xf32>
    %reduce_max3A_929 = arith.constant dense<0xFF800000> : vector<20xf32>
    %reduce_max3A_930 = vector.multi_reduction <maximumf>, %mul3A_928, %reduce_max3A_929 [1] : vector<20x200xf32> to vector<20xf32>
    %reduce_sum3A_931 = vector.shape_cast %reduce_max3A_930 : vector<20xf32> to vector<1x20xf32>
    %reduce_sum3A_932 = arith.constant dense<0.000000e+00> : vector<1xf32>
    %reduce_sum3A_933 = vector.multi_reduction <add>, %reduce_sum3A_931, %reduce_sum3A_932 [1] : vector<1x20xf32> to vector<1xf32>
    %reduce_sum3A_934 = vector.shape_cast %reduce_sum3A_933 : vector<1xf32> to vector<1x1xf32>
    %reduce_sum3A_935 = vector.extract %reduce_sum3A_934[0, 0] : f32 from vector<1x1xf32>
    %mul3A_936 = arith.mulf %reduce_sum3A_935, %get3A_14 : f32
    %add3A_937 = arith.addf %mul3A_936, %get3A_17 : f32
    %broadcast_in_dim3A_938 = vector.broadcast %add3A_937 : f32 to vector<128xf32>
    %swap3A_939 = arith.constant 29 : index
    %swap3A_940 = arith.constant 0 : index
    %swap3A_941 = vector.load %arg5[%swap3A_939, %swap3A_940] : memref<64x128xf32, #tpu.memory_space<vmem>>, vector<1x128xf32>
    %swap3A_942 = vector.shape_cast %swap3A_941 : vector<1x128xf32> to vector<128xf32>
    %swap3A_943 = vector.shape_cast %broadcast_in_dim3A_938 : vector<128xf32> to vector<1x128xf32>
    tpu.vector_store %arg5[%swap3A_939, %swap3A_940], %swap3A_943 {strides = array<i32>} : memref<64x128xf32, #tpu.memory_space<vmem>>, vector<1x128xf32>,
    %slice3A_944 = vector.extract_strided_slice %div3A_8 {offsets = [600, 0], sizes = [20, 128], strides = [1, 1]} : vector<1280x128xf32> to vector<20x128xf32>
    %slice3A_945 = vector.extract_strided_slice %get3A_1 {offsets = [6000, 0], sizes = [200, 128], strides = [1, 1]} : vector<12800x128xf32> to vector<200x128xf32>
    %slice3A_946 = vector.extract_strided_slice %mul3A_9 {offsets = [6000, 0], sizes = [200, 128], strides = [1, 1]} : vector<12800x128xf32> to vector<200x128xf32>
    %dot_general3A_947 = arith.constant dense<0.000000e+00> : vector<20x200xf32>
    %dot_general3A_948 = tpu.matmul %slice3A_944, %slice3A_945, %dot_general3A_947 {dimension_numbers = #tpu.dot_dimension_numbers<[1], [1], [0], [0], [0, 0, 1, 0], [], []>, transpose_lhs_hint = false} : vector<20x128xf32>, vector<200x128xf32>, vector<20x200xf32> -> vector<20x200xf32>
    %dot_general3A_949 = arith.constant dense<0.000000e+00> : vector<1x200xf32>
    %dot_general3A_950 = tpu.matmul %broadcast_in_dim3A_11, %slice3A_946, %dot_general3A_949 {dimension_numbers = #tpu.dot_dimension_numbers<[1], [1], [0], [0], [0, 0, 1, 0], [], []>, transpose_lhs_hint = false} : vector<1x128xf32>, vector<200x128xf32>, vector<1x200xf32> -> vector<1x200xf32>
    %sqrt3A_951 = math.sqrt %dot_general3A_950 : vector<1x200xf32>
    %add3A_952 = arith.constant 1.000000e-10 : f32
    %add3A_953 = vector.broadcast %add3A_952 : f32 to vector<1x200xf32>
    %add3A_954 = arith.addf %sqrt3A_951, %add3A_953 : vector<1x200xf32>
    %div3A_955 = arith.constant 1.000000e+00 : f32
    %div3A_956 = vector.broadcast %div3A_955 : f32 to vector<1x200xf32>
    %div3A_957 = arith.divf %div3A_956, %add3A_954 : vector<1x200xf32>
    %mul3A_958 = vector.broadcast %div3A_957 : vector<1x200xf32> to vector<20x200xf32>
    %mul3A_959 = arith.mulf %dot_general3A_948, %mul3A_958 : vector<20x200xf32>
    %reduce_max3A_960 = arith.constant dense<0xFF800000> : vector<20xf32>
    %reduce_max3A_961 = vector.multi_reduction <maximumf>, %mul3A_959, %reduce_max3A_960 [1] : vector<20x200xf32> to vector<20xf32>
    %reduce_sum3A_962 = vector.shape_cast %reduce_max3A_961 : vector<20xf32> to vector<1x20xf32>
    %reduce_sum3A_963 = arith.constant dense<0.000000e+00> : vector<1xf32>
    %reduce_sum3A_964 = vector.multi_reduction <add>, %reduce_sum3A_962, %reduce_sum3A_963 [1] : vector<1x20xf32> to vector<1xf32>
    %reduce_sum3A_965 = vector.shape_cast %reduce_sum3A_964 : vector<1xf32> to vector<1x1xf32>
    %reduce_sum3A_966 = vector.extract %reduce_sum3A_965[0, 0] : f32 from vector<1x1xf32>
    %mul3A_967 = arith.mulf %reduce_sum3A_966, %get3A_14 : f32
    %add3A_968 = arith.addf %mul3A_967, %get3A_17 : f32
    %broadcast_in_dim3A_969 = vector.broadcast %add3A_968 : f32 to vector<128xf32>
    %swap3A_970 = arith.constant 30 : index
    %swap3A_971 = arith.constant 0 : index
    %swap3A_972 = vector.load %arg5[%swap3A_970, %swap3A_971] : memref<64x128xf32, #tpu.memory_space<vmem>>, vector<1x128xf32>
    %swap3A_973 = vector.shape_cast %swap3A_972 : vector<1x128xf32> to vector<128xf32>
    %swap3A_974 = vector.shape_cast %broadcast_in_dim3A_969 : vector<128xf32> to vector<1x128xf32>
    tpu.vector_store %arg5[%swap3A_970, %swap3A_971], %swap3A_974 {strides = array<i32>} : memref<64x128xf32, #tpu.memory_space<vmem>>, vector<1x128xf32>,
    %slice3A_975 = vector.extract_strided_slice %div3A_8 {offsets = [620, 0], sizes = [20, 128], strides = [1, 1]} : vector<1280x128xf32> to vector<20x128xf32>
    %slice3A_976 = vector.extract_strided_slice %get3A_1 {offsets = [6200, 0], sizes = [200, 128], strides = [1, 1]} : vector<12800x128xf32> to vector<200x128xf32>
    %slice3A_977 = vector.extract_strided_slice %mul3A_9 {offsets = [6200, 0], sizes = [200, 128], strides = [1, 1]} : vector<12800x128xf32> to vector<200x128xf32>
    %dot_general3A_978 = arith.constant dense<0.000000e+00> : vector<20x200xf32>
    %dot_general3A_979 = tpu.matmul %slice3A_975, %slice3A_976, %dot_general3A_978 {dimension_numbers = #tpu.dot_dimension_numbers<[1], [1], [0], [0], [0, 0, 1, 0], [], []>, transpose_lhs_hint = false} : vector<20x128xf32>, vector<200x128xf32>, vector<20x200xf32> -> vector<20x200xf32>
    %dot_general3A_980 = arith.constant dense<0.000000e+00> : vector<1x200xf32>
    %dot_general3A_981 = tpu.matmul %broadcast_in_dim3A_11, %slice3A_977, %dot_general3A_980 {dimension_numbers = #tpu.dot_dimension_numbers<[1], [1], [0], [0], [0, 0, 1, 0], [], []>, transpose_lhs_hint = false} : vector<1x128xf32>, vector<200x128xf32>, vector<1x200xf32> -> vector<1x200xf32>
    %sqrt3A_982 = math.sqrt %dot_general3A_981 : vector<1x200xf32>
    %add3A_983 = arith.constant 1.000000e-10 : f32
    %add3A_984 = vector.broadcast %add3A_983 : f32 to vector<1x200xf32>
    %add3A_985 = arith.addf %sqrt3A_982, %add3A_984 : vector<1x200xf32>
    %div3A_986 = arith.constant 1.000000e+00 : f32
    %div3A_987 = vector.broadcast %div3A_986 : f32 to vector<1x200xf32>
    %div3A_988 = arith.divf %div3A_987, %add3A_985 : vector<1x200xf32>
    %mul3A_989 = vector.broadcast %div3A_988 : vector<1x200xf32> to vector<20x200xf32>
    %mul3A_990 = arith.mulf %dot_general3A_979, %mul3A_989 : vector<20x200xf32>
    %reduce_max3A_991 = arith.constant dense<0xFF800000> : vector<20xf32>
    %reduce_max3A_992 = vector.multi_reduction <maximumf>, %mul3A_990, %reduce_max3A_991 [1] : vector<20x200xf32> to vector<20xf32>
    %reduce_sum3A_993 = vector.shape_cast %reduce_max3A_992 : vector<20xf32> to vector<1x20xf32>
    %reduce_sum3A_994 = arith.constant dense<0.000000e+00> : vector<1xf32>
    %reduce_sum3A_995 = vector.multi_reduction <add>, %reduce_sum3A_993, %reduce_sum3A_994 [1] : vector<1x20xf32> to vector<1xf32>
    %reduce_sum3A_996 = vector.shape_cast %reduce_sum3A_995 : vector<1xf32> to vector<1x1xf32>
    %reduce_sum3A_997 = vector.extract %reduce_sum3A_996[0, 0] : f32 from vector<1x1xf32>
    %mul3A_998 = arith.mulf %reduce_sum3A_997, %get3A_14 : f32
    %add3A_999 = arith.addf %mul3A_998, %get3A_17 : f32
    %broadcast_in_dim3A_1000 = vector.broadcast %add3A_999 : f32 to vector<128xf32>
    %swap3A_1001 = arith.constant 31 : index
    %swap3A_1002 = arith.constant 0 : index
    %swap3A_1003 = vector.load %arg5[%swap3A_1001, %swap3A_1002] : memref<64x128xf32, #tpu.memory_space<vmem>>, vector<1x128xf32>
    %swap3A_1004 = vector.shape_cast %swap3A_1003 : vector<1x128xf32> to vector<128xf32>
    %swap3A_1005 = vector.shape_cast %broadcast_in_dim3A_1000 : vector<128xf32> to vector<1x128xf32>
    tpu.vector_store %arg5[%swap3A_1001, %swap3A_1002], %swap3A_1005 {strides = array<i32>} : memref<64x128xf32, #tpu.memory_space<vmem>>, vector<1x128xf32>,
    %slice3A_1006 = vector.extract_strided_slice %div3A_8 {offsets = [640, 0], sizes = [20, 128], strides = [1, 1]} : vector<1280x128xf32> to vector<20x128xf32>
    %slice3A_1007 = vector.extract_strided_slice %get3A_1 {offsets = [6400, 0], sizes = [200, 128], strides = [1, 1]} : vector<12800x128xf32> to vector<200x128xf32>
    %slice3A_1008 = vector.extract_strided_slice %mul3A_9 {offsets = [6400, 0], sizes = [200, 128], strides = [1, 1]} : vector<12800x128xf32> to vector<200x128xf32>
    %dot_general3A_1009 = arith.constant dense<0.000000e+00> : vector<20x200xf32>
    %dot_general3A_1010 = tpu.matmul %slice3A_1006, %slice3A_1007, %dot_general3A_1009 {dimension_numbers = #tpu.dot_dimension_numbers<[1], [1], [0], [0], [0, 0, 1, 0], [], []>, transpose_lhs_hint = false} : vector<20x128xf32>, vector<200x128xf32>, vector<20x200xf32> -> vector<20x200xf32>
    %dot_general3A_1011 = arith.constant dense<0.000000e+00> : vector<1x200xf32>
    %dot_general3A_1012 = tpu.matmul %broadcast_in_dim3A_11, %slice3A_1008, %dot_general3A_1011 {dimension_numbers = #tpu.dot_dimension_numbers<[1], [1], [0], [0], [0, 0, 1, 0], [], []>, transpose_lhs_hint = false} : vector<1x128xf32>, vector<200x128xf32>, vector<1x200xf32> -> vector<1x200xf32>
    %sqrt3A_1013 = math.sqrt %dot_general3A_1012 : vector<1x200xf32>
    %add3A_1014 = arith.constant 1.000000e-10 : f32
    %add3A_1015 = vector.broadcast %add3A_1014 : f32 to vector<1x200xf32>
    %add3A_1016 = arith.addf %sqrt3A_1013, %add3A_1015 : vector<1x200xf32>
    %div3A_1017 = arith.constant 1.000000e+00 : f32
    %div3A_1018 = vector.broadcast %div3A_1017 : f32 to vector<1x200xf32>
    %div3A_1019 = arith.divf %div3A_1018, %add3A_1016 : vector<1x200xf32>
    %mul3A_1020 = vector.broadcast %div3A_1019 : vector<1x200xf32> to vector<20x200xf32>
    %mul3A_1021 = arith.mulf %dot_general3A_1010, %mul3A_1020 : vector<20x200xf32>
    %reduce_max3A_1022 = arith.constant dense<0xFF800000> : vector<20xf32>
    %reduce_max3A_1023 = vector.multi_reduction <maximumf>, %mul3A_1021, %reduce_max3A_1022 [1] : vector<20x200xf32> to vector<20xf32>
    %reduce_sum3A_1024 = vector.shape_cast %reduce_max3A_1023 : vector<20xf32> to vector<1x20xf32>
    %reduce_sum3A_1025 = arith.constant dense<0.000000e+00> : vector<1xf32>
    %reduce_sum3A_1026 = vector.multi_reduction <add>, %reduce_sum3A_1024, %reduce_sum3A_1025 [1] : vector<1x20xf32> to vector<1xf32>
    %reduce_sum3A_1027 = vector.shape_cast %reduce_sum3A_1026 : vector<1xf32> to vector<1x1xf32>
    %reduce_sum3A_1028 = vector.extract %reduce_sum3A_1027[0, 0] : f32 from vector<1x1xf32>
    %mul3A_1029 = arith.mulf %reduce_sum3A_1028, %get3A_14 : f32
    %add3A_1030 = arith.addf %mul3A_1029, %get3A_17 : f32
    %broadcast_in_dim3A_1031 = vector.broadcast %add3A_1030 : f32 to vector<128xf32>
    %swap3A_1032 = arith.constant 32 : index
    %swap3A_1033 = arith.constant 0 : index
    %swap3A_1034 = vector.load %arg5[%swap3A_1032, %swap3A_1033] : memref<64x128xf32, #tpu.memory_space<vmem>>, vector<1x128xf32>
    %swap3A_1035 = vector.shape_cast %swap3A_1034 : vector<1x128xf32> to vector<128xf32>
    %swap3A_1036 = vector.shape_cast %broadcast_in_dim3A_1031 : vector<128xf32> to vector<1x128xf32>
    tpu.vector_store %arg5[%swap3A_1032, %swap3A_1033], %swap3A_1036 {strides = array<i32>} : memref<64x128xf32, #tpu.memory_space<vmem>>, vector<1x128xf32>,
    %slice3A_1037 = vector.extract_strided_slice %div3A_8 {offsets = [660, 0], sizes = [20, 128], strides = [1, 1]} : vector<1280x128xf32> to vector<20x128xf32>
    %slice3A_1038 = vector.extract_strided_slice %get3A_1 {offsets = [6600, 0], sizes = [200, 128], strides = [1, 1]} : vector<12800x128xf32> to vector<200x128xf32>
    %slice3A_1039 = vector.extract_strided_slice %mul3A_9 {offsets = [6600, 0], sizes = [200, 128], strides = [1, 1]} : vector<12800x128xf32> to vector<200x128xf32>
    %dot_general3A_1040 = arith.constant dense<0.000000e+00> : vector<20x200xf32>
    %dot_general3A_1041 = tpu.matmul %slice3A_1037, %slice3A_1038, %dot_general3A_1040 {dimension_numbers = #tpu.dot_dimension_numbers<[1], [1], [0], [0], [0, 0, 1, 0], [], []>, transpose_lhs_hint = false} : vector<20x128xf32>, vector<200x128xf32>, vector<20x200xf32> -> vector<20x200xf32>
    %dot_general3A_1042 = arith.constant dense<0.000000e+00> : vector<1x200xf32>
    %dot_general3A_1043 = tpu.matmul %broadcast_in_dim3A_11, %slice3A_1039, %dot_general3A_1042 {dimension_numbers = #tpu.dot_dimension_numbers<[1], [1], [0], [0], [0, 0, 1, 0], [], []>, transpose_lhs_hint = false} : vector<1x128xf32>, vector<200x128xf32>, vector<1x200xf32> -> vector<1x200xf32>
    %sqrt3A_1044 = math.sqrt %dot_general3A_1043 : vector<1x200xf32>
    %add3A_1045 = arith.constant 1.000000e-10 : f32
    %add3A_1046 = vector.broadcast %add3A_1045 : f32 to vector<1x200xf32>
    %add3A_1047 = arith.addf %sqrt3A_1044, %add3A_1046 : vector<1x200xf32>
    %div3A_1048 = arith.constant 1.000000e+00 : f32
    %div3A_1049 = vector.broadcast %div3A_1048 : f32 to vector<1x200xf32>
    %div3A_1050 = arith.divf %div3A_1049, %add3A_1047 : vector<1x200xf32>
    %mul3A_1051 = vector.broadcast %div3A_1050 : vector<1x200xf32> to vector<20x200xf32>
    %mul3A_1052 = arith.mulf %dot_general3A_1041, %mul3A_1051 : vector<20x200xf32>
    %reduce_max3A_1053 = arith.constant dense<0xFF800000> : vector<20xf32>
    %reduce_max3A_1054 = vector.multi_reduction <maximumf>, %mul3A_1052, %reduce_max3A_1053 [1] : vector<20x200xf32> to vector<20xf32>
    %reduce_sum3A_1055 = vector.shape_cast %reduce_max3A_1054 : vector<20xf32> to vector<1x20xf32>
    %reduce_sum3A_1056 = arith.constant dense<0.000000e+00> : vector<1xf32>
    %reduce_sum3A_1057 = vector.multi_reduction <add>, %reduce_sum3A_1055, %reduce_sum3A_1056 [1] : vector<1x20xf32> to vector<1xf32>
    %reduce_sum3A_1058 = vector.shape_cast %reduce_sum3A_1057 : vector<1xf32> to vector<1x1xf32>
    %reduce_sum3A_1059 = vector.extract %reduce_sum3A_1058[0, 0] : f32 from vector<1x1xf32>
    %mul3A_1060 = arith.mulf %reduce_sum3A_1059, %get3A_14 : f32
    %add3A_1061 = arith.addf %mul3A_1060, %get3A_17 : f32
    %broadcast_in_dim3A_1062 = vector.broadcast %add3A_1061 : f32 to vector<128xf32>
    %swap3A_1063 = arith.constant 33 : index
    %swap3A_1064 = arith.constant 0 : index
    %swap3A_1065 = vector.load %arg5[%swap3A_1063, %swap3A_1064] : memref<64x128xf32, #tpu.memory_space<vmem>>, vector<1x128xf32>
    %swap3A_1066 = vector.shape_cast %swap3A_1065 : vector<1x128xf32> to vector<128xf32>
    %swap3A_1067 = vector.shape_cast %broadcast_in_dim3A_1062 : vector<128xf32> to vector<1x128xf32>
    tpu.vector_store %arg5[%swap3A_1063, %swap3A_1064], %swap3A_1067 {strides = array<i32>} : memref<64x128xf32, #tpu.memory_space<vmem>>, vector<1x128xf32>,
    %slice3A_1068 = vector.extract_strided_slice %div3A_8 {offsets = [680, 0], sizes = [20, 128], strides = [1, 1]} : vector<1280x128xf32> to vector<20x128xf32>
    %slice3A_1069 = vector.extract_strided_slice %get3A_1 {offsets = [6800, 0], sizes = [200, 128], strides = [1, 1]} : vector<12800x128xf32> to vector<200x128xf32>
    %slice3A_1070 = vector.extract_strided_slice %mul3A_9 {offsets = [6800, 0], sizes = [200, 128], strides = [1, 1]} : vector<12800x128xf32> to vector<200x128xf32>
    %dot_general3A_1071 = arith.constant dense<0.000000e+00> : vector<20x200xf32>
    %dot_general3A_1072 = tpu.matmul %slice3A_1068, %slice3A_1069, %dot_general3A_1071 {dimension_numbers = #tpu.dot_dimension_numbers<[1], [1], [0], [0], [0, 0, 1, 0], [], []>, transpose_lhs_hint = false} : vector<20x128xf32>, vector<200x128xf32>, vector<20x200xf32> -> vector<20x200xf32>
    %dot_general3A_1073 = arith.constant dense<0.000000e+00> : vector<1x200xf32>
    %dot_general3A_1074 = tpu.matmul %broadcast_in_dim3A_11, %slice3A_1070, %dot_general3A_1073 {dimension_numbers = #tpu.dot_dimension_numbers<[1], [1], [0], [0], [0, 0, 1, 0], [], []>, transpose_lhs_hint = false} : vector<1x128xf32>, vector<200x128xf32>, vector<1x200xf32> -> vector<1x200xf32>
    %sqrt3A_1075 = math.sqrt %dot_general3A_1074 : vector<1x200xf32>
    %add3A_1076 = arith.constant 1.000000e-10 : f32
    %add3A_1077 = vector.broadcast %add3A_1076 : f32 to vector<1x200xf32>
    %add3A_1078 = arith.addf %sqrt3A_1075, %add3A_1077 : vector<1x200xf32>
    %div3A_1079 = arith.constant 1.000000e+00 : f32
    %div3A_1080 = vector.broadcast %div3A_1079 : f32 to vector<1x200xf32>
    %div3A_1081 = arith.divf %div3A_1080, %add3A_1078 : vector<1x200xf32>
    %mul3A_1082 = vector.broadcast %div3A_1081 : vector<1x200xf32> to vector<20x200xf32>
    %mul3A_1083 = arith.mulf %dot_general3A_1072, %mul3A_1082 : vector<20x200xf32>
    %reduce_max3A_1084 = arith.constant dense<0xFF800000> : vector<20xf32>
    %reduce_max3A_1085 = vector.multi_reduction <maximumf>, %mul3A_1083, %reduce_max3A_1084 [1] : vector<20x200xf32> to vector<20xf32>
    %reduce_sum3A_1086 = vector.shape_cast %reduce_max3A_1085 : vector<20xf32> to vector<1x20xf32>
    %reduce_sum3A_1087 = arith.constant dense<0.000000e+00> : vector<1xf32>
    %reduce_sum3A_1088 = vector.multi_reduction <add>, %reduce_sum3A_1086, %reduce_sum3A_1087 [1] : vector<1x20xf32> to vector<1xf32>
    %reduce_sum3A_1089 = vector.shape_cast %reduce_sum3A_1088 : vector<1xf32> to vector<1x1xf32>
    %reduce_sum3A_1090 = vector.extract %reduce_sum3A_1089[0, 0] : f32 from vector<1x1xf32>
    %mul3A_1091 = arith.mulf %reduce_sum3A_1090, %get3A_14 : f32
    %add3A_1092 = arith.addf %mul3A_1091, %get3A_17 : f32
    %broadcast_in_dim3A_1093 = vector.broadcast %add3A_1092 : f32 to vector<128xf32>
    %swap3A_1094 = arith.constant 34 : index
    %swap3A_1095 = arith.constant 0 : index
    %swap3A_1096 = vector.load %arg5[%swap3A_1094, %swap3A_1095] : memref<64x128xf32, #tpu.memory_space<vmem>>, vector<1x128xf32>
    %swap3A_1097 = vector.shape_cast %swap3A_1096 : vector<1x128xf32> to vector<128xf32>
    %swap3A_1098 = vector.shape_cast %broadcast_in_dim3A_1093 : vector<128xf32> to vector<1x128xf32>
    tpu.vector_store %arg5[%swap3A_1094, %swap3A_1095], %swap3A_1098 {strides = array<i32>} : memref<64x128xf32, #tpu.memory_space<vmem>>, vector<1x128xf32>,
    %slice3A_1099 = vector.extract_strided_slice %div3A_8 {offsets = [700, 0], sizes = [20, 128], strides = [1, 1]} : vector<1280x128xf32> to vector<20x128xf32>
    %slice3A_1100 = vector.extract_strided_slice %get3A_1 {offsets = [7000, 0], sizes = [200, 128], strides = [1, 1]} : vector<12800x128xf32> to vector<200x128xf32>
    %slice3A_1101 = vector.extract_strided_slice %mul3A_9 {offsets = [7000, 0], sizes = [200, 128], strides = [1, 1]} : vector<12800x128xf32> to vector<200x128xf32>
    %dot_general3A_1102 = arith.constant dense<0.000000e+00> : vector<20x200xf32>
    %dot_general3A_1103 = tpu.matmul %slice3A_1099, %slice3A_1100, %dot_general3A_1102 {dimension_numbers = #tpu.dot_dimension_numbers<[1], [1], [0], [0], [0, 0, 1, 0], [], []>, transpose_lhs_hint = false} : vector<20x128xf32>, vector<200x128xf32>, vector<20x200xf32> -> vector<20x200xf32>
    %dot_general3A_1104 = arith.constant dense<0.000000e+00> : vector<1x200xf32>
    %dot_general3A_1105 = tpu.matmul %broadcast_in_dim3A_11, %slice3A_1101, %dot_general3A_1104 {dimension_numbers = #tpu.dot_dimension_numbers<[1], [1], [0], [0], [0, 0, 1, 0], [], []>, transpose_lhs_hint = false} : vector<1x128xf32>, vector<200x128xf32>, vector<1x200xf32> -> vector<1x200xf32>
    %sqrt3A_1106 = math.sqrt %dot_general3A_1105 : vector<1x200xf32>
    %add3A_1107 = arith.constant 1.000000e-10 : f32
    %add3A_1108 = vector.broadcast %add3A_1107 : f32 to vector<1x200xf32>
    %add3A_1109 = arith.addf %sqrt3A_1106, %add3A_1108 : vector<1x200xf32>
    %div3A_1110 = arith.constant 1.000000e+00 : f32
    %div3A_1111 = vector.broadcast %div3A_1110 : f32 to vector<1x200xf32>
    %div3A_1112 = arith.divf %div3A_1111, %add3A_1109 : vector<1x200xf32>
    %mul3A_1113 = vector.broadcast %div3A_1112 : vector<1x200xf32> to vector<20x200xf32>
    %mul3A_1114 = arith.mulf %dot_general3A_1103, %mul3A_1113 : vector<20x200xf32>
    %reduce_max3A_1115 = arith.constant dense<0xFF800000> : vector<20xf32>
    %reduce_max3A_1116 = vector.multi_reduction <maximumf>, %mul3A_1114, %reduce_max3A_1115 [1] : vector<20x200xf32> to vector<20xf32>
    %reduce_sum3A_1117 = vector.shape_cast %reduce_max3A_1116 : vector<20xf32> to vector<1x20xf32>
    %reduce_sum3A_1118 = arith.constant dense<0.000000e+00> : vector<1xf32>
    %reduce_sum3A_1119 = vector.multi_reduction <add>, %reduce_sum3A_1117, %reduce_sum3A_1118 [1] : vector<1x20xf32> to vector<1xf32>
    %reduce_sum3A_1120 = vector.shape_cast %reduce_sum3A_1119 : vector<1xf32> to vector<1x1xf32>
    %reduce_sum3A_1121 = vector.extract %reduce_sum3A_1120[0, 0] : f32 from vector<1x1xf32>
    %mul3A_1122 = arith.mulf %reduce_sum3A_1121, %get3A_14 : f32
    %add3A_1123 = arith.addf %mul3A_1122, %get3A_17 : f32
    %broadcast_in_dim3A_1124 = vector.broadcast %add3A_1123 : f32 to vector<128xf32>
    %swap3A_1125 = arith.constant 35 : index
    %swap3A_1126 = arith.constant 0 : index
    %swap3A_1127 = vector.load %arg5[%swap3A_1125, %swap3A_1126] : memref<64x128xf32, #tpu.memory_space<vmem>>, vector<1x128xf32>
    %swap3A_1128 = vector.shape_cast %swap3A_1127 : vector<1x128xf32> to vector<128xf32>
    %swap3A_1129 = vector.shape_cast %broadcast_in_dim3A_1124 : vector<128xf32> to vector<1x128xf32>
    tpu.vector_store %arg5[%swap3A_1125, %swap3A_1126], %swap3A_1129 {strides = array<i32>} : memref<64x128xf32, #tpu.memory_space<vmem>>, vector<1x128xf32>,
    %slice3A_1130 = vector.extract_strided_slice %div3A_8 {offsets = [720, 0], sizes = [20, 128], strides = [1, 1]} : vector<1280x128xf32> to vector<20x128xf32>
    %slice3A_1131 = vector.extract_strided_slice %get3A_1 {offsets = [7200, 0], sizes = [200, 128], strides = [1, 1]} : vector<12800x128xf32> to vector<200x128xf32>
    %slice3A_1132 = vector.extract_strided_slice %mul3A_9 {offsets = [7200, 0], sizes = [200, 128], strides = [1, 1]} : vector<12800x128xf32> to vector<200x128xf32>
    %dot_general3A_1133 = arith.constant dense<0.000000e+00> : vector<20x200xf32>
    %dot_general3A_1134 = tpu.matmul %slice3A_1130, %slice3A_1131, %dot_general3A_1133 {dimension_numbers = #tpu.dot_dimension_numbers<[1], [1], [0], [0], [0, 0, 1, 0], [], []>, transpose_lhs_hint = false} : vector<20x128xf32>, vector<200x128xf32>, vector<20x200xf32> -> vector<20x200xf32>
    %dot_general3A_1135 = arith.constant dense<0.000000e+00> : vector<1x200xf32>
    %dot_general3A_1136 = tpu.matmul %broadcast_in_dim3A_11, %slice3A_1132, %dot_general3A_1135 {dimension_numbers = #tpu.dot_dimension_numbers<[1], [1], [0], [0], [0, 0, 1, 0], [], []>, transpose_lhs_hint = false} : vector<1x128xf32>, vector<200x128xf32>, vector<1x200xf32> -> vector<1x200xf32>
    %sqrt3A_1137 = math.sqrt %dot_general3A_1136 : vector<1x200xf32>
    %add3A_1138 = arith.constant 1.000000e-10 : f32
    %add3A_1139 = vector.broadcast %add3A_1138 : f32 to vector<1x200xf32>
    %add3A_1140 = arith.addf %sqrt3A_1137, %add3A_1139 : vector<1x200xf32>
    %div3A_1141 = arith.constant 1.000000e+00 : f32
    %div3A_1142 = vector.broadcast %div3A_1141 : f32 to vector<1x200xf32>
    %div3A_1143 = arith.divf %div3A_1142, %add3A_1140 : vector<1x200xf32>
    %mul3A_1144 = vector.broadcast %div3A_1143 : vector<1x200xf32> to vector<20x200xf32>
    %mul3A_1145 = arith.mulf %dot_general3A_1134, %mul3A_1144 : vector<20x200xf32>
    %reduce_max3A_1146 = arith.constant dense<0xFF800000> : vector<20xf32>
    %reduce_max3A_1147 = vector.multi_reduction <maximumf>, %mul3A_1145, %reduce_max3A_1146 [1] : vector<20x200xf32> to vector<20xf32>
    %reduce_sum3A_1148 = vector.shape_cast %reduce_max3A_1147 : vector<20xf32> to vector<1x20xf32>
    %reduce_sum3A_1149 = arith.constant dense<0.000000e+00> : vector<1xf32>
    %reduce_sum3A_1150 = vector.multi_reduction <add>, %reduce_sum3A_1148, %reduce_sum3A_1149 [1] : vector<1x20xf32> to vector<1xf32>
    %reduce_sum3A_1151 = vector.shape_cast %reduce_sum3A_1150 : vector<1xf32> to vector<1x1xf32>
    %reduce_sum3A_1152 = vector.extract %reduce_sum3A_1151[0, 0] : f32 from vector<1x1xf32>
    %mul3A_1153 = arith.mulf %reduce_sum3A_1152, %get3A_14 : f32
    %add3A_1154 = arith.addf %mul3A_1153, %get3A_17 : f32
    %broadcast_in_dim3A_1155 = vector.broadcast %add3A_1154 : f32 to vector<128xf32>
    %swap3A_1156 = arith.constant 36 : index
    %swap3A_1157 = arith.constant 0 : index
    %swap3A_1158 = vector.load %arg5[%swap3A_1156, %swap3A_1157] : memref<64x128xf32, #tpu.memory_space<vmem>>, vector<1x128xf32>
    %swap3A_1159 = vector.shape_cast %swap3A_1158 : vector<1x128xf32> to vector<128xf32>
    %swap3A_1160 = vector.shape_cast %broadcast_in_dim3A_1155 : vector<128xf32> to vector<1x128xf32>
    tpu.vector_store %arg5[%swap3A_1156, %swap3A_1157], %swap3A_1160 {strides = array<i32>} : memref<64x128xf32, #tpu.memory_space<vmem>>, vector<1x128xf32>,
    %slice3A_1161 = vector.extract_strided_slice %div3A_8 {offsets = [740, 0], sizes = [20, 128], strides = [1, 1]} : vector<1280x128xf32> to vector<20x128xf32>
    %slice3A_1162 = vector.extract_strided_slice %get3A_1 {offsets = [7400, 0], sizes = [200, 128], strides = [1, 1]} : vector<12800x128xf32> to vector<200x128xf32>
    %slice3A_1163 = vector.extract_strided_slice %mul3A_9 {offsets = [7400, 0], sizes = [200, 128], strides = [1, 1]} : vector<12800x128xf32> to vector<200x128xf32>
    %dot_general3A_1164 = arith.constant dense<0.000000e+00> : vector<20x200xf32>
    %dot_general3A_1165 = tpu.matmul %slice3A_1161, %slice3A_1162, %dot_general3A_1164 {dimension_numbers = #tpu.dot_dimension_numbers<[1], [1], [0], [0], [0, 0, 1, 0], [], []>, transpose_lhs_hint = false} : vector<20x128xf32>, vector<200x128xf32>, vector<20x200xf32> -> vector<20x200xf32>
    %dot_general3A_1166 = arith.constant dense<0.000000e+00> : vector<1x200xf32>
    %dot_general3A_1167 = tpu.matmul %broadcast_in_dim3A_11, %slice3A_1163, %dot_general3A_1166 {dimension_numbers = #tpu.dot_dimension_numbers<[1], [1], [0], [0], [0, 0, 1, 0], [], []>, transpose_lhs_hint = false} : vector<1x128xf32>, vector<200x128xf32>, vector<1x200xf32> -> vector<1x200xf32>
    %sqrt3A_1168 = math.sqrt %dot_general3A_1167 : vector<1x200xf32>
    %add3A_1169 = arith.constant 1.000000e-10 : f32
    %add3A_1170 = vector.broadcast %add3A_1169 : f32 to vector<1x200xf32>
    %add3A_1171 = arith.addf %sqrt3A_1168, %add3A_1170 : vector<1x200xf32>
    %div3A_1172 = arith.constant 1.000000e+00 : f32
    %div3A_1173 = vector.broadcast %div3A_1172 : f32 to vector<1x200xf32>
    %div3A_1174 = arith.divf %div3A_1173, %add3A_1171 : vector<1x200xf32>
    %mul3A_1175 = vector.broadcast %div3A_1174 : vector<1x200xf32> to vector<20x200xf32>
    %mul3A_1176 = arith.mulf %dot_general3A_1165, %mul3A_1175 : vector<20x200xf32>
    %reduce_max3A_1177 = arith.constant dense<0xFF800000> : vector<20xf32>
    %reduce_max3A_1178 = vector.multi_reduction <maximumf>, %mul3A_1176, %reduce_max3A_1177 [1] : vector<20x200xf32> to vector<20xf32>
    %reduce_sum3A_1179 = vector.shape_cast %reduce_max3A_1178 : vector<20xf32> to vector<1x20xf32>
    %reduce_sum3A_1180 = arith.constant dense<0.000000e+00> : vector<1xf32>
    %reduce_sum3A_1181 = vector.multi_reduction <add>, %reduce_sum3A_1179, %reduce_sum3A_1180 [1] : vector<1x20xf32> to vector<1xf32>
    %reduce_sum3A_1182 = vector.shape_cast %reduce_sum3A_1181 : vector<1xf32> to vector<1x1xf32>
    %reduce_sum3A_1183 = vector.extract %reduce_sum3A_1182[0, 0] : f32 from vector<1x1xf32>
    %mul3A_1184 = arith.mulf %reduce_sum3A_1183, %get3A_14 : f32
    %add3A_1185 = arith.addf %mul3A_1184, %get3A_17 : f32
    %broadcast_in_dim3A_1186 = vector.broadcast %add3A_1185 : f32 to vector<128xf32>
    %swap3A_1187 = arith.constant 37 : index
    %swap3A_1188 = arith.constant 0 : index
    %swap3A_1189 = vector.load %arg5[%swap3A_1187, %swap3A_1188] : memref<64x128xf32, #tpu.memory_space<vmem>>, vector<1x128xf32>
    %swap3A_1190 = vector.shape_cast %swap3A_1189 : vector<1x128xf32> to vector<128xf32>
    %swap3A_1191 = vector.shape_cast %broadcast_in_dim3A_1186 : vector<128xf32> to vector<1x128xf32>
    tpu.vector_store %arg5[%swap3A_1187, %swap3A_1188], %swap3A_1191 {strides = array<i32>} : memref<64x128xf32, #tpu.memory_space<vmem>>, vector<1x128xf32>,
    %slice3A_1192 = vector.extract_strided_slice %div3A_8 {offsets = [760, 0], sizes = [20, 128], strides = [1, 1]} : vector<1280x128xf32> to vector<20x128xf32>
    %slice3A_1193 = vector.extract_strided_slice %get3A_1 {offsets = [7600, 0], sizes = [200, 128], strides = [1, 1]} : vector<12800x128xf32> to vector<200x128xf32>
    %slice3A_1194 = vector.extract_strided_slice %mul3A_9 {offsets = [7600, 0], sizes = [200, 128], strides = [1, 1]} : vector<12800x128xf32> to vector<200x128xf32>
    %dot_general3A_1195 = arith.constant dense<0.000000e+00> : vector<20x200xf32>
    %dot_general3A_1196 = tpu.matmul %slice3A_1192, %slice3A_1193, %dot_general3A_1195 {dimension_numbers = #tpu.dot_dimension_numbers<[1], [1], [0], [0], [0, 0, 1, 0], [], []>, transpose_lhs_hint = false} : vector<20x128xf32>, vector<200x128xf32>, vector<20x200xf32> -> vector<20x200xf32>
    %dot_general3A_1197 = arith.constant dense<0.000000e+00> : vector<1x200xf32>
    %dot_general3A_1198 = tpu.matmul %broadcast_in_dim3A_11, %slice3A_1194, %dot_general3A_1197 {dimension_numbers = #tpu.dot_dimension_numbers<[1], [1], [0], [0], [0, 0, 1, 0], [], []>, transpose_lhs_hint = false} : vector<1x128xf32>, vector<200x128xf32>, vector<1x200xf32> -> vector<1x200xf32>
    %sqrt3A_1199 = math.sqrt %dot_general3A_1198 : vector<1x200xf32>
    %add3A_1200 = arith.constant 1.000000e-10 : f32
    %add3A_1201 = vector.broadcast %add3A_1200 : f32 to vector<1x200xf32>
    %add3A_1202 = arith.addf %sqrt3A_1199, %add3A_1201 : vector<1x200xf32>
    %div3A_1203 = arith.constant 1.000000e+00 : f32
    %div3A_1204 = vector.broadcast %div3A_1203 : f32 to vector<1x200xf32>
    %div3A_1205 = arith.divf %div3A_1204, %add3A_1202 : vector<1x200xf32>
    %mul3A_1206 = vector.broadcast %div3A_1205 : vector<1x200xf32> to vector<20x200xf32>
    %mul3A_1207 = arith.mulf %dot_general3A_1196, %mul3A_1206 : vector<20x200xf32>
    %reduce_max3A_1208 = arith.constant dense<0xFF800000> : vector<20xf32>
    %reduce_max3A_1209 = vector.multi_reduction <maximumf>, %mul3A_1207, %reduce_max3A_1208 [1] : vector<20x200xf32> to vector<20xf32>
    %reduce_sum3A_1210 = vector.shape_cast %reduce_max3A_1209 : vector<20xf32> to vector<1x20xf32>
    %reduce_sum3A_1211 = arith.constant dense<0.000000e+00> : vector<1xf32>
    %reduce_sum3A_1212 = vector.multi_reduction <add>, %reduce_sum3A_1210, %reduce_sum3A_1211 [1] : vector<1x20xf32> to vector<1xf32>
    %reduce_sum3A_1213 = vector.shape_cast %reduce_sum3A_1212 : vector<1xf32> to vector<1x1xf32>
    %reduce_sum3A_1214 = vector.extract %reduce_sum3A_1213[0, 0] : f32 from vector<1x1xf32>
    %mul3A_1215 = arith.mulf %reduce_sum3A_1214, %get3A_14 : f32
    %add3A_1216 = arith.addf %mul3A_1215, %get3A_17 : f32
    %broadcast_in_dim3A_1217 = vector.broadcast %add3A_1216 : f32 to vector<128xf32>
    %swap3A_1218 = arith.constant 38 : index
    %swap3A_1219 = arith.constant 0 : index
    %swap3A_1220 = vector.load %arg5[%swap3A_1218, %swap3A_1219] : memref<64x128xf32, #tpu.memory_space<vmem>>, vector<1x128xf32>
    %swap3A_1221 = vector.shape_cast %swap3A_1220 : vector<1x128xf32> to vector<128xf32>
    %swap3A_1222 = vector.shape_cast %broadcast_in_dim3A_1217 : vector<128xf32> to vector<1x128xf32>
    tpu.vector_store %arg5[%swap3A_1218, %swap3A_1219], %swap3A_1222 {strides = array<i32>} : memref<64x128xf32, #tpu.memory_space<vmem>>, vector<1x128xf32>,
    %slice3A_1223 = vector.extract_strided_slice %div3A_8 {offsets = [780, 0], sizes = [20, 128], strides = [1, 1]} : vector<1280x128xf32> to vector<20x128xf32>
    %slice3A_1224 = vector.extract_strided_slice %get3A_1 {offsets = [7800, 0], sizes = [200, 128], strides = [1, 1]} : vector<12800x128xf32> to vector<200x128xf32>
    %slice3A_1225 = vector.extract_strided_slice %mul3A_9 {offsets = [7800, 0], sizes = [200, 128], strides = [1, 1]} : vector<12800x128xf32> to vector<200x128xf32>
    %dot_general3A_1226 = arith.constant dense<0.000000e+00> : vector<20x200xf32>
    %dot_general3A_1227 = tpu.matmul %slice3A_1223, %slice3A_1224, %dot_general3A_1226 {dimension_numbers = #tpu.dot_dimension_numbers<[1], [1], [0], [0], [0, 0, 1, 0], [], []>, transpose_lhs_hint = false} : vector<20x128xf32>, vector<200x128xf32>, vector<20x200xf32> -> vector<20x200xf32>
    %dot_general3A_1228 = arith.constant dense<0.000000e+00> : vector<1x200xf32>
    %dot_general3A_1229 = tpu.matmul %broadcast_in_dim3A_11, %slice3A_1225, %dot_general3A_1228 {dimension_numbers = #tpu.dot_dimension_numbers<[1], [1], [0], [0], [0, 0, 1, 0], [], []>, transpose_lhs_hint = false} : vector<1x128xf32>, vector<200x128xf32>, vector<1x200xf32> -> vector<1x200xf32>
    %sqrt3A_1230 = math.sqrt %dot_general3A_1229 : vector<1x200xf32>
    %add3A_1231 = arith.constant 1.000000e-10 : f32
    %add3A_1232 = vector.broadcast %add3A_1231 : f32 to vector<1x200xf32>
    %add3A_1233 = arith.addf %sqrt3A_1230, %add3A_1232 : vector<1x200xf32>
    %div3A_1234 = arith.constant 1.000000e+00 : f32
    %div3A_1235 = vector.broadcast %div3A_1234 : f32 to vector<1x200xf32>
    %div3A_1236 = arith.divf %div3A_1235, %add3A_1233 : vector<1x200xf32>
    %mul3A_1237 = vector.broadcast %div3A_1236 : vector<1x200xf32> to vector<20x200xf32>
    %mul3A_1238 = arith.mulf %dot_general3A_1227, %mul3A_1237 : vector<20x200xf32>
    %reduce_max3A_1239 = arith.constant dense<0xFF800000> : vector<20xf32>
    %reduce_max3A_1240 = vector.multi_reduction <maximumf>, %mul3A_1238, %reduce_max3A_1239 [1] : vector<20x200xf32> to vector<20xf32>
    %reduce_sum3A_1241 = vector.shape_cast %reduce_max3A_1240 : vector<20xf32> to vector<1x20xf32>
    %reduce_sum3A_1242 = arith.constant dense<0.000000e+00> : vector<1xf32>
    %reduce_sum3A_1243 = vector.multi_reduction <add>, %reduce_sum3A_1241, %reduce_sum3A_1242 [1] : vector<1x20xf32> to vector<1xf32>
    %reduce_sum3A_1244 = vector.shape_cast %reduce_sum3A_1243 : vector<1xf32> to vector<1x1xf32>
    %reduce_sum3A_1245 = vector.extract %reduce_sum3A_1244[0, 0] : f32 from vector<1x1xf32>
    %mul3A_1246 = arith.mulf %reduce_sum3A_1245, %get3A_14 : f32
    %add3A_1247 = arith.addf %mul3A_1246, %get3A_17 : f32
    %broadcast_in_dim3A_1248 = vector.broadcast %add3A_1247 : f32 to vector<128xf32>
    %swap3A_1249 = arith.constant 39 : index
    %swap3A_1250 = arith.constant 0 : index
    %swap3A_1251 = vector.load %arg5[%swap3A_1249, %swap3A_1250] : memref<64x128xf32, #tpu.memory_space<vmem>>, vector<1x128xf32>
    %swap3A_1252 = vector.shape_cast %swap3A_1251 : vector<1x128xf32> to vector<128xf32>
    %swap3A_1253 = vector.shape_cast %broadcast_in_dim3A_1248 : vector<128xf32> to vector<1x128xf32>
    tpu.vector_store %arg5[%swap3A_1249, %swap3A_1250], %swap3A_1253 {strides = array<i32>} : memref<64x128xf32, #tpu.memory_space<vmem>>, vector<1x128xf32>,
    %slice3A_1254 = vector.extract_strided_slice %div3A_8 {offsets = [800, 0], sizes = [20, 128], strides = [1, 1]} : vector<1280x128xf32> to vector<20x128xf32>
    %slice3A_1255 = vector.extract_strided_slice %get3A_1 {offsets = [8000, 0], sizes = [200, 128], strides = [1, 1]} : vector<12800x128xf32> to vector<200x128xf32>
    %slice3A_1256 = vector.extract_strided_slice %mul3A_9 {offsets = [8000, 0], sizes = [200, 128], strides = [1, 1]} : vector<12800x128xf32> to vector<200x128xf32>
    %dot_general3A_1257 = arith.constant dense<0.000000e+00> : vector<20x200xf32>
    %dot_general3A_1258 = tpu.matmul %slice3A_1254, %slice3A_1255, %dot_general3A_1257 {dimension_numbers = #tpu.dot_dimension_numbers<[1], [1], [0], [0], [0, 0, 1, 0], [], []>, transpose_lhs_hint = false} : vector<20x128xf32>, vector<200x128xf32>, vector<20x200xf32> -> vector<20x200xf32>
    %dot_general3A_1259 = arith.constant dense<0.000000e+00> : vector<1x200xf32>
    %dot_general3A_1260 = tpu.matmul %broadcast_in_dim3A_11, %slice3A_1256, %dot_general3A_1259 {dimension_numbers = #tpu.dot_dimension_numbers<[1], [1], [0], [0], [0, 0, 1, 0], [], []>, transpose_lhs_hint = false} : vector<1x128xf32>, vector<200x128xf32>, vector<1x200xf32> -> vector<1x200xf32>
    %sqrt3A_1261 = math.sqrt %dot_general3A_1260 : vector<1x200xf32>
    %add3A_1262 = arith.constant 1.000000e-10 : f32
    %add3A_1263 = vector.broadcast %add3A_1262 : f32 to vector<1x200xf32>
    %add3A_1264 = arith.addf %sqrt3A_1261, %add3A_1263 : vector<1x200xf32>
    %div3A_1265 = arith.constant 1.000000e+00 : f32
    %div3A_1266 = vector.broadcast %div3A_1265 : f32 to vector<1x200xf32>
    %div3A_1267 = arith.divf %div3A_1266, %add3A_1264 : vector<1x200xf32>
    %mul3A_1268 = vector.broadcast %div3A_1267 : vector<1x200xf32> to vector<20x200xf32>
    %mul3A_1269 = arith.mulf %dot_general3A_1258, %mul3A_1268 : vector<20x200xf32>
    %reduce_max3A_1270 = arith.constant dense<0xFF800000> : vector<20xf32>
    %reduce_max3A_1271 = vector.multi_reduction <maximumf>, %mul3A_1269, %reduce_max3A_1270 [1] : vector<20x200xf32> to vector<20xf32>
    %reduce_sum3A_1272 = vector.shape_cast %reduce_max3A_1271 : vector<20xf32> to vector<1x20xf32>
    %reduce_sum3A_1273 = arith.constant dense<0.000000e+00> : vector<1xf32>
    %reduce_sum3A_1274 = vector.multi_reduction <add>, %reduce_sum3A_1272, %reduce_sum3A_1273 [1] : vector<1x20xf32> to vector<1xf32>
    %reduce_sum3A_1275 = vector.shape_cast %reduce_sum3A_1274 : vector<1xf32> to vector<1x1xf32>
    %reduce_sum3A_1276 = vector.extract %reduce_sum3A_1275[0, 0] : f32 from vector<1x1xf32>
    %mul3A_1277 = arith.mulf %reduce_sum3A_1276, %get3A_14 : f32
    %add3A_1278 = arith.addf %mul3A_1277, %get3A_17 : f32
    %broadcast_in_dim3A_1279 = vector.broadcast %add3A_1278 : f32 to vector<128xf32>
    %swap3A_1280 = arith.constant 40 : index
    %swap3A_1281 = arith.constant 0 : index
    %swap3A_1282 = vector.load %arg5[%swap3A_1280, %swap3A_1281] : memref<64x128xf32, #tpu.memory_space<vmem>>, vector<1x128xf32>
    %swap3A_1283 = vector.shape_cast %swap3A_1282 : vector<1x128xf32> to vector<128xf32>
    %swap3A_1284 = vector.shape_cast %broadcast_in_dim3A_1279 : vector<128xf32> to vector<1x128xf32>
    tpu.vector_store %arg5[%swap3A_1280, %swap3A_1281], %swap3A_1284 {strides = array<i32>} : memref<64x128xf32, #tpu.memory_space<vmem>>, vector<1x128xf32>,
    %slice3A_1285 = vector.extract_strided_slice %div3A_8 {offsets = [820, 0], sizes = [20, 128], strides = [1, 1]} : vector<1280x128xf32> to vector<20x128xf32>
    %slice3A_1286 = vector.extract_strided_slice %get3A_1 {offsets = [8200, 0], sizes = [200, 128], strides = [1, 1]} : vector<12800x128xf32> to vector<200x128xf32>
    %slice3A_1287 = vector.extract_strided_slice %mul3A_9 {offsets = [8200, 0], sizes = [200, 128], strides = [1, 1]} : vector<12800x128xf32> to vector<200x128xf32>
    %dot_general3A_1288 = arith.constant dense<0.000000e+00> : vector<20x200xf32>
    %dot_general3A_1289 = tpu.matmul %slice3A_1285, %slice3A_1286, %dot_general3A_1288 {dimension_numbers = #tpu.dot_dimension_numbers<[1], [1], [0], [0], [0, 0, 1, 0], [], []>, transpose_lhs_hint = false} : vector<20x128xf32>, vector<200x128xf32>, vector<20x200xf32> -> vector<20x200xf32>
    %dot_general3A_1290 = arith.constant dense<0.000000e+00> : vector<1x200xf32>
    %dot_general3A_1291 = tpu.matmul %broadcast_in_dim3A_11, %slice3A_1287, %dot_general3A_1290 {dimension_numbers = #tpu.dot_dimension_numbers<[1], [1], [0], [0], [0, 0, 1, 0], [], []>, transpose_lhs_hint = false} : vector<1x128xf32>, vector<200x128xf32>, vector<1x200xf32> -> vector<1x200xf32>
    %sqrt3A_1292 = math.sqrt %dot_general3A_1291 : vector<1x200xf32>
    %add3A_1293 = arith.constant 1.000000e-10 : f32
    %add3A_1294 = vector.broadcast %add3A_1293 : f32 to vector<1x200xf32>
    %add3A_1295 = arith.addf %sqrt3A_1292, %add3A_1294 : vector<1x200xf32>
    %div3A_1296 = arith.constant 1.000000e+00 : f32
    %div3A_1297 = vector.broadcast %div3A_1296 : f32 to vector<1x200xf32>
    %div3A_1298 = arith.divf %div3A_1297, %add3A_1295 : vector<1x200xf32>
    %mul3A_1299 = vector.broadcast %div3A_1298 : vector<1x200xf32> to vector<20x200xf32>
    %mul3A_1300 = arith.mulf %dot_general3A_1289, %mul3A_1299 : vector<20x200xf32>
    %reduce_max3A_1301 = arith.constant dense<0xFF800000> : vector<20xf32>
    %reduce_max3A_1302 = vector.multi_reduction <maximumf>, %mul3A_1300, %reduce_max3A_1301 [1] : vector<20x200xf32> to vector<20xf32>
    %reduce_sum3A_1303 = vector.shape_cast %reduce_max3A_1302 : vector<20xf32> to vector<1x20xf32>
    %reduce_sum3A_1304 = arith.constant dense<0.000000e+00> : vector<1xf32>
    %reduce_sum3A_1305 = vector.multi_reduction <add>, %reduce_sum3A_1303, %reduce_sum3A_1304 [1] : vector<1x20xf32> to vector<1xf32>
    %reduce_sum3A_1306 = vector.shape_cast %reduce_sum3A_1305 : vector<1xf32> to vector<1x1xf32>
    %reduce_sum3A_1307 = vector.extract %reduce_sum3A_1306[0, 0] : f32 from vector<1x1xf32>
    %mul3A_1308 = arith.mulf %reduce_sum3A_1307, %get3A_14 : f32
    %add3A_1309 = arith.addf %mul3A_1308, %get3A_17 : f32
    %broadcast_in_dim3A_1310 = vector.broadcast %add3A_1309 : f32 to vector<128xf32>
    %swap3A_1311 = arith.constant 41 : index
    %swap3A_1312 = arith.constant 0 : index
    %swap3A_1313 = vector.load %arg5[%swap3A_1311, %swap3A_1312] : memref<64x128xf32, #tpu.memory_space<vmem>>, vector<1x128xf32>
    %swap3A_1314 = vector.shape_cast %swap3A_1313 : vector<1x128xf32> to vector<128xf32>
    %swap3A_1315 = vector.shape_cast %broadcast_in_dim3A_1310 : vector<128xf32> to vector<1x128xf32>
    tpu.vector_store %arg5[%swap3A_1311, %swap3A_1312], %swap3A_1315 {strides = array<i32>} : memref<64x128xf32, #tpu.memory_space<vmem>>, vector<1x128xf32>,
    %slice3A_1316 = vector.extract_strided_slice %div3A_8 {offsets = [840, 0], sizes = [20, 128], strides = [1, 1]} : vector<1280x128xf32> to vector<20x128xf32>
    %slice3A_1317 = vector.extract_strided_slice %get3A_1 {offsets = [8400, 0], sizes = [200, 128], strides = [1, 1]} : vector<12800x128xf32> to vector<200x128xf32>
    %slice3A_1318 = vector.extract_strided_slice %mul3A_9 {offsets = [8400, 0], sizes = [200, 128], strides = [1, 1]} : vector<12800x128xf32> to vector<200x128xf32>
    %dot_general3A_1319 = arith.constant dense<0.000000e+00> : vector<20x200xf32>
    %dot_general3A_1320 = tpu.matmul %slice3A_1316, %slice3A_1317, %dot_general3A_1319 {dimension_numbers = #tpu.dot_dimension_numbers<[1], [1], [0], [0], [0, 0, 1, 0], [], []>, transpose_lhs_hint = false} : vector<20x128xf32>, vector<200x128xf32>, vector<20x200xf32> -> vector<20x200xf32>
    %dot_general3A_1321 = arith.constant dense<0.000000e+00> : vector<1x200xf32>
    %dot_general3A_1322 = tpu.matmul %broadcast_in_dim3A_11, %slice3A_1318, %dot_general3A_1321 {dimension_numbers = #tpu.dot_dimension_numbers<[1], [1], [0], [0], [0, 0, 1, 0], [], []>, transpose_lhs_hint = false} : vector<1x128xf32>, vector<200x128xf32>, vector<1x200xf32> -> vector<1x200xf32>
    %sqrt3A_1323 = math.sqrt %dot_general3A_1322 : vector<1x200xf32>
    %add3A_1324 = arith.constant 1.000000e-10 : f32
    %add3A_1325 = vector.broadcast %add3A_1324 : f32 to vector<1x200xf32>
    %add3A_1326 = arith.addf %sqrt3A_1323, %add3A_1325 : vector<1x200xf32>
    %div3A_1327 = arith.constant 1.000000e+00 : f32
    %div3A_1328 = vector.broadcast %div3A_1327 : f32 to vector<1x200xf32>
    %div3A_1329 = arith.divf %div3A_1328, %add3A_1326 : vector<1x200xf32>
    %mul3A_1330 = vector.broadcast %div3A_1329 : vector<1x200xf32> to vector<20x200xf32>
    %mul3A_1331 = arith.mulf %dot_general3A_1320, %mul3A_1330 : vector<20x200xf32>
    %reduce_max3A_1332 = arith.constant dense<0xFF800000> : vector<20xf32>
    %reduce_max3A_1333 = vector.multi_reduction <maximumf>, %mul3A_1331, %reduce_max3A_1332 [1] : vector<20x200xf32> to vector<20xf32>
    %reduce_sum3A_1334 = vector.shape_cast %reduce_max3A_1333 : vector<20xf32> to vector<1x20xf32>
    %reduce_sum3A_1335 = arith.constant dense<0.000000e+00> : vector<1xf32>
    %reduce_sum3A_1336 = vector.multi_reduction <add>, %reduce_sum3A_1334, %reduce_sum3A_1335 [1] : vector<1x20xf32> to vector<1xf32>
    %reduce_sum3A_1337 = vector.shape_cast %reduce_sum3A_1336 : vector<1xf32> to vector<1x1xf32>
    %reduce_sum3A_1338 = vector.extract %reduce_sum3A_1337[0, 0] : f32 from vector<1x1xf32>
    %mul3A_1339 = arith.mulf %reduce_sum3A_1338, %get3A_14 : f32
    %add3A_1340 = arith.addf %mul3A_1339, %get3A_17 : f32
    %broadcast_in_dim3A_1341 = vector.broadcast %add3A_1340 : f32 to vector<128xf32>
    %swap3A_1342 = arith.constant 42 : index
    %swap3A_1343 = arith.constant 0 : index
    %swap3A_1344 = vector.load %arg5[%swap3A_1342, %swap3A_1343] : memref<64x128xf32, #tpu.memory_space<vmem>>, vector<1x128xf32>
    %swap3A_1345 = vector.shape_cast %swap3A_1344 : vector<1x128xf32> to vector<128xf32>
    %swap3A_1346 = vector.shape_cast %broadcast_in_dim3A_1341 : vector<128xf32> to vector<1x128xf32>
    tpu.vector_store %arg5[%swap3A_1342, %swap3A_1343], %swap3A_1346 {strides = array<i32>} : memref<64x128xf32, #tpu.memory_space<vmem>>, vector<1x128xf32>,
    %slice3A_1347 = vector.extract_strided_slice %div3A_8 {offsets = [860, 0], sizes = [20, 128], strides = [1, 1]} : vector<1280x128xf32> to vector<20x128xf32>
    %slice3A_1348 = vector.extract_strided_slice %get3A_1 {offsets = [8600, 0], sizes = [200, 128], strides = [1, 1]} : vector<12800x128xf32> to vector<200x128xf32>
    %slice3A_1349 = vector.extract_strided_slice %mul3A_9 {offsets = [8600, 0], sizes = [200, 128], strides = [1, 1]} : vector<12800x128xf32> to vector<200x128xf32>
    %dot_general3A_1350 = arith.constant dense<0.000000e+00> : vector<20x200xf32>
    %dot_general3A_1351 = tpu.matmul %slice3A_1347, %slice3A_1348, %dot_general3A_1350 {dimension_numbers = #tpu.dot_dimension_numbers<[1], [1], [0], [0], [0, 0, 1, 0], [], []>, transpose_lhs_hint = false} : vector<20x128xf32>, vector<200x128xf32>, vector<20x200xf32> -> vector<20x200xf32>
    %dot_general3A_1352 = arith.constant dense<0.000000e+00> : vector<1x200xf32>
    %dot_general3A_1353 = tpu.matmul %broadcast_in_dim3A_11, %slice3A_1349, %dot_general3A_1352 {dimension_numbers = #tpu.dot_dimension_numbers<[1], [1], [0], [0], [0, 0, 1, 0], [], []>, transpose_lhs_hint = false} : vector<1x128xf32>, vector<200x128xf32>, vector<1x200xf32> -> vector<1x200xf32>
    %sqrt3A_1354 = math.sqrt %dot_general3A_1353 : vector<1x200xf32>
    %add3A_1355 = arith.constant 1.000000e-10 : f32
    %add3A_1356 = vector.broadcast %add3A_1355 : f32 to vector<1x200xf32>
    %add3A_1357 = arith.addf %sqrt3A_1354, %add3A_1356 : vector<1x200xf32>
    %div3A_1358 = arith.constant 1.000000e+00 : f32
    %div3A_1359 = vector.broadcast %div3A_1358 : f32 to vector<1x200xf32>
    %div3A_1360 = arith.divf %div3A_1359, %add3A_1357 : vector<1x200xf32>
    %mul3A_1361 = vector.broadcast %div3A_1360 : vector<1x200xf32> to vector<20x200xf32>
    %mul3A_1362 = arith.mulf %dot_general3A_1351, %mul3A_1361 : vector<20x200xf32>
    %reduce_max3A_1363 = arith.constant dense<0xFF800000> : vector<20xf32>
    %reduce_max3A_1364 = vector.multi_reduction <maximumf>, %mul3A_1362, %reduce_max3A_1363 [1] : vector<20x200xf32> to vector<20xf32>
    %reduce_sum3A_1365 = vector.shape_cast %reduce_max3A_1364 : vector<20xf32> to vector<1x20xf32>
    %reduce_sum3A_1366 = arith.constant dense<0.000000e+00> : vector<1xf32>
    %reduce_sum3A_1367 = vector.multi_reduction <add>, %reduce_sum3A_1365, %reduce_sum3A_1366 [1] : vector<1x20xf32> to vector<1xf32>
    %reduce_sum3A_1368 = vector.shape_cast %reduce_sum3A_1367 : vector<1xf32> to vector<1x1xf32>
    %reduce_sum3A_1369 = vector.extract %reduce_sum3A_1368[0, 0] : f32 from vector<1x1xf32>
    %mul3A_1370 = arith.mulf %reduce_sum3A_1369, %get3A_14 : f32
    %add3A_1371 = arith.addf %mul3A_1370, %get3A_17 : f32
    %broadcast_in_dim3A_1372 = vector.broadcast %add3A_1371 : f32 to vector<128xf32>
    %swap3A_1373 = arith.constant 43 : index
    %swap3A_1374 = arith.constant 0 : index
    %swap3A_1375 = vector.load %arg5[%swap3A_1373, %swap3A_1374] : memref<64x128xf32, #tpu.memory_space<vmem>>, vector<1x128xf32>
    %swap3A_1376 = vector.shape_cast %swap3A_1375 : vector<1x128xf32> to vector<128xf32>
    %swap3A_1377 = vector.shape_cast %broadcast_in_dim3A_1372 : vector<128xf32> to vector<1x128xf32>
    tpu.vector_store %arg5[%swap3A_1373, %swap3A_1374], %swap3A_1377 {strides = array<i32>} : memref<64x128xf32, #tpu.memory_space<vmem>>, vector<1x128xf32>,
    %slice3A_1378 = vector.extract_strided_slice %div3A_8 {offsets = [880, 0], sizes = [20, 128], strides = [1, 1]} : vector<1280x128xf32> to vector<20x128xf32>
    %slice3A_1379 = vector.extract_strided_slice %get3A_1 {offsets = [8800, 0], sizes = [200, 128], strides = [1, 1]} : vector<12800x128xf32> to vector<200x128xf32>
    %slice3A_1380 = vector.extract_strided_slice %mul3A_9 {offsets = [8800, 0], sizes = [200, 128], strides = [1, 1]} : vector<12800x128xf32> to vector<200x128xf32>
    %dot_general3A_1381 = arith.constant dense<0.000000e+00> : vector<20x200xf32>
    %dot_general3A_1382 = tpu.matmul %slice3A_1378, %slice3A_1379, %dot_general3A_1381 {dimension_numbers = #tpu.dot_dimension_numbers<[1], [1], [0], [0], [0, 0, 1, 0], [], []>, transpose_lhs_hint = false} : vector<20x128xf32>, vector<200x128xf32>, vector<20x200xf32> -> vector<20x200xf32>
    %dot_general3A_1383 = arith.constant dense<0.000000e+00> : vector<1x200xf32>
    %dot_general3A_1384 = tpu.matmul %broadcast_in_dim3A_11, %slice3A_1380, %dot_general3A_1383 {dimension_numbers = #tpu.dot_dimension_numbers<[1], [1], [0], [0], [0, 0, 1, 0], [], []>, transpose_lhs_hint = false} : vector<1x128xf32>, vector<200x128xf32>, vector<1x200xf32> -> vector<1x200xf32>
    %sqrt3A_1385 = math.sqrt %dot_general3A_1384 : vector<1x200xf32>
    %add3A_1386 = arith.constant 1.000000e-10 : f32
    %add3A_1387 = vector.broadcast %add3A_1386 : f32 to vector<1x200xf32>
    %add3A_1388 = arith.addf %sqrt3A_1385, %add3A_1387 : vector<1x200xf32>
    %div3A_1389 = arith.constant 1.000000e+00 : f32
    %div3A_1390 = vector.broadcast %div3A_1389 : f32 to vector<1x200xf32>
    %div3A_1391 = arith.divf %div3A_1390, %add3A_1388 : vector<1x200xf32>
    %mul3A_1392 = vector.broadcast %div3A_1391 : vector<1x200xf32> to vector<20x200xf32>
    %mul3A_1393 = arith.mulf %dot_general3A_1382, %mul3A_1392 : vector<20x200xf32>
    %reduce_max3A_1394 = arith.constant dense<0xFF800000> : vector<20xf32>
    %reduce_max3A_1395 = vector.multi_reduction <maximumf>, %mul3A_1393, %reduce_max3A_1394 [1] : vector<20x200xf32> to vector<20xf32>
    %reduce_sum3A_1396 = vector.shape_cast %reduce_max3A_1395 : vector<20xf32> to vector<1x20xf32>
    %reduce_sum3A_1397 = arith.constant dense<0.000000e+00> : vector<1xf32>
    %reduce_sum3A_1398 = vector.multi_reduction <add>, %reduce_sum3A_1396, %reduce_sum3A_1397 [1] : vector<1x20xf32> to vector<1xf32>
    %reduce_sum3A_1399 = vector.shape_cast %reduce_sum3A_1398 : vector<1xf32> to vector<1x1xf32>
    %reduce_sum3A_1400 = vector.extract %reduce_sum3A_1399[0, 0] : f32 from vector<1x1xf32>
    %mul3A_1401 = arith.mulf %reduce_sum3A_1400, %get3A_14 : f32
    %add3A_1402 = arith.addf %mul3A_1401, %get3A_17 : f32
    %broadcast_in_dim3A_1403 = vector.broadcast %add3A_1402 : f32 to vector<128xf32>
    %swap3A_1404 = arith.constant 44 : index
    %swap3A_1405 = arith.constant 0 : index
    %swap3A_1406 = vector.load %arg5[%swap3A_1404, %swap3A_1405] : memref<64x128xf32, #tpu.memory_space<vmem>>, vector<1x128xf32>
    %swap3A_1407 = vector.shape_cast %swap3A_1406 : vector<1x128xf32> to vector<128xf32>
    %swap3A_1408 = vector.shape_cast %broadcast_in_dim3A_1403 : vector<128xf32> to vector<1x128xf32>
    tpu.vector_store %arg5[%swap3A_1404, %swap3A_1405], %swap3A_1408 {strides = array<i32>} : memref<64x128xf32, #tpu.memory_space<vmem>>, vector<1x128xf32>,
    %slice3A_1409 = vector.extract_strided_slice %div3A_8 {offsets = [900, 0], sizes = [20, 128], strides = [1, 1]} : vector<1280x128xf32> to vector<20x128xf32>
    %slice3A_1410 = vector.extract_strided_slice %get3A_1 {offsets = [9000, 0], sizes = [200, 128], strides = [1, 1]} : vector<12800x128xf32> to vector<200x128xf32>
    %slice3A_1411 = vector.extract_strided_slice %mul3A_9 {offsets = [9000, 0], sizes = [200, 128], strides = [1, 1]} : vector<12800x128xf32> to vector<200x128xf32>
    %dot_general3A_1412 = arith.constant dense<0.000000e+00> : vector<20x200xf32>
    %dot_general3A_1413 = tpu.matmul %slice3A_1409, %slice3A_1410, %dot_general3A_1412 {dimension_numbers = #tpu.dot_dimension_numbers<[1], [1], [0], [0], [0, 0, 1, 0], [], []>, transpose_lhs_hint = false} : vector<20x128xf32>, vector<200x128xf32>, vector<20x200xf32> -> vector<20x200xf32>
    %dot_general3A_1414 = arith.constant dense<0.000000e+00> : vector<1x200xf32>
    %dot_general3A_1415 = tpu.matmul %broadcast_in_dim3A_11, %slice3A_1411, %dot_general3A_1414 {dimension_numbers = #tpu.dot_dimension_numbers<[1], [1], [0], [0], [0, 0, 1, 0], [], []>, transpose_lhs_hint = false} : vector<1x128xf32>, vector<200x128xf32>, vector<1x200xf32> -> vector<1x200xf32>
    %sqrt3A_1416 = math.sqrt %dot_general3A_1415 : vector<1x200xf32>
    %add3A_1417 = arith.constant 1.000000e-10 : f32
    %add3A_1418 = vector.broadcast %add3A_1417 : f32 to vector<1x200xf32>
    %add3A_1419 = arith.addf %sqrt3A_1416, %add3A_1418 : vector<1x200xf32>
    %div3A_1420 = arith.constant 1.000000e+00 : f32
    %div3A_1421 = vector.broadcast %div3A_1420 : f32 to vector<1x200xf32>
    %div3A_1422 = arith.divf %div3A_1421, %add3A_1419 : vector<1x200xf32>
    %mul3A_1423 = vector.broadcast %div3A_1422 : vector<1x200xf32> to vector<20x200xf32>
    %mul3A_1424 = arith.mulf %dot_general3A_1413, %mul3A_1423 : vector<20x200xf32>
    %reduce_max3A_1425 = arith.constant dense<0xFF800000> : vector<20xf32>
    %reduce_max3A_1426 = vector.multi_reduction <maximumf>, %mul3A_1424, %reduce_max3A_1425 [1] : vector<20x200xf32> to vector<20xf32>
    %reduce_sum3A_1427 = vector.shape_cast %reduce_max3A_1426 : vector<20xf32> to vector<1x20xf32>
    %reduce_sum3A_1428 = arith.constant dense<0.000000e+00> : vector<1xf32>
    %reduce_sum3A_1429 = vector.multi_reduction <add>, %reduce_sum3A_1427, %reduce_sum3A_1428 [1] : vector<1x20xf32> to vector<1xf32>
    %reduce_sum3A_1430 = vector.shape_cast %reduce_sum3A_1429 : vector<1xf32> to vector<1x1xf32>
    %reduce_sum3A_1431 = vector.extract %reduce_sum3A_1430[0, 0] : f32 from vector<1x1xf32>
    %mul3A_1432 = arith.mulf %reduce_sum3A_1431, %get3A_14 : f32
    %add3A_1433 = arith.addf %mul3A_1432, %get3A_17 : f32
    %broadcast_in_dim3A_1434 = vector.broadcast %add3A_1433 : f32 to vector<128xf32>
    %swap3A_1435 = arith.constant 45 : index
    %swap3A_1436 = arith.constant 0 : index
    %swap3A_1437 = vector.load %arg5[%swap3A_1435, %swap3A_1436] : memref<64x128xf32, #tpu.memory_space<vmem>>, vector<1x128xf32>
    %swap3A_1438 = vector.shape_cast %swap3A_1437 : vector<1x128xf32> to vector<128xf32>
    %swap3A_1439 = vector.shape_cast %broadcast_in_dim3A_1434 : vector<128xf32> to vector<1x128xf32>
    tpu.vector_store %arg5[%swap3A_1435, %swap3A_1436], %swap3A_1439 {strides = array<i32>} : memref<64x128xf32, #tpu.memory_space<vmem>>, vector<1x128xf32>,
    %slice3A_1440 = vector.extract_strided_slice %div3A_8 {offsets = [920, 0], sizes = [20, 128], strides = [1, 1]} : vector<1280x128xf32> to vector<20x128xf32>
    %slice3A_1441 = vector.extract_strided_slice %get3A_1 {offsets = [9200, 0], sizes = [200, 128], strides = [1, 1]} : vector<12800x128xf32> to vector<200x128xf32>
    %slice3A_1442 = vector.extract_strided_slice %mul3A_9 {offsets = [9200, 0], sizes = [200, 128], strides = [1, 1]} : vector<12800x128xf32> to vector<200x128xf32>
    %dot_general3A_1443 = arith.constant dense<0.000000e+00> : vector<20x200xf32>
    %dot_general3A_1444 = tpu.matmul %slice3A_1440, %slice3A_1441, %dot_general3A_1443 {dimension_numbers = #tpu.dot_dimension_numbers<[1], [1], [0], [0], [0, 0, 1, 0], [], []>, transpose_lhs_hint = false} : vector<20x128xf32>, vector<200x128xf32>, vector<20x200xf32> -> vector<20x200xf32>
    %dot_general3A_1445 = arith.constant dense<0.000000e+00> : vector<1x200xf32>
    %dot_general3A_1446 = tpu.matmul %broadcast_in_dim3A_11, %slice3A_1442, %dot_general3A_1445 {dimension_numbers = #tpu.dot_dimension_numbers<[1], [1], [0], [0], [0, 0, 1, 0], [], []>, transpose_lhs_hint = false} : vector<1x128xf32>, vector<200x128xf32>, vector<1x200xf32> -> vector<1x200xf32>
    %sqrt3A_1447 = math.sqrt %dot_general3A_1446 : vector<1x200xf32>
    %add3A_1448 = arith.constant 1.000000e-10 : f32
    %add3A_1449 = vector.broadcast %add3A_1448 : f32 to vector<1x200xf32>
    %add3A_1450 = arith.addf %sqrt3A_1447, %add3A_1449 : vector<1x200xf32>
    %div3A_1451 = arith.constant 1.000000e+00 : f32
    %div3A_1452 = vector.broadcast %div3A_1451 : f32 to vector<1x200xf32>
    %div3A_1453 = arith.divf %div3A_1452, %add3A_1450 : vector<1x200xf32>
    %mul3A_1454 = vector.broadcast %div3A_1453 : vector<1x200xf32> to vector<20x200xf32>
    %mul3A_1455 = arith.mulf %dot_general3A_1444, %mul3A_1454 : vector<20x200xf32>
    %reduce_max3A_1456 = arith.constant dense<0xFF800000> : vector<20xf32>
    %reduce_max3A_1457 = vector.multi_reduction <maximumf>, %mul3A_1455, %reduce_max3A_1456 [1] : vector<20x200xf32> to vector<20xf32>
    %reduce_sum3A_1458 = vector.shape_cast %reduce_max3A_1457 : vector<20xf32> to vector<1x20xf32>
    %reduce_sum3A_1459 = arith.constant dense<0.000000e+00> : vector<1xf32>
    %reduce_sum3A_1460 = vector.multi_reduction <add>, %reduce_sum3A_1458, %reduce_sum3A_1459 [1] : vector<1x20xf32> to vector<1xf32>
    %reduce_sum3A_1461 = vector.shape_cast %reduce_sum3A_1460 : vector<1xf32> to vector<1x1xf32>
    %reduce_sum3A_1462 = vector.extract %reduce_sum3A_1461[0, 0] : f32 from vector<1x1xf32>
    %mul3A_1463 = arith.mulf %reduce_sum3A_1462, %get3A_14 : f32
    %add3A_1464 = arith.addf %mul3A_1463, %get3A_17 : f32
    %broadcast_in_dim3A_1465 = vector.broadcast %add3A_1464 : f32 to vector<128xf32>
    %swap3A_1466 = arith.constant 46 : index
    %swap3A_1467 = arith.constant 0 : index
    %swap3A_1468 = vector.load %arg5[%swap3A_1466, %swap3A_1467] : memref<64x128xf32, #tpu.memory_space<vmem>>, vector<1x128xf32>
    %swap3A_1469 = vector.shape_cast %swap3A_1468 : vector<1x128xf32> to vector<128xf32>
    %swap3A_1470 = vector.shape_cast %broadcast_in_dim3A_1465 : vector<128xf32> to vector<1x128xf32>
    tpu.vector_store %arg5[%swap3A_1466, %swap3A_1467], %swap3A_1470 {strides = array<i32>} : memref<64x128xf32, #tpu.memory_space<vmem>>, vector<1x128xf32>,
    %slice3A_1471 = vector.extract_strided_slice %div3A_8 {offsets = [940, 0], sizes = [20, 128], strides = [1, 1]} : vector<1280x128xf32> to vector<20x128xf32>
    %slice3A_1472 = vector.extract_strided_slice %get3A_1 {offsets = [9400, 0], sizes = [200, 128], strides = [1, 1]} : vector<12800x128xf32> to vector<200x128xf32>
    %slice3A_1473 = vector.extract_strided_slice %mul3A_9 {offsets = [9400, 0], sizes = [200, 128], strides = [1, 1]} : vector<12800x128xf32> to vector<200x128xf32>
    %dot_general3A_1474 = arith.constant dense<0.000000e+00> : vector<20x200xf32>
    %dot_general3A_1475 = tpu.matmul %slice3A_1471, %slice3A_1472, %dot_general3A_1474 {dimension_numbers = #tpu.dot_dimension_numbers<[1], [1], [0], [0], [0, 0, 1, 0], [], []>, transpose_lhs_hint = false} : vector<20x128xf32>, vector<200x128xf32>, vector<20x200xf32> -> vector<20x200xf32>
    %dot_general3A_1476 = arith.constant dense<0.000000e+00> : vector<1x200xf32>
    %dot_general3A_1477 = tpu.matmul %broadcast_in_dim3A_11, %slice3A_1473, %dot_general3A_1476 {dimension_numbers = #tpu.dot_dimension_numbers<[1], [1], [0], [0], [0, 0, 1, 0], [], []>, transpose_lhs_hint = false} : vector<1x128xf32>, vector<200x128xf32>, vector<1x200xf32> -> vector<1x200xf32>
    %sqrt3A_1478 = math.sqrt %dot_general3A_1477 : vector<1x200xf32>
    %add3A_1479 = arith.constant 1.000000e-10 : f32
    %add3A_1480 = vector.broadcast %add3A_1479 : f32 to vector<1x200xf32>
    %add3A_1481 = arith.addf %sqrt3A_1478, %add3A_1480 : vector<1x200xf32>
    %div3A_1482 = arith.constant 1.000000e+00 : f32
    %div3A_1483 = vector.broadcast %div3A_1482 : f32 to vector<1x200xf32>
    %div3A_1484 = arith.divf %div3A_1483, %add3A_1481 : vector<1x200xf32>
    %mul3A_1485 = vector.broadcast %div3A_1484 : vector<1x200xf32> to vector<20x200xf32>
    %mul3A_1486 = arith.mulf %dot_general3A_1475, %mul3A_1485 : vector<20x200xf32>
    %reduce_max3A_1487 = arith.constant dense<0xFF800000> : vector<20xf32>
    %reduce_max3A_1488 = vector.multi_reduction <maximumf>, %mul3A_1486, %reduce_max3A_1487 [1] : vector<20x200xf32> to vector<20xf32>
    %reduce_sum3A_1489 = vector.shape_cast %reduce_max3A_1488 : vector<20xf32> to vector<1x20xf32>
    %reduce_sum3A_1490 = arith.constant dense<0.000000e+00> : vector<1xf32>
    %reduce_sum3A_1491 = vector.multi_reduction <add>, %reduce_sum3A_1489, %reduce_sum3A_1490 [1] : vector<1x20xf32> to vector<1xf32>
    %reduce_sum3A_1492 = vector.shape_cast %reduce_sum3A_1491 : vector<1xf32> to vector<1x1xf32>
    %reduce_sum3A_1493 = vector.extract %reduce_sum3A_1492[0, 0] : f32 from vector<1x1xf32>
    %mul3A_1494 = arith.mulf %reduce_sum3A_1493, %get3A_14 : f32
    %add3A_1495 = arith.addf %mul3A_1494, %get3A_17 : f32
    %broadcast_in_dim3A_1496 = vector.broadcast %add3A_1495 : f32 to vector<128xf32>
    %swap3A_1497 = arith.constant 47 : index
    %swap3A_1498 = arith.constant 0 : index
    %swap3A_1499 = vector.load %arg5[%swap3A_1497, %swap3A_1498] : memref<64x128xf32, #tpu.memory_space<vmem>>, vector<1x128xf32>
    %swap3A_1500 = vector.shape_cast %swap3A_1499 : vector<1x128xf32> to vector<128xf32>
    %swap3A_1501 = vector.shape_cast %broadcast_in_dim3A_1496 : vector<128xf32> to vector<1x128xf32>
    tpu.vector_store %arg5[%swap3A_1497, %swap3A_1498], %swap3A_1501 {strides = array<i32>} : memref<64x128xf32, #tpu.memory_space<vmem>>, vector<1x128xf32>,
    %slice3A_1502 = vector.extract_strided_slice %div3A_8 {offsets = [960, 0], sizes = [20, 128], strides = [1, 1]} : vector<1280x128xf32> to vector<20x128xf32>
    %slice3A_1503 = vector.extract_strided_slice %get3A_1 {offsets = [9600, 0], sizes = [200, 128], strides = [1, 1]} : vector<12800x128xf32> to vector<200x128xf32>
    %slice3A_1504 = vector.extract_strided_slice %mul3A_9 {offsets = [9600, 0], sizes = [200, 128], strides = [1, 1]} : vector<12800x128xf32> to vector<200x128xf32>
    %dot_general3A_1505 = arith.constant dense<0.000000e+00> : vector<20x200xf32>
    %dot_general3A_1506 = tpu.matmul %slice3A_1502, %slice3A_1503, %dot_general3A_1505 {dimension_numbers = #tpu.dot_dimension_numbers<[1], [1], [0], [0], [0, 0, 1, 0], [], []>, transpose_lhs_hint = false} : vector<20x128xf32>, vector<200x128xf32>, vector<20x200xf32> -> vector<20x200xf32>
    %dot_general3A_1507 = arith.constant dense<0.000000e+00> : vector<1x200xf32>
    %dot_general3A_1508 = tpu.matmul %broadcast_in_dim3A_11, %slice3A_1504, %dot_general3A_1507 {dimension_numbers = #tpu.dot_dimension_numbers<[1], [1], [0], [0], [0, 0, 1, 0], [], []>, transpose_lhs_hint = false} : vector<1x128xf32>, vector<200x128xf32>, vector<1x200xf32> -> vector<1x200xf32>
    %sqrt3A_1509 = math.sqrt %dot_general3A_1508 : vector<1x200xf32>
    %add3A_1510 = arith.constant 1.000000e-10 : f32
    %add3A_1511 = vector.broadcast %add3A_1510 : f32 to vector<1x200xf32>
    %add3A_1512 = arith.addf %sqrt3A_1509, %add3A_1511 : vector<1x200xf32>
    %div3A_1513 = arith.constant 1.000000e+00 : f32
    %div3A_1514 = vector.broadcast %div3A_1513 : f32 to vector<1x200xf32>
    %div3A_1515 = arith.divf %div3A_1514, %add3A_1512 : vector<1x200xf32>
    %mul3A_1516 = vector.broadcast %div3A_1515 : vector<1x200xf32> to vector<20x200xf32>
    %mul3A_1517 = arith.mulf %dot_general3A_1506, %mul3A_1516 : vector<20x200xf32>
    %reduce_max3A_1518 = arith.constant dense<0xFF800000> : vector<20xf32>
    %reduce_max3A_1519 = vector.multi_reduction <maximumf>, %mul3A_1517, %reduce_max3A_1518 [1] : vector<20x200xf32> to vector<20xf32>
    %reduce_sum3A_1520 = vector.shape_cast %reduce_max3A_1519 : vector<20xf32> to vector<1x20xf32>
    %reduce_sum3A_1521 = arith.constant dense<0.000000e+00> : vector<1xf32>
    %reduce_sum3A_1522 = vector.multi_reduction <add>, %reduce_sum3A_1520, %reduce_sum3A_1521 [1] : vector<1x20xf32> to vector<1xf32>
    %reduce_sum3A_1523 = vector.shape_cast %reduce_sum3A_1522 : vector<1xf32> to vector<1x1xf32>
    %reduce_sum3A_1524 = vector.extract %reduce_sum3A_1523[0, 0] : f32 from vector<1x1xf32>
    %mul3A_1525 = arith.mulf %reduce_sum3A_1524, %get3A_14 : f32
    %add3A_1526 = arith.addf %mul3A_1525, %get3A_17 : f32
    %broadcast_in_dim3A_1527 = vector.broadcast %add3A_1526 : f32 to vector<128xf32>
    %swap3A_1528 = arith.constant 48 : index
    %swap3A_1529 = arith.constant 0 : index
    %swap3A_1530 = vector.load %arg5[%swap3A_1528, %swap3A_1529] : memref<64x128xf32, #tpu.memory_space<vmem>>, vector<1x128xf32>
    %swap3A_1531 = vector.shape_cast %swap3A_1530 : vector<1x128xf32> to vector<128xf32>
    %swap3A_1532 = vector.shape_cast %broadcast_in_dim3A_1527 : vector<128xf32> to vector<1x128xf32>
    tpu.vector_store %arg5[%swap3A_1528, %swap3A_1529], %swap3A_1532 {strides = array<i32>} : memref<64x128xf32, #tpu.memory_space<vmem>>, vector<1x128xf32>,
    %slice3A_1533 = vector.extract_strided_slice %div3A_8 {offsets = [980, 0], sizes = [20, 128], strides = [1, 1]} : vector<1280x128xf32> to vector<20x128xf32>
    %slice3A_1534 = vector.extract_strided_slice %get3A_1 {offsets = [9800, 0], sizes = [200, 128], strides = [1, 1]} : vector<12800x128xf32> to vector<200x128xf32>
    %slice3A_1535 = vector.extract_strided_slice %mul3A_9 {offsets = [9800, 0], sizes = [200, 128], strides = [1, 1]} : vector<12800x128xf32> to vector<200x128xf32>
    %dot_general3A_1536 = arith.constant dense<0.000000e+00> : vector<20x200xf32>
    %dot_general3A_1537 = tpu.matmul %slice3A_1533, %slice3A_1534, %dot_general3A_1536 {dimension_numbers = #tpu.dot_dimension_numbers<[1], [1], [0], [0], [0, 0, 1, 0], [], []>, transpose_lhs_hint = false} : vector<20x128xf32>, vector<200x128xf32>, vector<20x200xf32> -> vector<20x200xf32>
    %dot_general3A_1538 = arith.constant dense<0.000000e+00> : vector<1x200xf32>
    %dot_general3A_1539 = tpu.matmul %broadcast_in_dim3A_11, %slice3A_1535, %dot_general3A_1538 {dimension_numbers = #tpu.dot_dimension_numbers<[1], [1], [0], [0], [0, 0, 1, 0], [], []>, transpose_lhs_hint = false} : vector<1x128xf32>, vector<200x128xf32>, vector<1x200xf32> -> vector<1x200xf32>
    %sqrt3A_1540 = math.sqrt %dot_general3A_1539 : vector<1x200xf32>
    %add3A_1541 = arith.constant 1.000000e-10 : f32
    %add3A_1542 = vector.broadcast %add3A_1541 : f32 to vector<1x200xf32>
    %add3A_1543 = arith.addf %sqrt3A_1540, %add3A_1542 : vector<1x200xf32>
    %div3A_1544 = arith.constant 1.000000e+00 : f32
    %div3A_1545 = vector.broadcast %div3A_1544 : f32 to vector<1x200xf32>
    %div3A_1546 = arith.divf %div3A_1545, %add3A_1543 : vector<1x200xf32>
    %mul3A_1547 = vector.broadcast %div3A_1546 : vector<1x200xf32> to vector<20x200xf32>
    %mul3A_1548 = arith.mulf %dot_general3A_1537, %mul3A_1547 : vector<20x200xf32>
    %reduce_max3A_1549 = arith.constant dense<0xFF800000> : vector<20xf32>
    %reduce_max3A_1550 = vector.multi_reduction <maximumf>, %mul3A_1548, %reduce_max3A_1549 [1] : vector<20x200xf32> to vector<20xf32>
    %reduce_sum3A_1551 = vector.shape_cast %reduce_max3A_1550 : vector<20xf32> to vector<1x20xf32>
    %reduce_sum3A_1552 = arith.constant dense<0.000000e+00> : vector<1xf32>
    %reduce_sum3A_1553 = vector.multi_reduction <add>, %reduce_sum3A_1551, %reduce_sum3A_1552 [1] : vector<1x20xf32> to vector<1xf32>
    %reduce_sum3A_1554 = vector.shape_cast %reduce_sum3A_1553 : vector<1xf32> to vector<1x1xf32>
    %reduce_sum3A_1555 = vector.extract %reduce_sum3A_1554[0, 0] : f32 from vector<1x1xf32>
    %mul3A_1556 = arith.mulf %reduce_sum3A_1555, %get3A_14 : f32
    %add3A_1557 = arith.addf %mul3A_1556, %get3A_17 : f32
    %broadcast_in_dim3A_1558 = vector.broadcast %add3A_1557 : f32 to vector<128xf32>
    %swap3A_1559 = arith.constant 49 : index
    %swap3A_1560 = arith.constant 0 : index
    %swap3A_1561 = vector.load %arg5[%swap3A_1559, %swap3A_1560] : memref<64x128xf32, #tpu.memory_space<vmem>>, vector<1x128xf32>
    %swap3A_1562 = vector.shape_cast %swap3A_1561 : vector<1x128xf32> to vector<128xf32>
    %swap3A_1563 = vector.shape_cast %broadcast_in_dim3A_1558 : vector<128xf32> to vector<1x128xf32>
    tpu.vector_store %arg5[%swap3A_1559, %swap3A_1560], %swap3A_1563 {strides = array<i32>} : memref<64x128xf32, #tpu.memory_space<vmem>>, vector<1x128xf32>,
    %slice3A_1564 = vector.extract_strided_slice %div3A_8 {offsets = [1000, 0], sizes = [20, 128], strides = [1, 1]} : vector<1280x128xf32> to vector<20x128xf32>
    %slice3A_1565 = vector.extract_strided_slice %get3A_1 {offsets = [10000, 0], sizes = [200, 128], strides = [1, 1]} : vector<12800x128xf32> to vector<200x128xf32>
    %slice3A_1566 = vector.extract_strided_slice %mul3A_9 {offsets = [10000, 0], sizes = [200, 128], strides = [1, 1]} : vector<12800x128xf32> to vector<200x128xf32>
    %dot_general3A_1567 = arith.constant dense<0.000000e+00> : vector<20x200xf32>
    %dot_general3A_1568 = tpu.matmul %slice3A_1564, %slice3A_1565, %dot_general3A_1567 {dimension_numbers = #tpu.dot_dimension_numbers<[1], [1], [0], [0], [0, 0, 1, 0], [], []>, transpose_lhs_hint = false} : vector<20x128xf32>, vector<200x128xf32>, vector<20x200xf32> -> vector<20x200xf32>
    %dot_general3A_1569 = arith.constant dense<0.000000e+00> : vector<1x200xf32>
    %dot_general3A_1570 = tpu.matmul %broadcast_in_dim3A_11, %slice3A_1566, %dot_general3A_1569 {dimension_numbers = #tpu.dot_dimension_numbers<[1], [1], [0], [0], [0, 0, 1, 0], [], []>, transpose_lhs_hint = false} : vector<1x128xf32>, vector<200x128xf32>, vector<1x200xf32> -> vector<1x200xf32>
    %sqrt3A_1571 = math.sqrt %dot_general3A_1570 : vector<1x200xf32>
    %add3A_1572 = arith.constant 1.000000e-10 : f32
    %add3A_1573 = vector.broadcast %add3A_1572 : f32 to vector<1x200xf32>
    %add3A_1574 = arith.addf %sqrt3A_1571, %add3A_1573 : vector<1x200xf32>
    %div3A_1575 = arith.constant 1.000000e+00 : f32
    %div3A_1576 = vector.broadcast %div3A_1575 : f32 to vector<1x200xf32>
    %div3A_1577 = arith.divf %div3A_1576, %add3A_1574 : vector<1x200xf32>
    %mul3A_1578 = vector.broadcast %div3A_1577 : vector<1x200xf32> to vector<20x200xf32>
    %mul3A_1579 = arith.mulf %dot_general3A_1568, %mul3A_1578 : vector<20x200xf32>
    %reduce_max3A_1580 = arith.constant dense<0xFF800000> : vector<20xf32>
    %reduce_max3A_1581 = vector.multi_reduction <maximumf>, %mul3A_1579, %reduce_max3A_1580 [1] : vector<20x200xf32> to vector<20xf32>
    %reduce_sum3A_1582 = vector.shape_cast %reduce_max3A_1581 : vector<20xf32> to vector<1x20xf32>
    %reduce_sum3A_1583 = arith.constant dense<0.000000e+00> : vector<1xf32>
    %reduce_sum3A_1584 = vector.multi_reduction <add>, %reduce_sum3A_1582, %reduce_sum3A_1583 [1] : vector<1x20xf32> to vector<1xf32>
    %reduce_sum3A_1585 = vector.shape_cast %reduce_sum3A_1584 : vector<1xf32> to vector<1x1xf32>
    %reduce_sum3A_1586 = vector.extract %reduce_sum3A_1585[0, 0] : f32 from vector<1x1xf32>
    %mul3A_1587 = arith.mulf %reduce_sum3A_1586, %get3A_14 : f32
    %add3A_1588 = arith.addf %mul3A_1587, %get3A_17 : f32
    %broadcast_in_dim3A_1589 = vector.broadcast %add3A_1588 : f32 to vector<128xf32>
    %swap3A_1590 = arith.constant 50 : index
    %swap3A_1591 = arith.constant 0 : index
    %swap3A_1592 = vector.load %arg5[%swap3A_1590, %swap3A_1591] : memref<64x128xf32, #tpu.memory_space<vmem>>, vector<1x128xf32>
    %swap3A_1593 = vector.shape_cast %swap3A_1592 : vector<1x128xf32> to vector<128xf32>
    %swap3A_1594 = vector.shape_cast %broadcast_in_dim3A_1589 : vector<128xf32> to vector<1x128xf32>
    tpu.vector_store %arg5[%swap3A_1590, %swap3A_1591], %swap3A_1594 {strides = array<i32>} : memref<64x128xf32, #tpu.memory_space<vmem>>, vector<1x128xf32>,
    %slice3A_1595 = vector.extract_strided_slice %div3A_8 {offsets = [1020, 0], sizes = [20, 128], strides = [1, 1]} : vector<1280x128xf32> to vector<20x128xf32>
    %slice3A_1596 = vector.extract_strided_slice %get3A_1 {offsets = [10200, 0], sizes = [200, 128], strides = [1, 1]} : vector<12800x128xf32> to vector<200x128xf32>
    %slice3A_1597 = vector.extract_strided_slice %mul3A_9 {offsets = [10200, 0], sizes = [200, 128], strides = [1, 1]} : vector<12800x128xf32> to vector<200x128xf32>
    %dot_general3A_1598 = arith.constant dense<0.000000e+00> : vector<20x200xf32>
    %dot_general3A_1599 = tpu.matmul %slice3A_1595, %slice3A_1596, %dot_general3A_1598 {dimension_numbers = #tpu.dot_dimension_numbers<[1], [1], [0], [0], [0, 0, 1, 0], [], []>, transpose_lhs_hint = false} : vector<20x128xf32>, vector<200x128xf32>, vector<20x200xf32> -> vector<20x200xf32>
    %dot_general3A_1600 = arith.constant dense<0.000000e+00> : vector<1x200xf32>
    %dot_general3A_1601 = tpu.matmul %broadcast_in_dim3A_11, %slice3A_1597, %dot_general3A_1600 {dimension_numbers = #tpu.dot_dimension_numbers<[1], [1], [0], [0], [0, 0, 1, 0], [], []>, transpose_lhs_hint = false} : vector<1x128xf32>, vector<200x128xf32>, vector<1x200xf32> -> vector<1x200xf32>
    %sqrt3A_1602 = math.sqrt %dot_general3A_1601 : vector<1x200xf32>
    %add3A_1603 = arith.constant 1.000000e-10 : f32
    %add3A_1604 = vector.broadcast %add3A_1603 : f32 to vector<1x200xf32>
    %add3A_1605 = arith.addf %sqrt3A_1602, %add3A_1604 : vector<1x200xf32>
    %div3A_1606 = arith.constant 1.000000e+00 : f32
    %div3A_1607 = vector.broadcast %div3A_1606 : f32 to vector<1x200xf32>
    %div3A_1608 = arith.divf %div3A_1607, %add3A_1605 : vector<1x200xf32>
    %mul3A_1609 = vector.broadcast %div3A_1608 : vector<1x200xf32> to vector<20x200xf32>
    %mul3A_1610 = arith.mulf %dot_general3A_1599, %mul3A_1609 : vector<20x200xf32>
    %reduce_max3A_1611 = arith.constant dense<0xFF800000> : vector<20xf32>
    %reduce_max3A_1612 = vector.multi_reduction <maximumf>, %mul3A_1610, %reduce_max3A_1611 [1] : vector<20x200xf32> to vector<20xf32>
    %reduce_sum3A_1613 = vector.shape_cast %reduce_max3A_1612 : vector<20xf32> to vector<1x20xf32>
    %reduce_sum3A_1614 = arith.constant dense<0.000000e+00> : vector<1xf32>
    %reduce_sum3A_1615 = vector.multi_reduction <add>, %reduce_sum3A_1613, %reduce_sum3A_1614 [1] : vector<1x20xf32> to vector<1xf32>
    %reduce_sum3A_1616 = vector.shape_cast %reduce_sum3A_1615 : vector<1xf32> to vector<1x1xf32>
    %reduce_sum3A_1617 = vector.extract %reduce_sum3A_1616[0, 0] : f32 from vector<1x1xf32>
    %mul3A_1618 = arith.mulf %reduce_sum3A_1617, %get3A_14 : f32
    %add3A_1619 = arith.addf %mul3A_1618, %get3A_17 : f32
    %broadcast_in_dim3A_1620 = vector.broadcast %add3A_1619 : f32 to vector<128xf32>
    %swap3A_1621 = arith.constant 51 : index
    %swap3A_1622 = arith.constant 0 : index
    %swap3A_1623 = vector.load %arg5[%swap3A_1621, %swap3A_1622] : memref<64x128xf32, #tpu.memory_space<vmem>>, vector<1x128xf32>
    %swap3A_1624 = vector.shape_cast %swap3A_1623 : vector<1x128xf32> to vector<128xf32>
    %swap3A_1625 = vector.shape_cast %broadcast_in_dim3A_1620 : vector<128xf32> to vector<1x128xf32>
    tpu.vector_store %arg5[%swap3A_1621, %swap3A_1622], %swap3A_1625 {strides = array<i32>} : memref<64x128xf32, #tpu.memory_space<vmem>>, vector<1x128xf32>,
    %slice3A_1626 = vector.extract_strided_slice %div3A_8 {offsets = [1040, 0], sizes = [20, 128], strides = [1, 1]} : vector<1280x128xf32> to vector<20x128xf32>
    %slice3A_1627 = vector.extract_strided_slice %get3A_1 {offsets = [10400, 0], sizes = [200, 128], strides = [1, 1]} : vector<12800x128xf32> to vector<200x128xf32>
    %slice3A_1628 = vector.extract_strided_slice %mul3A_9 {offsets = [10400, 0], sizes = [200, 128], strides = [1, 1]} : vector<12800x128xf32> to vector<200x128xf32>
    %dot_general3A_1629 = arith.constant dense<0.000000e+00> : vector<20x200xf32>
    %dot_general3A_1630 = tpu.matmul %slice3A_1626, %slice3A_1627, %dot_general3A_1629 {dimension_numbers = #tpu.dot_dimension_numbers<[1], [1], [0], [0], [0, 0, 1, 0], [], []>, transpose_lhs_hint = false} : vector<20x128xf32>, vector<200x128xf32>, vector<20x200xf32> -> vector<20x200xf32>
    %dot_general3A_1631 = arith.constant dense<0.000000e+00> : vector<1x200xf32>
    %dot_general3A_1632 = tpu.matmul %broadcast_in_dim3A_11, %slice3A_1628, %dot_general3A_1631 {dimension_numbers = #tpu.dot_dimension_numbers<[1], [1], [0], [0], [0, 0, 1, 0], [], []>, transpose_lhs_hint = false} : vector<1x128xf32>, vector<200x128xf32>, vector<1x200xf32> -> vector<1x200xf32>
    %sqrt3A_1633 = math.sqrt %dot_general3A_1632 : vector<1x200xf32>
    %add3A_1634 = arith.constant 1.000000e-10 : f32
    %add3A_1635 = vector.broadcast %add3A_1634 : f32 to vector<1x200xf32>
    %add3A_1636 = arith.addf %sqrt3A_1633, %add3A_1635 : vector<1x200xf32>
    %div3A_1637 = arith.constant 1.000000e+00 : f32
    %div3A_1638 = vector.broadcast %div3A_1637 : f32 to vector<1x200xf32>
    %div3A_1639 = arith.divf %div3A_1638, %add3A_1636 : vector<1x200xf32>
    %mul3A_1640 = vector.broadcast %div3A_1639 : vector<1x200xf32> to vector<20x200xf32>
    %mul3A_1641 = arith.mulf %dot_general3A_1630, %mul3A_1640 : vector<20x200xf32>
    %reduce_max3A_1642 = arith.constant dense<0xFF800000> : vector<20xf32>
    %reduce_max3A_1643 = vector.multi_reduction <maximumf>, %mul3A_1641, %reduce_max3A_1642 [1] : vector<20x200xf32> to vector<20xf32>
    %reduce_sum3A_1644 = vector.shape_cast %reduce_max3A_1643 : vector<20xf32> to vector<1x20xf32>
    %reduce_sum3A_1645 = arith.constant dense<0.000000e+00> : vector<1xf32>
    %reduce_sum3A_1646 = vector.multi_reduction <add>, %reduce_sum3A_1644, %reduce_sum3A_1645 [1] : vector<1x20xf32> to vector<1xf32>
    %reduce_sum3A_1647 = vector.shape_cast %reduce_sum3A_1646 : vector<1xf32> to vector<1x1xf32>
    %reduce_sum3A_1648 = vector.extract %reduce_sum3A_1647[0, 0] : f32 from vector<1x1xf32>
    %mul3A_1649 = arith.mulf %reduce_sum3A_1648, %get3A_14 : f32
    %add3A_1650 = arith.addf %mul3A_1649, %get3A_17 : f32
    %broadcast_in_dim3A_1651 = vector.broadcast %add3A_1650 : f32 to vector<128xf32>
    %swap3A_1652 = arith.constant 52 : index
    %swap3A_1653 = arith.constant 0 : index
    %swap3A_1654 = vector.load %arg5[%swap3A_1652, %swap3A_1653] : memref<64x128xf32, #tpu.memory_space<vmem>>, vector<1x128xf32>
    %swap3A_1655 = vector.shape_cast %swap3A_1654 : vector<1x128xf32> to vector<128xf32>
    %swap3A_1656 = vector.shape_cast %broadcast_in_dim3A_1651 : vector<128xf32> to vector<1x128xf32>
    tpu.vector_store %arg5[%swap3A_1652, %swap3A_1653], %swap3A_1656 {strides = array<i32>} : memref<64x128xf32, #tpu.memory_space<vmem>>, vector<1x128xf32>,
    %slice3A_1657 = vector.extract_strided_slice %div3A_8 {offsets = [1060, 0], sizes = [20, 128], strides = [1, 1]} : vector<1280x128xf32> to vector<20x128xf32>
    %slice3A_1658 = vector.extract_strided_slice %get3A_1 {offsets = [10600, 0], sizes = [200, 128], strides = [1, 1]} : vector<12800x128xf32> to vector<200x128xf32>
    %slice3A_1659 = vector.extract_strided_slice %mul3A_9 {offsets = [10600, 0], sizes = [200, 128], strides = [1, 1]} : vector<12800x128xf32> to vector<200x128xf32>
    %dot_general3A_1660 = arith.constant dense<0.000000e+00> : vector<20x200xf32>
    %dot_general3A_1661 = tpu.matmul %slice3A_1657, %slice3A_1658, %dot_general3A_1660 {dimension_numbers = #tpu.dot_dimension_numbers<[1], [1], [0], [0], [0, 0, 1, 0], [], []>, transpose_lhs_hint = false} : vector<20x128xf32>, vector<200x128xf32>, vector<20x200xf32> -> vector<20x200xf32>
    %dot_general3A_1662 = arith.constant dense<0.000000e+00> : vector<1x200xf32>
    %dot_general3A_1663 = tpu.matmul %broadcast_in_dim3A_11, %slice3A_1659, %dot_general3A_1662 {dimension_numbers = #tpu.dot_dimension_numbers<[1], [1], [0], [0], [0, 0, 1, 0], [], []>, transpose_lhs_hint = false} : vector<1x128xf32>, vector<200x128xf32>, vector<1x200xf32> -> vector<1x200xf32>
    %sqrt3A_1664 = math.sqrt %dot_general3A_1663 : vector<1x200xf32>
    %add3A_1665 = arith.constant 1.000000e-10 : f32
    %add3A_1666 = vector.broadcast %add3A_1665 : f32 to vector<1x200xf32>
    %add3A_1667 = arith.addf %sqrt3A_1664, %add3A_1666 : vector<1x200xf32>
    %div3A_1668 = arith.constant 1.000000e+00 : f32
    %div3A_1669 = vector.broadcast %div3A_1668 : f32 to vector<1x200xf32>
    %div3A_1670 = arith.divf %div3A_1669, %add3A_1667 : vector<1x200xf32>
    %mul3A_1671 = vector.broadcast %div3A_1670 : vector<1x200xf32> to vector<20x200xf32>
    %mul3A_1672 = arith.mulf %dot_general3A_1661, %mul3A_1671 : vector<20x200xf32>
    %reduce_max3A_1673 = arith.constant dense<0xFF800000> : vector<20xf32>
    %reduce_max3A_1674 = vector.multi_reduction <maximumf>, %mul3A_1672, %reduce_max3A_1673 [1] : vector<20x200xf32> to vector<20xf32>
    %reduce_sum3A_1675 = vector.shape_cast %reduce_max3A_1674 : vector<20xf32> to vector<1x20xf32>
    %reduce_sum3A_1676 = arith.constant dense<0.000000e+00> : vector<1xf32>
    %reduce_sum3A_1677 = vector.multi_reduction <add>, %reduce_sum3A_1675, %reduce_sum3A_1676 [1] : vector<1x20xf32> to vector<1xf32>
    %reduce_sum3A_1678 = vector.shape_cast %reduce_sum3A_1677 : vector<1xf32> to vector<1x1xf32>
    %reduce_sum3A_1679 = vector.extract %reduce_sum3A_1678[0, 0] : f32 from vector<1x1xf32>
    %mul3A_1680 = arith.mulf %reduce_sum3A_1679, %get3A_14 : f32
    %add3A_1681 = arith.addf %mul3A_1680, %get3A_17 : f32
    %broadcast_in_dim3A_1682 = vector.broadcast %add3A_1681 : f32 to vector<128xf32>
    %swap3A_1683 = arith.constant 53 : index
    %swap3A_1684 = arith.constant 0 : index
    %swap3A_1685 = vector.load %arg5[%swap3A_1683, %swap3A_1684] : memref<64x128xf32, #tpu.memory_space<vmem>>, vector<1x128xf32>
    %swap3A_1686 = vector.shape_cast %swap3A_1685 : vector<1x128xf32> to vector<128xf32>
    %swap3A_1687 = vector.shape_cast %broadcast_in_dim3A_1682 : vector<128xf32> to vector<1x128xf32>
    tpu.vector_store %arg5[%swap3A_1683, %swap3A_1684], %swap3A_1687 {strides = array<i32>} : memref<64x128xf32, #tpu.memory_space<vmem>>, vector<1x128xf32>,
    %slice3A_1688 = vector.extract_strided_slice %div3A_8 {offsets = [1080, 0], sizes = [20, 128], strides = [1, 1]} : vector<1280x128xf32> to vector<20x128xf32>
    %slice3A_1689 = vector.extract_strided_slice %get3A_1 {offsets = [10800, 0], sizes = [200, 128], strides = [1, 1]} : vector<12800x128xf32> to vector<200x128xf32>
    %slice3A_1690 = vector.extract_strided_slice %mul3A_9 {offsets = [10800, 0], sizes = [200, 128], strides = [1, 1]} : vector<12800x128xf32> to vector<200x128xf32>
    %dot_general3A_1691 = arith.constant dense<0.000000e+00> : vector<20x200xf32>
    %dot_general3A_1692 = tpu.matmul %slice3A_1688, %slice3A_1689, %dot_general3A_1691 {dimension_numbers = #tpu.dot_dimension_numbers<[1], [1], [0], [0], [0, 0, 1, 0], [], []>, transpose_lhs_hint = false} : vector<20x128xf32>, vector<200x128xf32>, vector<20x200xf32> -> vector<20x200xf32>
    %dot_general3A_1693 = arith.constant dense<0.000000e+00> : vector<1x200xf32>
    %dot_general3A_1694 = tpu.matmul %broadcast_in_dim3A_11, %slice3A_1690, %dot_general3A_1693 {dimension_numbers = #tpu.dot_dimension_numbers<[1], [1], [0], [0], [0, 0, 1, 0], [], []>, transpose_lhs_hint = false} : vector<1x128xf32>, vector<200x128xf32>, vector<1x200xf32> -> vector<1x200xf32>
    %sqrt3A_1695 = math.sqrt %dot_general3A_1694 : vector<1x200xf32>
    %add3A_1696 = arith.constant 1.000000e-10 : f32
    %add3A_1697 = vector.broadcast %add3A_1696 : f32 to vector<1x200xf32>
    %add3A_1698 = arith.addf %sqrt3A_1695, %add3A_1697 : vector<1x200xf32>
    %div3A_1699 = arith.constant 1.000000e+00 : f32
    %div3A_1700 = vector.broadcast %div3A_1699 : f32 to vector<1x200xf32>
    %div3A_1701 = arith.divf %div3A_1700, %add3A_1698 : vector<1x200xf32>
    %mul3A_1702 = vector.broadcast %div3A_1701 : vector<1x200xf32> to vector<20x200xf32>
    %mul3A_1703 = arith.mulf %dot_general3A_1692, %mul3A_1702 : vector<20x200xf32>
    %reduce_max3A_1704 = arith.constant dense<0xFF800000> : vector<20xf32>
    %reduce_max3A_1705 = vector.multi_reduction <maximumf>, %mul3A_1703, %reduce_max3A_1704 [1] : vector<20x200xf32> to vector<20xf32>
    %reduce_sum3A_1706 = vector.shape_cast %reduce_max3A_1705 : vector<20xf32> to vector<1x20xf32>
    %reduce_sum3A_1707 = arith.constant dense<0.000000e+00> : vector<1xf32>
    %reduce_sum3A_1708 = vector.multi_reduction <add>, %reduce_sum3A_1706, %reduce_sum3A_1707 [1] : vector<1x20xf32> to vector<1xf32>
    %reduce_sum3A_1709 = vector.shape_cast %reduce_sum3A_1708 : vector<1xf32> to vector<1x1xf32>
    %reduce_sum3A_1710 = vector.extract %reduce_sum3A_1709[0, 0] : f32 from vector<1x1xf32>
    %mul3A_1711 = arith.mulf %reduce_sum3A_1710, %get3A_14 : f32
    %add3A_1712 = arith.addf %mul3A_1711, %get3A_17 : f32
    %broadcast_in_dim3A_1713 = vector.broadcast %add3A_1712 : f32 to vector<128xf32>
    %swap3A_1714 = arith.constant 54 : index
    %swap3A_1715 = arith.constant 0 : index
    %swap3A_1716 = vector.load %arg5[%swap3A_1714, %swap3A_1715] : memref<64x128xf32, #tpu.memory_space<vmem>>, vector<1x128xf32>
    %swap3A_1717 = vector.shape_cast %swap3A_1716 : vector<1x128xf32> to vector<128xf32>
    %swap3A_1718 = vector.shape_cast %broadcast_in_dim3A_1713 : vector<128xf32> to vector<1x128xf32>
    tpu.vector_store %arg5[%swap3A_1714, %swap3A_1715], %swap3A_1718 {strides = array<i32>} : memref<64x128xf32, #tpu.memory_space<vmem>>, vector<1x128xf32>,
    %slice3A_1719 = vector.extract_strided_slice %div3A_8 {offsets = [1100, 0], sizes = [20, 128], strides = [1, 1]} : vector<1280x128xf32> to vector<20x128xf32>
    %slice3A_1720 = vector.extract_strided_slice %get3A_1 {offsets = [11000, 0], sizes = [200, 128], strides = [1, 1]} : vector<12800x128xf32> to vector<200x128xf32>
    %slice3A_1721 = vector.extract_strided_slice %mul3A_9 {offsets = [11000, 0], sizes = [200, 128], strides = [1, 1]} : vector<12800x128xf32> to vector<200x128xf32>
    %dot_general3A_1722 = arith.constant dense<0.000000e+00> : vector<20x200xf32>
    %dot_general3A_1723 = tpu.matmul %slice3A_1719, %slice3A_1720, %dot_general3A_1722 {dimension_numbers = #tpu.dot_dimension_numbers<[1], [1], [0], [0], [0, 0, 1, 0], [], []>, transpose_lhs_hint = false} : vector<20x128xf32>, vector<200x128xf32>, vector<20x200xf32> -> vector<20x200xf32>
    %dot_general3A_1724 = arith.constant dense<0.000000e+00> : vector<1x200xf32>
    %dot_general3A_1725 = tpu.matmul %broadcast_in_dim3A_11, %slice3A_1721, %dot_general3A_1724 {dimension_numbers = #tpu.dot_dimension_numbers<[1], [1], [0], [0], [0, 0, 1, 0], [], []>, transpose_lhs_hint = false} : vector<1x128xf32>, vector<200x128xf32>, vector<1x200xf32> -> vector<1x200xf32>
    %sqrt3A_1726 = math.sqrt %dot_general3A_1725 : vector<1x200xf32>
    %add3A_1727 = arith.constant 1.000000e-10 : f32
    %add3A_1728 = vector.broadcast %add3A_1727 : f32 to vector<1x200xf32>
    %add3A_1729 = arith.addf %sqrt3A_1726, %add3A_1728 : vector<1x200xf32>
    %div3A_1730 = arith.constant 1.000000e+00 : f32
    %div3A_1731 = vector.broadcast %div3A_1730 : f32 to vector<1x200xf32>
    %div3A_1732 = arith.divf %div3A_1731, %add3A_1729 : vector<1x200xf32>
    %mul3A_1733 = vector.broadcast %div3A_1732 : vector<1x200xf32> to vector<20x200xf32>
    %mul3A_1734 = arith.mulf %dot_general3A_1723, %mul3A_1733 : vector<20x200xf32>
    %reduce_max3A_1735 = arith.constant dense<0xFF800000> : vector<20xf32>
    %reduce_max3A_1736 = vector.multi_reduction <maximumf>, %mul3A_1734, %reduce_max3A_1735 [1] : vector<20x200xf32> to vector<20xf32>
    %reduce_sum3A_1737 = vector.shape_cast %reduce_max3A_1736 : vector<20xf32> to vector<1x20xf32>
    %reduce_sum3A_1738 = arith.constant dense<0.000000e+00> : vector<1xf32>
    %reduce_sum3A_1739 = vector.multi_reduction <add>, %reduce_sum3A_1737, %reduce_sum3A_1738 [1] : vector<1x20xf32> to vector<1xf32>
    %reduce_sum3A_1740 = vector.shape_cast %reduce_sum3A_1739 : vector<1xf32> to vector<1x1xf32>
    %reduce_sum3A_1741 = vector.extract %reduce_sum3A_1740[0, 0] : f32 from vector<1x1xf32>
    %mul3A_1742 = arith.mulf %reduce_sum3A_1741, %get3A_14 : f32
    %add3A_1743 = arith.addf %mul3A_1742, %get3A_17 : f32
    %broadcast_in_dim3A_1744 = vector.broadcast %add3A_1743 : f32 to vector<128xf32>
    %swap3A_1745 = arith.constant 55 : index
    %swap3A_1746 = arith.constant 0 : index
    %swap3A_1747 = vector.load %arg5[%swap3A_1745, %swap3A_1746] : memref<64x128xf32, #tpu.memory_space<vmem>>, vector<1x128xf32>
    %swap3A_1748 = vector.shape_cast %swap3A_1747 : vector<1x128xf32> to vector<128xf32>
    %swap3A_1749 = vector.shape_cast %broadcast_in_dim3A_1744 : vector<128xf32> to vector<1x128xf32>
    tpu.vector_store %arg5[%swap3A_1745, %swap3A_1746], %swap3A_1749 {strides = array<i32>} : memref<64x128xf32, #tpu.memory_space<vmem>>, vector<1x128xf32>,
    %slice3A_1750 = vector.extract_strided_slice %div3A_8 {offsets = [1120, 0], sizes = [20, 128], strides = [1, 1]} : vector<1280x128xf32> to vector<20x128xf32>
    %slice3A_1751 = vector.extract_strided_slice %get3A_1 {offsets = [11200, 0], sizes = [200, 128], strides = [1, 1]} : vector<12800x128xf32> to vector<200x128xf32>
    %slice3A_1752 = vector.extract_strided_slice %mul3A_9 {offsets = [11200, 0], sizes = [200, 128], strides = [1, 1]} : vector<12800x128xf32> to vector<200x128xf32>
    %dot_general3A_1753 = arith.constant dense<0.000000e+00> : vector<20x200xf32>
    %dot_general3A_1754 = tpu.matmul %slice3A_1750, %slice3A_1751, %dot_general3A_1753 {dimension_numbers = #tpu.dot_dimension_numbers<[1], [1], [0], [0], [0, 0, 1, 0], [], []>, transpose_lhs_hint = false} : vector<20x128xf32>, vector<200x128xf32>, vector<20x200xf32> -> vector<20x200xf32>
    %dot_general3A_1755 = arith.constant dense<0.000000e+00> : vector<1x200xf32>
    %dot_general3A_1756 = tpu.matmul %broadcast_in_dim3A_11, %slice3A_1752, %dot_general3A_1755 {dimension_numbers = #tpu.dot_dimension_numbers<[1], [1], [0], [0], [0, 0, 1, 0], [], []>, transpose_lhs_hint = false} : vector<1x128xf32>, vector<200x128xf32>, vector<1x200xf32> -> vector<1x200xf32>
    %sqrt3A_1757 = math.sqrt %dot_general3A_1756 : vector<1x200xf32>
    %add3A_1758 = arith.constant 1.000000e-10 : f32
    %add3A_1759 = vector.broadcast %add3A_1758 : f32 to vector<1x200xf32>
    %add3A_1760 = arith.addf %sqrt3A_1757, %add3A_1759 : vector<1x200xf32>
    %div3A_1761 = arith.constant 1.000000e+00 : f32
    %div3A_1762 = vector.broadcast %div3A_1761 : f32 to vector<1x200xf32>
    %div3A_1763 = arith.divf %div3A_1762, %add3A_1760 : vector<1x200xf32>
    %mul3A_1764 = vector.broadcast %div3A_1763 : vector<1x200xf32> to vector<20x200xf32>
    %mul3A_1765 = arith.mulf %dot_general3A_1754, %mul3A_1764 : vector<20x200xf32>
    %reduce_max3A_1766 = arith.constant dense<0xFF800000> : vector<20xf32>
    %reduce_max3A_1767 = vector.multi_reduction <maximumf>, %mul3A_1765, %reduce_max3A_1766 [1] : vector<20x200xf32> to vector<20xf32>
    %reduce_sum3A_1768 = vector.shape_cast %reduce_max3A_1767 : vector<20xf32> to vector<1x20xf32>
    %reduce_sum3A_1769 = arith.constant dense<0.000000e+00> : vector<1xf32>
    %reduce_sum3A_1770 = vector.multi_reduction <add>, %reduce_sum3A_1768, %reduce_sum3A_1769 [1] : vector<1x20xf32> to vector<1xf32>
    %reduce_sum3A_1771 = vector.shape_cast %reduce_sum3A_1770 : vector<1xf32> to vector<1x1xf32>
    %reduce_sum3A_1772 = vector.extract %reduce_sum3A_1771[0, 0] : f32 from vector<1x1xf32>
    %mul3A_1773 = arith.mulf %reduce_sum3A_1772, %get3A_14 : f32
    %add3A_1774 = arith.addf %mul3A_1773, %get3A_17 : f32
    %broadcast_in_dim3A_1775 = vector.broadcast %add3A_1774 : f32 to vector<128xf32>
    %swap3A_1776 = arith.constant 56 : index
    %swap3A_1777 = arith.constant 0 : index
    %swap3A_1778 = vector.load %arg5[%swap3A_1776, %swap3A_1777] : memref<64x128xf32, #tpu.memory_space<vmem>>, vector<1x128xf32>
    %swap3A_1779 = vector.shape_cast %swap3A_1778 : vector<1x128xf32> to vector<128xf32>
    %swap3A_1780 = vector.shape_cast %broadcast_in_dim3A_1775 : vector<128xf32> to vector<1x128xf32>
    tpu.vector_store %arg5[%swap3A_1776, %swap3A_1777], %swap3A_1780 {strides = array<i32>} : memref<64x128xf32, #tpu.memory_space<vmem>>, vector<1x128xf32>,
    %slice3A_1781 = vector.extract_strided_slice %div3A_8 {offsets = [1140, 0], sizes = [20, 128], strides = [1, 1]} : vector<1280x128xf32> to vector<20x128xf32>
    %slice3A_1782 = vector.extract_strided_slice %get3A_1 {offsets = [11400, 0], sizes = [200, 128], strides = [1, 1]} : vector<12800x128xf32> to vector<200x128xf32>
    %slice3A_1783 = vector.extract_strided_slice %mul3A_9 {offsets = [11400, 0], sizes = [200, 128], strides = [1, 1]} : vector<12800x128xf32> to vector<200x128xf32>
    %dot_general3A_1784 = arith.constant dense<0.000000e+00> : vector<20x200xf32>
    %dot_general3A_1785 = tpu.matmul %slice3A_1781, %slice3A_1782, %dot_general3A_1784 {dimension_numbers = #tpu.dot_dimension_numbers<[1], [1], [0], [0], [0, 0, 1, 0], [], []>, transpose_lhs_hint = false} : vector<20x128xf32>, vector<200x128xf32>, vector<20x200xf32> -> vector<20x200xf32>
    %dot_general3A_1786 = arith.constant dense<0.000000e+00> : vector<1x200xf32>
    %dot_general3A_1787 = tpu.matmul %broadcast_in_dim3A_11, %slice3A_1783, %dot_general3A_1786 {dimension_numbers = #tpu.dot_dimension_numbers<[1], [1], [0], [0], [0, 0, 1, 0], [], []>, transpose_lhs_hint = false} : vector<1x128xf32>, vector<200x128xf32>, vector<1x200xf32> -> vector<1x200xf32>
    %sqrt3A_1788 = math.sqrt %dot_general3A_1787 : vector<1x200xf32>
    %add3A_1789 = arith.constant 1.000000e-10 : f32
    %add3A_1790 = vector.broadcast %add3A_1789 : f32 to vector<1x200xf32>
    %add3A_1791 = arith.addf %sqrt3A_1788, %add3A_1790 : vector<1x200xf32>
    %div3A_1792 = arith.constant 1.000000e+00 : f32
    %div3A_1793 = vector.broadcast %div3A_1792 : f32 to vector<1x200xf32>
    %div3A_1794 = arith.divf %div3A_1793, %add3A_1791 : vector<1x200xf32>
    %mul3A_1795 = vector.broadcast %div3A_1794 : vector<1x200xf32> to vector<20x200xf32>
    %mul3A_1796 = arith.mulf %dot_general3A_1785, %mul3A_1795 : vector<20x200xf32>
    %reduce_max3A_1797 = arith.constant dense<0xFF800000> : vector<20xf32>
    %reduce_max3A_1798 = vector.multi_reduction <maximumf>, %mul3A_1796, %reduce_max3A_1797 [1] : vector<20x200xf32> to vector<20xf32>
    %reduce_sum3A_1799 = vector.shape_cast %reduce_max3A_1798 : vector<20xf32> to vector<1x20xf32>
    %reduce_sum3A_1800 = arith.constant dense<0.000000e+00> : vector<1xf32>
    %reduce_sum3A_1801 = vector.multi_reduction <add>, %reduce_sum3A_1799, %reduce_sum3A_1800 [1] : vector<1x20xf32> to vector<1xf32>
    %reduce_sum3A_1802 = vector.shape_cast %reduce_sum3A_1801 : vector<1xf32> to vector<1x1xf32>
    %reduce_sum3A_1803 = vector.extract %reduce_sum3A_1802[0, 0] : f32 from vector<1x1xf32>
    %mul3A_1804 = arith.mulf %reduce_sum3A_1803, %get3A_14 : f32
    %add3A_1805 = arith.addf %mul3A_1804, %get3A_17 : f32
    %broadcast_in_dim3A_1806 = vector.broadcast %add3A_1805 : f32 to vector<128xf32>
    %swap3A_1807 = arith.constant 57 : index
    %swap3A_1808 = arith.constant 0 : index
    %swap3A_1809 = vector.load %arg5[%swap3A_1807, %swap3A_1808] : memref<64x128xf32, #tpu.memory_space<vmem>>, vector<1x128xf32>
    %swap3A_1810 = vector.shape_cast %swap3A_1809 : vector<1x128xf32> to vector<128xf32>
    %swap3A_1811 = vector.shape_cast %broadcast_in_dim3A_1806 : vector<128xf32> to vector<1x128xf32>
    tpu.vector_store %arg5[%swap3A_1807, %swap3A_1808], %swap3A_1811 {strides = array<i32>} : memref<64x128xf32, #tpu.memory_space<vmem>>, vector<1x128xf32>,
    %slice3A_1812 = vector.extract_strided_slice %div3A_8 {offsets = [1160, 0], sizes = [20, 128], strides = [1, 1]} : vector<1280x128xf32> to vector<20x128xf32>
    %slice3A_1813 = vector.extract_strided_slice %get3A_1 {offsets = [11600, 0], sizes = [200, 128], strides = [1, 1]} : vector<12800x128xf32> to vector<200x128xf32>
    %slice3A_1814 = vector.extract_strided_slice %mul3A_9 {offsets = [11600, 0], sizes = [200, 128], strides = [1, 1]} : vector<12800x128xf32> to vector<200x128xf32>
    %dot_general3A_1815 = arith.constant dense<0.000000e+00> : vector<20x200xf32>
    %dot_general3A_1816 = tpu.matmul %slice3A_1812, %slice3A_1813, %dot_general3A_1815 {dimension_numbers = #tpu.dot_dimension_numbers<[1], [1], [0], [0], [0, 0, 1, 0], [], []>, transpose_lhs_hint = false} : vector<20x128xf32>, vector<200x128xf32>, vector<20x200xf32> -> vector<20x200xf32>
    %dot_general3A_1817 = arith.constant dense<0.000000e+00> : vector<1x200xf32>
    %dot_general3A_1818 = tpu.matmul %broadcast_in_dim3A_11, %slice3A_1814, %dot_general3A_1817 {dimension_numbers = #tpu.dot_dimension_numbers<[1], [1], [0], [0], [0, 0, 1, 0], [], []>, transpose_lhs_hint = false} : vector<1x128xf32>, vector<200x128xf32>, vector<1x200xf32> -> vector<1x200xf32>
    %sqrt3A_1819 = math.sqrt %dot_general3A_1818 : vector<1x200xf32>
    %add3A_1820 = arith.constant 1.000000e-10 : f32
    %add3A_1821 = vector.broadcast %add3A_1820 : f32 to vector<1x200xf32>
    %add3A_1822 = arith.addf %sqrt3A_1819, %add3A_1821 : vector<1x200xf32>
    %div3A_1823 = arith.constant 1.000000e+00 : f32
    %div3A_1824 = vector.broadcast %div3A_1823 : f32 to vector<1x200xf32>
    %div3A_1825 = arith.divf %div3A_1824, %add3A_1822 : vector<1x200xf32>
    %mul3A_1826 = vector.broadcast %div3A_1825 : vector<1x200xf32> to vector<20x200xf32>
    %mul3A_1827 = arith.mulf %dot_general3A_1816, %mul3A_1826 : vector<20x200xf32>
    %reduce_max3A_1828 = arith.constant dense<0xFF800000> : vector<20xf32>
    %reduce_max3A_1829 = vector.multi_reduction <maximumf>, %mul3A_1827, %reduce_max3A_1828 [1] : vector<20x200xf32> to vector<20xf32>
    %reduce_sum3A_1830 = vector.shape_cast %reduce_max3A_1829 : vector<20xf32> to vector<1x20xf32>
    %reduce_sum3A_1831 = arith.constant dense<0.000000e+00> : vector<1xf32>
    %reduce_sum3A_1832 = vector.multi_reduction <add>, %reduce_sum3A_1830, %reduce_sum3A_1831 [1] : vector<1x20xf32> to vector<1xf32>
    %reduce_sum3A_1833 = vector.shape_cast %reduce_sum3A_1832 : vector<1xf32> to vector<1x1xf32>
    %reduce_sum3A_1834 = vector.extract %reduce_sum3A_1833[0, 0] : f32 from vector<1x1xf32>
    %mul3A_1835 = arith.mulf %reduce_sum3A_1834, %get3A_14 : f32
    %add3A_1836 = arith.addf %mul3A_1835, %get3A_17 : f32
    %broadcast_in_dim3A_1837 = vector.broadcast %add3A_1836 : f32 to vector<128xf32>
    %swap3A_1838 = arith.constant 58 : index
    %swap3A_1839 = arith.constant 0 : index
    %swap3A_1840 = vector.load %arg5[%swap3A_1838, %swap3A_1839] : memref<64x128xf32, #tpu.memory_space<vmem>>, vector<1x128xf32>
    %swap3A_1841 = vector.shape_cast %swap3A_1840 : vector<1x128xf32> to vector<128xf32>
    %swap3A_1842 = vector.shape_cast %broadcast_in_dim3A_1837 : vector<128xf32> to vector<1x128xf32>
    tpu.vector_store %arg5[%swap3A_1838, %swap3A_1839], %swap3A_1842 {strides = array<i32>} : memref<64x128xf32, #tpu.memory_space<vmem>>, vector<1x128xf32>,
    %slice3A_1843 = vector.extract_strided_slice %div3A_8 {offsets = [1180, 0], sizes = [20, 128], strides = [1, 1]} : vector<1280x128xf32> to vector<20x128xf32>
    %slice3A_1844 = vector.extract_strided_slice %get3A_1 {offsets = [11800, 0], sizes = [200, 128], strides = [1, 1]} : vector<12800x128xf32> to vector<200x128xf32>
    %slice3A_1845 = vector.extract_strided_slice %mul3A_9 {offsets = [11800, 0], sizes = [200, 128], strides = [1, 1]} : vector<12800x128xf32> to vector<200x128xf32>
    %dot_general3A_1846 = arith.constant dense<0.000000e+00> : vector<20x200xf32>
    %dot_general3A_1847 = tpu.matmul %slice3A_1843, %slice3A_1844, %dot_general3A_1846 {dimension_numbers = #tpu.dot_dimension_numbers<[1], [1], [0], [0], [0, 0, 1, 0], [], []>, transpose_lhs_hint = false} : vector<20x128xf32>, vector<200x128xf32>, vector<20x200xf32> -> vector<20x200xf32>
    %dot_general3A_1848 = arith.constant dense<0.000000e+00> : vector<1x200xf32>
    %dot_general3A_1849 = tpu.matmul %broadcast_in_dim3A_11, %slice3A_1845, %dot_general3A_1848 {dimension_numbers = #tpu.dot_dimension_numbers<[1], [1], [0], [0], [0, 0, 1, 0], [], []>, transpose_lhs_hint = false} : vector<1x128xf32>, vector<200x128xf32>, vector<1x200xf32> -> vector<1x200xf32>
    %sqrt3A_1850 = math.sqrt %dot_general3A_1849 : vector<1x200xf32>
    %add3A_1851 = arith.constant 1.000000e-10 : f32
    %add3A_1852 = vector.broadcast %add3A_1851 : f32 to vector<1x200xf32>
    %add3A_1853 = arith.addf %sqrt3A_1850, %add3A_1852 : vector<1x200xf32>
    %div3A_1854 = arith.constant 1.000000e+00 : f32
    %div3A_1855 = vector.broadcast %div3A_1854 : f32 to vector<1x200xf32>
    %div3A_1856 = arith.divf %div3A_1855, %add3A_1853 : vector<1x200xf32>
    %mul3A_1857 = vector.broadcast %div3A_1856 : vector<1x200xf32> to vector<20x200xf32>
    %mul3A_1858 = arith.mulf %dot_general3A_1847, %mul3A_1857 : vector<20x200xf32>
    %reduce_max3A_1859 = arith.constant dense<0xFF800000> : vector<20xf32>
    %reduce_max3A_1860 = vector.multi_reduction <maximumf>, %mul3A_1858, %reduce_max3A_1859 [1] : vector<20x200xf32> to vector<20xf32>
    %reduce_sum3A_1861 = vector.shape_cast %reduce_max3A_1860 : vector<20xf32> to vector<1x20xf32>
    %reduce_sum3A_1862 = arith.constant dense<0.000000e+00> : vector<1xf32>
    %reduce_sum3A_1863 = vector.multi_reduction <add>, %reduce_sum3A_1861, %reduce_sum3A_1862 [1] : vector<1x20xf32> to vector<1xf32>
    %reduce_sum3A_1864 = vector.shape_cast %reduce_sum3A_1863 : vector<1xf32> to vector<1x1xf32>
    %reduce_sum3A_1865 = vector.extract %reduce_sum3A_1864[0, 0] : f32 from vector<1x1xf32>
    %mul3A_1866 = arith.mulf %reduce_sum3A_1865, %get3A_14 : f32
    %add3A_1867 = arith.addf %mul3A_1866, %get3A_17 : f32
    %broadcast_in_dim3A_1868 = vector.broadcast %add3A_1867 : f32 to vector<128xf32>
    %swap3A_1869 = arith.constant 59 : index
    %swap3A_1870 = arith.constant 0 : index
    %swap3A_1871 = vector.load %arg5[%swap3A_1869, %swap3A_1870] : memref<64x128xf32, #tpu.memory_space<vmem>>, vector<1x128xf32>
    %swap3A_1872 = vector.shape_cast %swap3A_1871 : vector<1x128xf32> to vector<128xf32>
    %swap3A_1873 = vector.shape_cast %broadcast_in_dim3A_1868 : vector<128xf32> to vector<1x128xf32>
    tpu.vector_store %arg5[%swap3A_1869, %swap3A_1870], %swap3A_1873 {strides = array<i32>} : memref<64x128xf32, #tpu.memory_space<vmem>>, vector<1x128xf32>,
    %slice3A_1874 = vector.extract_strided_slice %div3A_8 {offsets = [1200, 0], sizes = [20, 128], strides = [1, 1]} : vector<1280x128xf32> to vector<20x128xf32>
    %slice3A_1875 = vector.extract_strided_slice %get3A_1 {offsets = [12000, 0], sizes = [200, 128], strides = [1, 1]} : vector<12800x128xf32> to vector<200x128xf32>
    %slice3A_1876 = vector.extract_strided_slice %mul3A_9 {offsets = [12000, 0], sizes = [200, 128], strides = [1, 1]} : vector<12800x128xf32> to vector<200x128xf32>
    %dot_general3A_1877 = arith.constant dense<0.000000e+00> : vector<20x200xf32>
    %dot_general3A_1878 = tpu.matmul %slice3A_1874, %slice3A_1875, %dot_general3A_1877 {dimension_numbers = #tpu.dot_dimension_numbers<[1], [1], [0], [0], [0, 0, 1, 0], [], []>, transpose_lhs_hint = false} : vector<20x128xf32>, vector<200x128xf32>, vector<20x200xf32> -> vector<20x200xf32>
    %dot_general3A_1879 = arith.constant dense<0.000000e+00> : vector<1x200xf32>
    %dot_general3A_1880 = tpu.matmul %broadcast_in_dim3A_11, %slice3A_1876, %dot_general3A_1879 {dimension_numbers = #tpu.dot_dimension_numbers<[1], [1], [0], [0], [0, 0, 1, 0], [], []>, transpose_lhs_hint = false} : vector<1x128xf32>, vector<200x128xf32>, vector<1x200xf32> -> vector<1x200xf32>
    %sqrt3A_1881 = math.sqrt %dot_general3A_1880 : vector<1x200xf32>
    %add3A_1882 = arith.constant 1.000000e-10 : f32
    %add3A_1883 = vector.broadcast %add3A_1882 : f32 to vector<1x200xf32>
    %add3A_1884 = arith.addf %sqrt3A_1881, %add3A_1883 : vector<1x200xf32>
    %div3A_1885 = arith.constant 1.000000e+00 : f32
    %div3A_1886 = vector.broadcast %div3A_1885 : f32 to vector<1x200xf32>
    %div3A_1887 = arith.divf %div3A_1886, %add3A_1884 : vector<1x200xf32>
    %mul3A_1888 = vector.broadcast %div3A_1887 : vector<1x200xf32> to vector<20x200xf32>
    %mul3A_1889 = arith.mulf %dot_general3A_1878, %mul3A_1888 : vector<20x200xf32>
    %reduce_max3A_1890 = arith.constant dense<0xFF800000> : vector<20xf32>
    %reduce_max3A_1891 = vector.multi_reduction <maximumf>, %mul3A_1889, %reduce_max3A_1890 [1] : vector<20x200xf32> to vector<20xf32>
    %reduce_sum3A_1892 = vector.shape_cast %reduce_max3A_1891 : vector<20xf32> to vector<1x20xf32>
    %reduce_sum3A_1893 = arith.constant dense<0.000000e+00> : vector<1xf32>
    %reduce_sum3A_1894 = vector.multi_reduction <add>, %reduce_sum3A_1892, %reduce_sum3A_1893 [1] : vector<1x20xf32> to vector<1xf32>
    %reduce_sum3A_1895 = vector.shape_cast %reduce_sum3A_1894 : vector<1xf32> to vector<1x1xf32>
    %reduce_sum3A_1896 = vector.extract %reduce_sum3A_1895[0, 0] : f32 from vector<1x1xf32>
    %mul3A_1897 = arith.mulf %reduce_sum3A_1896, %get3A_14 : f32
    %add3A_1898 = arith.addf %mul3A_1897, %get3A_17 : f32
    %broadcast_in_dim3A_1899 = vector.broadcast %add3A_1898 : f32 to vector<128xf32>
    %swap3A_1900 = arith.constant 60 : index
    %swap3A_1901 = arith.constant 0 : index
    %swap3A_1902 = vector.load %arg5[%swap3A_1900, %swap3A_1901] : memref<64x128xf32, #tpu.memory_space<vmem>>, vector<1x128xf32>
    %swap3A_1903 = vector.shape_cast %swap3A_1902 : vector<1x128xf32> to vector<128xf32>
    %swap3A_1904 = vector.shape_cast %broadcast_in_dim3A_1899 : vector<128xf32> to vector<1x128xf32>
    tpu.vector_store %arg5[%swap3A_1900, %swap3A_1901], %swap3A_1904 {strides = array<i32>} : memref<64x128xf32, #tpu.memory_space<vmem>>, vector<1x128xf32>,
    %slice3A_1905 = vector.extract_strided_slice %div3A_8 {offsets = [1220, 0], sizes = [20, 128], strides = [1, 1]} : vector<1280x128xf32> to vector<20x128xf32>
    %slice3A_1906 = vector.extract_strided_slice %get3A_1 {offsets = [12200, 0], sizes = [200, 128], strides = [1, 1]} : vector<12800x128xf32> to vector<200x128xf32>
    %slice3A_1907 = vector.extract_strided_slice %mul3A_9 {offsets = [12200, 0], sizes = [200, 128], strides = [1, 1]} : vector<12800x128xf32> to vector<200x128xf32>
    %dot_general3A_1908 = arith.constant dense<0.000000e+00> : vector<20x200xf32>
    %dot_general3A_1909 = tpu.matmul %slice3A_1905, %slice3A_1906, %dot_general3A_1908 {dimension_numbers = #tpu.dot_dimension_numbers<[1], [1], [0], [0], [0, 0, 1, 0], [], []>, transpose_lhs_hint = false} : vector<20x128xf32>, vector<200x128xf32>, vector<20x200xf32> -> vector<20x200xf32>
    %dot_general3A_1910 = arith.constant dense<0.000000e+00> : vector<1x200xf32>
    %dot_general3A_1911 = tpu.matmul %broadcast_in_dim3A_11, %slice3A_1907, %dot_general3A_1910 {dimension_numbers = #tpu.dot_dimension_numbers<[1], [1], [0], [0], [0, 0, 1, 0], [], []>, transpose_lhs_hint = false} : vector<1x128xf32>, vector<200x128xf32>, vector<1x200xf32> -> vector<1x200xf32>
    %sqrt3A_1912 = math.sqrt %dot_general3A_1911 : vector<1x200xf32>
    %add3A_1913 = arith.constant 1.000000e-10 : f32
    %add3A_1914 = vector.broadcast %add3A_1913 : f32 to vector<1x200xf32>
    %add3A_1915 = arith.addf %sqrt3A_1912, %add3A_1914 : vector<1x200xf32>
    %div3A_1916 = arith.constant 1.000000e+00 : f32
    %div3A_1917 = vector.broadcast %div3A_1916 : f32 to vector<1x200xf32>
    %div3A_1918 = arith.divf %div3A_1917, %add3A_1915 : vector<1x200xf32>
    %mul3A_1919 = vector.broadcast %div3A_1918 : vector<1x200xf32> to vector<20x200xf32>
    %mul3A_1920 = arith.mulf %dot_general3A_1909, %mul3A_1919 : vector<20x200xf32>
    %reduce_max3A_1921 = arith.constant dense<0xFF800000> : vector<20xf32>
    %reduce_max3A_1922 = vector.multi_reduction <maximumf>, %mul3A_1920, %reduce_max3A_1921 [1] : vector<20x200xf32> to vector<20xf32>
    %reduce_sum3A_1923 = vector.shape_cast %reduce_max3A_1922 : vector<20xf32> to vector<1x20xf32>
    %reduce_sum3A_1924 = arith.constant dense<0.000000e+00> : vector<1xf32>
    %reduce_sum3A_1925 = vector.multi_reduction <add>, %reduce_sum3A_1923, %reduce_sum3A_1924 [1] : vector<1x20xf32> to vector<1xf32>
    %reduce_sum3A_1926 = vector.shape_cast %reduce_sum3A_1925 : vector<1xf32> to vector<1x1xf32>
    %reduce_sum3A_1927 = vector.extract %reduce_sum3A_1926[0, 0] : f32 from vector<1x1xf32>
    %mul3A_1928 = arith.mulf %reduce_sum3A_1927, %get3A_14 : f32
    %add3A_1929 = arith.addf %mul3A_1928, %get3A_17 : f32
    %broadcast_in_dim3A_1930 = vector.broadcast %add3A_1929 : f32 to vector<128xf32>
    %swap3A_1931 = arith.constant 61 : index
    %swap3A_1932 = arith.constant 0 : index
    %swap3A_1933 = vector.load %arg5[%swap3A_1931, %swap3A_1932] : memref<64x128xf32, #tpu.memory_space<vmem>>, vector<1x128xf32>
    %swap3A_1934 = vector.shape_cast %swap3A_1933 : vector<1x128xf32> to vector<128xf32>
    %swap3A_1935 = vector.shape_cast %broadcast_in_dim3A_1930 : vector<128xf32> to vector<1x128xf32>
    tpu.vector_store %arg5[%swap3A_1931, %swap3A_1932], %swap3A_1935 {strides = array<i32>} : memref<64x128xf32, #tpu.memory_space<vmem>>, vector<1x128xf32>,
    %slice3A_1936 = vector.extract_strided_slice %div3A_8 {offsets = [1240, 0], sizes = [20, 128], strides = [1, 1]} : vector<1280x128xf32> to vector<20x128xf32>
    %slice3A_1937 = vector.extract_strided_slice %get3A_1 {offsets = [12400, 0], sizes = [200, 128], strides = [1, 1]} : vector<12800x128xf32> to vector<200x128xf32>
    %slice3A_1938 = vector.extract_strided_slice %mul3A_9 {offsets = [12400, 0], sizes = [200, 128], strides = [1, 1]} : vector<12800x128xf32> to vector<200x128xf32>
    %dot_general3A_1939 = arith.constant dense<0.000000e+00> : vector<20x200xf32>
    %dot_general3A_1940 = tpu.matmul %slice3A_1936, %slice3A_1937, %dot_general3A_1939 {dimension_numbers = #tpu.dot_dimension_numbers<[1], [1], [0], [0], [0, 0, 1, 0], [], []>, transpose_lhs_hint = false} : vector<20x128xf32>, vector<200x128xf32>, vector<20x200xf32> -> vector<20x200xf32>
    %dot_general3A_1941 = arith.constant dense<0.000000e+00> : vector<1x200xf32>
    %dot_general3A_1942 = tpu.matmul %broadcast_in_dim3A_11, %slice3A_1938, %dot_general3A_1941 {dimension_numbers = #tpu.dot_dimension_numbers<[1], [1], [0], [0], [0, 0, 1, 0], [], []>, transpose_lhs_hint = false} : vector<1x128xf32>, vector<200x128xf32>, vector<1x200xf32> -> vector<1x200xf32>
    %sqrt3A_1943 = math.sqrt %dot_general3A_1942 : vector<1x200xf32>
    %add3A_1944 = arith.constant 1.000000e-10 : f32
    %add3A_1945 = vector.broadcast %add3A_1944 : f32 to vector<1x200xf32>
    %add3A_1946 = arith.addf %sqrt3A_1943, %add3A_1945 : vector<1x200xf32>
    %div3A_1947 = arith.constant 1.000000e+00 : f32
    %div3A_1948 = vector.broadcast %div3A_1947 : f32 to vector<1x200xf32>
    %div3A_1949 = arith.divf %div3A_1948, %add3A_1946 : vector<1x200xf32>
    %mul3A_1950 = vector.broadcast %div3A_1949 : vector<1x200xf32> to vector<20x200xf32>
    %mul3A_1951 = arith.mulf %dot_general3A_1940, %mul3A_1950 : vector<20x200xf32>
    %reduce_max3A_1952 = arith.constant dense<0xFF800000> : vector<20xf32>
    %reduce_max3A_1953 = vector.multi_reduction <maximumf>, %mul3A_1951, %reduce_max3A_1952 [1] : vector<20x200xf32> to vector<20xf32>
    %reduce_sum3A_1954 = vector.shape_cast %reduce_max3A_1953 : vector<20xf32> to vector<1x20xf32>
    %reduce_sum3A_1955 = arith.constant dense<0.000000e+00> : vector<1xf32>
    %reduce_sum3A_1956 = vector.multi_reduction <add>, %reduce_sum3A_1954, %reduce_sum3A_1955 [1] : vector<1x20xf32> to vector<1xf32>
    %reduce_sum3A_1957 = vector.shape_cast %reduce_sum3A_1956 : vector<1xf32> to vector<1x1xf32>
    %reduce_sum3A_1958 = vector.extract %reduce_sum3A_1957[0, 0] : f32 from vector<1x1xf32>
    %mul3A_1959 = arith.mulf %reduce_sum3A_1958, %get3A_14 : f32
    %add3A_1960 = arith.addf %mul3A_1959, %get3A_17 : f32
    %broadcast_in_dim3A_1961 = vector.broadcast %add3A_1960 : f32 to vector<128xf32>
    %swap3A_1962 = arith.constant 62 : index
    %swap3A_1963 = arith.constant 0 : index
    %swap3A_1964 = vector.load %arg5[%swap3A_1962, %swap3A_1963] : memref<64x128xf32, #tpu.memory_space<vmem>>, vector<1x128xf32>
    %swap3A_1965 = vector.shape_cast %swap3A_1964 : vector<1x128xf32> to vector<128xf32>
    %swap3A_1966 = vector.shape_cast %broadcast_in_dim3A_1961 : vector<128xf32> to vector<1x128xf32>
    tpu.vector_store %arg5[%swap3A_1962, %swap3A_1963], %swap3A_1966 {strides = array<i32>} : memref<64x128xf32, #tpu.memory_space<vmem>>, vector<1x128xf32>,
    %slice3A_1967 = vector.extract_strided_slice %div3A_8 {offsets = [1260, 0], sizes = [20, 128], strides = [1, 1]} : vector<1280x128xf32> to vector<20x128xf32>
    %slice3A_1968 = vector.extract_strided_slice %get3A_1 {offsets = [12600, 0], sizes = [200, 128], strides = [1, 1]} : vector<12800x128xf32> to vector<200x128xf32>
    %slice3A_1969 = vector.extract_strided_slice %mul3A_9 {offsets = [12600, 0], sizes = [200, 128], strides = [1, 1]} : vector<12800x128xf32> to vector<200x128xf32>
    %dot_general3A_1970 = arith.constant dense<0.000000e+00> : vector<20x200xf32>
    %dot_general3A_1971 = tpu.matmul %slice3A_1967, %slice3A_1968, %dot_general3A_1970 {dimension_numbers = #tpu.dot_dimension_numbers<[1], [1], [0], [0], [0, 0, 1, 0], [], []>, transpose_lhs_hint = false} : vector<20x128xf32>, vector<200x128xf32>, vector<20x200xf32> -> vector<20x200xf32>
    %dot_general3A_1972 = arith.constant dense<0.000000e+00> : vector<1x200xf32>
    %dot_general3A_1973 = tpu.matmul %broadcast_in_dim3A_11, %slice3A_1969, %dot_general3A_1972 {dimension_numbers = #tpu.dot_dimension_numbers<[1], [1], [0], [0], [0, 0, 1, 0], [], []>, transpose_lhs_hint = false} : vector<1x128xf32>, vector<200x128xf32>, vector<1x200xf32> -> vector<1x200xf32>
    %sqrt3A_1974 = math.sqrt %dot_general3A_1973 : vector<1x200xf32>
    %add3A_1975 = arith.constant 1.000000e-10 : f32
    %add3A_1976 = vector.broadcast %add3A_1975 : f32 to vector<1x200xf32>
    %add3A_1977 = arith.addf %sqrt3A_1974, %add3A_1976 : vector<1x200xf32>
    %div3A_1978 = arith.constant 1.000000e+00 : f32
    %div3A_1979 = vector.broadcast %div3A_1978 : f32 to vector<1x200xf32>
    %div3A_1980 = arith.divf %div3A_1979, %add3A_1977 : vector<1x200xf32>
    %mul3A_1981 = vector.broadcast %div3A_1980 : vector<1x200xf32> to vector<20x200xf32>
    %mul3A_1982 = arith.mulf %dot_general3A_1971, %mul3A_1981 : vector<20x200xf32>
    %reduce_max3A_1983 = arith.constant dense<0xFF800000> : vector<20xf32>
    %reduce_max3A_1984 = vector.multi_reduction <maximumf>, %mul3A_1982, %reduce_max3A_1983 [1] : vector<20x200xf32> to vector<20xf32>
    %reduce_sum3A_1985 = vector.shape_cast %reduce_max3A_1984 : vector<20xf32> to vector<1x20xf32>
    %reduce_sum3A_1986 = arith.constant dense<0.000000e+00> : vector<1xf32>
    %reduce_sum3A_1987 = vector.multi_reduction <add>, %reduce_sum3A_1985, %reduce_sum3A_1986 [1] : vector<1x20xf32> to vector<1xf32>
    %reduce_sum3A_1988 = vector.shape_cast %reduce_sum3A_1987 : vector<1xf32> to vector<1x1xf32>
    %reduce_sum3A_1989 = vector.extract %reduce_sum3A_1988[0, 0] : f32 from vector<1x1xf32>
    %mul3A_1990 = arith.mulf %reduce_sum3A_1989, %get3A_14 : f32
    %add3A_1991 = arith.addf %mul3A_1990, %get3A_17 : f32
    %broadcast_in_dim3A_1992 = vector.broadcast %add3A_1991 : f32 to vector<128xf32>
    %swap3A_1993 = arith.constant 63 : index
    %swap3A_1994 = arith.constant 0 : index
    %swap3A_1995 = vector.load %arg5[%swap3A_1993, %swap3A_1994] : memref<64x128xf32, #tpu.memory_space<vmem>>, vector<1x128xf32>
    %swap3A_1996 = vector.shape_cast %swap3A_1995 : vector<1x128xf32> to vector<128xf32>
    %swap3A_1997 = vector.shape_cast %broadcast_in_dim3A_1992 : vector<128xf32> to vector<1x128xf32>
    tpu.vector_store %arg5[%swap3A_1993, %swap3A_1994], %swap3A_1997 {strides = array<i32>} : memref<64x128xf32, #tpu.memory_space<vmem>>, vector<1x128xf32>,
    return
  }
  func.func @transform_0(%arg0: i32) -> (i32, i32) {
    %c0_i32 = arith.constant 0 : i32
    %c0_i32_0 = arith.constant 0 : i32
    return %arg0, %c0_i32 : i32, i32
  }
  func.func @transform_1(%arg0: i32) -> (i32, i32) {
    %add3A = arith.constant 160 : i32
    %add3A_0 = arith.addi %arg0, %add3A : i32
    %c0_i32 = arith.constant 0 : i32
    %c0_i32_1 = arith.constant 0 : i32
    return %add3A_0, %c0_i32 : i32, i32
  }
  func.func @transform_2(%arg0: i32) -> (i32, i32) {
    %c0_i32 = arith.constant 0 : i32
    %c0_i32_0 = arith.constant 0 : i32
    %c0_i32_1 = arith.constant 0 : i32
    return %c0_i32, %c0_i32_0 : i32, i32
  }
  func.func @transform_3(%arg0: i32) -> (i32, i32) {
    %c0_i32 = arith.constant 0 : i32
    %c0_i32_0 = arith.constant 0 : i32
    %c0_i32_1 = arith.constant 0 : i32
    return %c0_i32, %c0_i32_0 : i32, i32
  }
  func.func @transform_4(%arg0: i32) -> (i32, i32) {
    %c0_i32 = arith.constant 0 : i32
    %c0_i32_0 = arith.constant 0 : i32
    return %arg0, %c0_i32 : i32, i32
  }
}

</mosaic_0001>

<sc_bundles>
// kernel: kernel.4.cloned.1.call-start
scs
__scs_entry_jumppad:
0x0: {  	(pc) =	sbr.rel $0x88, $3  }
0x1: {  	(tag) =	ssettag $0x0;
	lr =	simm.s32 $0x1  }
0x2: {  	[smem:$0x3F9C] =	sst lr;
	_ =	strace $0xD0000000  }
0x3: {  	_ = 	snop  }
0x4: {  	_ = 	snop  }
0x5: {  	_ = 	snop  }
0x6: {  	_ = 	snop  }
0x7: {  	_ = 	snop  }
__scs_overlays_trampoline_lowered:
0x8: {  	[smem:$0x3FAB] =	sst s0  }
0x9: {  	[smem:$0x3FAC] =	sst s1  }
0xa: {  	[smem:$0x3FAD] =	sst s2  }
0xb: {  	[smem:$0x3FAE] =	sst s3  }
0xc: {  	[smem:$0x3FAF] =	sst s4  }
0xd: {  	[smem:$0x3FB0] =	sst s5  }
0xe: {  	[smem:$0x3FB1] =	sst s6  }
0xf: {  	[smem:$0x3FB2] =	sst s7  }
0x10: {  	[smem:$0x3FB3] =	sst s8  }
0x11: {  	[smem:$0x3FB4] =	sst s9;
	s0 =	simm.s32 @!p0 $0x0  }
0x12: {  	s1 =	sld [smem:$0x3F9A];
	s0 =	simm.s32 @p0 $0x1  }
0x13: {  	[smem:$0x3FB5] =	sst s0;
	s0 =	simm.s32 @!p1 $0x0  }
0x14: {  	s2 =	sld [smem:$0x3F99];
	s0 =	simm.s32 @p1 $0x1  }
0x15: {  	[smem:$0x3FB6] =	sst s0;
	s0 =	simm.s32 @!p2 $0x0  }
0x16: {  	s3 =	sld [smem:$0x3FDB];
	s0 =	simm.s32 @p2 $0x1  }
0x17: {  	s4 =	simm.s32 $0x1BF5;
	[smem:$0x3FB8] =	sst s0  }
0x18: {  	s0 =	sld [smem:$0x3F9B];
	_ =	swait.ge [sflag:s4], $0x0  }
0x19: {  	s7 =	sld [smem:$0x3F9C]  }
0x1a: {  	s8 =	sadd.s32 $0xFFFFE003, lr  }
0x1b: {  	s9 =	sadd.s32 $0xFFFFFEF7, lr;
	s5 =	simm.s32 $0xFFFFFFFF;
	p2 =	slt.u32 s8, $0xFFFFF086  }
0x1c: {  	p1 =	slt.u32 s9, $0xF7A;
	s5 =	simm.s32 @!p2 $0x0  }
0x1d: {  	s5 =	simm.s32 @p1 $0x1;
	p0 =	seq.s32 s7, s2  }
0x1e: {  	s7 =	smul.u32 @!p0 $0xF7A, s2;
	p2 =	seq.s32 @!p0 s5, $0x0  }
0x1f: {  	s9 =	smul.u32 $0xF7A, s1;
	s8 =	simm.s32 @!p0 $0x1BF5;
	p2 =	por !p2, p0  }
0x20: {  	[sflag:s8] =	ssyncset.s32 @!p0 $0xFFFFF086;
	s6 =	sadd.s32 @!p0 s3, s7;
	s7 =	simm.s32 @!p0 $0x108  }
0x21: {  	s3 =	sadd.s32 s3, s9;
	s6 =	sadd.s32 @!p0 $0x88, s6;
	s7 =	simm.s32 @p2 $0x1082  }
0x22: {  	[simem:s7], [sflag:s8] =	dma.local @!p0 [hbm:s6], $0xF7A  }
0x23: {  	s9 =	sor.u32 $0xD0000000, s2;
	s6 =	simm.s32 $0x108;
	_ =	swait.ge @!p0 [sflag:s8], $0x0  }
0x24: {  	s3 =	sadd.s32 $0x88, s3;
	s6 =	simm.s32 @!p1 $0x1082;
	[sflag:s4] =	ssyncset.s32 $0xFFFFF086  }
0x25: {  	[simem:s6], [sflag:s4] =	dma.local [hbm:s3], $0xF7A  }
0x26: {  	[smem:$0x3F9C] =	sst s1;
	(tag) =	ssettag s2;
	_ =	strace s9  }
0x27: {  	s1 =	sld [smem:$0x3FAC]  }
0x28: {  	s2 =	sld [smem:$0x3FAD]  }
0x29: {  	s4 =	sld [smem:$0x3FAF]  }
0x2a: {  	p0 =	seq.s32 s5, $0x0;
	s5 =	sld [smem:$0x3FB0]  }
0x2b: {  	s6 =	sld [smem:$0x3FB1]  }
0x2c: {  	s7 =	sld [smem:$0x3FB2]  }
0x2d: {  	s3 =	simm.s32 $0x108;
	s8 =	sld [smem:$0x3FB3]  }
0x2e: {  	s3 =	simm.s32 @!p0 $0x1082;
	s9 =	sld [smem:$0x3FB4]  }
0x2f: {  	lr =	sadd.s32 s0, s3;
	s0 =	sld [smem:$0x3FAB]  }
0x30: {  	s3 =	sld [smem:$0x3FAE]  }
0x31: {  	[smem:$0x3FB7] =	sst s10  }
0x32: {  	s10 =	sld [smem:$0x3FB5];
	_ =	sdelay $0x3  }
0x33: {  	p0 =	seq.s32 s10, $0x1;
	s10 =	sld [smem:$0x3FB7];
	_ =	sdelay $0x3  }
0x34: {  	[smem:$0x3FB7] =	sst s10  }
0x35: {  	s10 =	sld [smem:$0x3FB6];
	_ =	sdelay $0x3  }
0x36: {  	p1 =	seq.s32 s10, $0x1;
	s10 =	sld [smem:$0x3FB7];
	_ =	sdelay $0x3  }
0x37: {  	[smem:$0x3FB7] =	sst s10  }
0x38: {  	s10 =	sld [smem:$0x3FB8]  }
0x39: {  	_ = 	snop;
	(pc) =	sbr.ind lr, $3  }
0x3a: {  	_ = 	snop  }
0x3b: {  	_ = 	snop  }
0x3c: {  	p2 =	seq.s32 s10, $0x1;
	s10 =	sld [smem:$0x3FB7]  }
0x3d: {  	_ =	shalt  }
0x3e: {  	_ =	shalt  }
0x3f: {  	_ =	shalt  }
0x40: {  	_ =	shalt  }
0x41: {  	_ =	shalt  }
0x42: {  	_ =	shalt  }
0x43: {  	_ =	shalt  }
0x44: {  	_ =	shalt  }
0x45: {  	_ =	shalt  }
0x46: {  	_ =	shalt  }
0x47: {  	_ =	shalt  }
0x48: {  	_ =	shalt  }
0x49: {  	_ =	shalt  }
0x4a: {  	_ =	shalt  }
0x4b: {  	_ =	shalt  }
0x4c: {  	_ =	shalt  }
0x4d: {  	_ =	shalt  }
0x4e: {  	_ =	shalt  }
0x4f: {  	_ =	shalt  }
0x50: {  	_ =	shalt  }
0x51: {  	_ =	shalt  }
0x52: {  	_ =	shalt  }
0x53: {  	_ =	shalt  }
0x54: {  	_ =	shalt  }
0x55: {  	_ =	shalt  }
0x56: {  	_ =	shalt  }
0x57: {  	_ =	shalt  }
0x58: {  	_ =	shalt  }
0x59: {  	_ =	shalt  }
0x5a: {  	_ =	shalt  }
0x5b: {  	_ =	shalt  }
0x5c: {  	_ =	shalt  }
0x5d: {  	_ =	shalt  }
0x5e: {  	_ =	shalt  }
0x5f: {  	_ =	shalt  }
0x60: {  	_ =	shalt  }
0x61: {  	_ =	shalt  }
0x62: {  	_ =	shalt  }
0x63: {  	_ =	shalt  }
0x64: {  	_ =	shalt  }
0x65: {  	_ =	shalt  }
0x66: {  	_ =	shalt  }
0x67: {  	_ =	shalt  }
0x68: {  	_ =	shalt  }
0x69: {  	_ =	shalt  }
0x6a: {  	_ =	shalt  }
0x6b: {  	_ =	shalt  }
0x6c: {  	_ =	shalt  }
0x6d: {  	_ =	shalt  }
0x6e: {  	_ =	shalt  }
0x6f: {  	_ =	shalt  }
0x70: {  	_ =	shalt  }
0x71: {  	_ =	shalt  }
0x72: {  	_ =	shalt  }
0x73: {  	_ =	shalt  }
0x74: {  	_ =	shalt  }
0x75: {  	_ =	shalt  }
0x76: {  	_ =	shalt  }
0x77: {  	_ =	shalt  }
0x78: {  	_ =	shalt  }
0x79: {  	_ =	shalt  }
0x7a: {  	_ =	shalt  }
0x7b: {  	_ =	shalt  }
0x7c: {  	_ =	shalt  }
0x7d: {  	_ =	shalt  }
0x7e: {  	_ =	shalt  }
0x7f: {  	_ =	shalt  }
0x80: {  	_ =	shalt  }
0x81: {  	_ =	shalt  }
0x82: {  	_ =	shalt  }
0x83: {  	_ =	shalt  }
0x84: {  	_ =	shalt  }
0x85: {  	_ =	shalt  }
0x86: {  	_ =	shalt  }
0x87: {  	_ =	shalt  }
.Lfunc_end0:
.L_simem_size_0:
called_computation_lowered:
.L_overlay_start_0:
0x88: {  	s2 =	sld [smem:$0x3FD9]  }
0x89: {  	s3 =	sld [smem:$0x3FFE];
	_ =	sdelay $0x1  }
0x8a: {  	s1 =	srdreg.scid  }
0x8b: {  	s0 =	sand.u32 $0x1, s1  }
0x8c: {  	s17 =	sshll.u32 s0, $0xA;
	s2 =	sadd.s32 s3, s2  }
0x8d: {  	s2 =	sadd.s32 s2, s17  }
0x8e: {  	[smem:$0x3FC3] =	sst s2  }
0x8f: {  	_ = 	snop  }
0x90: {  	s2 =	sld [smem:$0x3FC7];
	(tm) =	ssettm $0x1  }
0x91: {  	s18 =	sld [smem:$0x3FFB];
	_ =	sdelay $0x3  }
0x92: {  	_ =	strace s18  }
0x93: {  	s3 =	sld [smem:$0x3FFC];
	_ =	sdelay $0x3  }
0x94: {  	_ =	strace s3  }
0x95: {  	s3 =	sld [smem:$0x3FFD];
	_ =	sdelay $0x3  }
0x96: {  	_ =	strace s3  }
0x97: {  	_ =	strace $0x8FFFFFFF  }
0x98: {  	s19 =	sld [smem:$0x3FDB];
	_ =	sdelay $0x1  }
0x99: {  	s4 =	simm.s32 $_scs_section_size  }
0x9a: {  	s5 =	simm.s32 $_size__tile_overlayer_lowered;
	s6 =	simm.s32 $_tile_overlayer_lowered  }
0x9b: {  	s22 =	simm.s32 $0x1BFF;
	s21 =	sshll.u32 s6, $0x1;
	s3 =	sadd.s32 s4, s19  }
0x9c: {  	s7 =	simm.s32 $0x0;
	s20 =	sshll.u32 s5, $0x1;
	s5 =	sadd.s32 s21, s3  }
0x9d: {  	[timem:s7], [sflag:s22] =	dma.local [hbm:s5], s20  }
0x9e: {  	_ =	swait.ge [sflag:s22], s20  }
0x9f: {  	s4 =	ssub.s32 $0x0, s20;
	[sflag:s22] =	ssyncset.done $0x0  }
0xa0: {  	[sflag:s22] =	ssyncadd.s32 s4;
	_ =	sdelay $0x1  }
0xa1: {  	s23 =	simm.s32 $0x1B8B  }
0xa2: {  	_ =	swait.ge [sflag:s23], $0x1  }
0xa3: {  	[sflag:s23] =	ssyncset.done $0x0  }
0xa4: {  	s25 =	simm.s32 $0x1B8E;
	s24 =	sld [smem:$0x3FFE];
	[sflag:s23] =	ssyncadd.s32 $0xFFFFFFFF  }
0xa5: {  	s26 =	simm.s32 $execute0_lowered;
	[smem:$0x3FD2] =	sst s25  }
0xa6: {  	s5 =	sshll.u32 s26, $0x1;
	_ =	strace $0x80000046;
	[dreg:$0x1] =	wrdreg $0xFFFFFFFF  }
0xa7: {  	s28 =	simm.s32 $_size_execute0_lowered;
	s3 =	sadd.s32 s3, s5;
	[dreg:$0x0] =	wrdreg $0x0  }
0xa8: {  	s5 =	sshll.u32 s28, $0x1;
	[dreg:$0x2] =	wrdreg s3  }
0xa9: {  	[dreg:$0x3] =	wrdreg s5  }
0xaa: {  	[dreg:$0x4] =	wrdreg $0xC0  }
0xab: {  	_ =	task [dreg:s7], $0x5FFFF  }
0xac: {  	[dreg:$0x1] =	wrdreg $0xFFFFFFFF  }
0xad: {  	[dreg:$0x0] =	wrdreg $0x60  }
0xae: {  	[dreg:$0x2] =	wrdreg s2  }
0xaf: {  	[dreg:$0x3] =	wrdreg s24  }
0xb0: {  	[dreg:$0x4] =	wrdreg $0x9  }
0xb1: {  	_ =	task.clear_ibuf [dreg:s7], $0x5FFFF;
	_ =	strace $0x90000046  }
0xb2: {  	s29 =	simm.s32 $0x9;
	_ =	strace $0x80000048  }
0xb3: {  	_ =	swait.ge [sflag:s29], $0x1  }
0xb4: {  	[sflag:s29] =	ssyncadd.s32 $0xFFFFFFFF  }
0xb5: {  	_ =	strace $0x90000048  }
0xb6: {  	_ =	sfence  }
0xb7: {  	s30 =	sld [smem:$0x0];
	_ =	sdelay $0x2  }
0xb8: {  	s31 =	sshll.u32 s1, $0xD;
	s1 =	sshrl.u32 s1, $0x2  }
0xb9: {  	s3 =	sand.u32 $0x4000, s31;
	s1 =	sadd.s32 s1, s30  }
0xba: {  	s0 =	sor.u32 s3, s0;
	s1 =	sshll.u32 s1, $0x11  }
0xbb: {  	s0 =	sor.u32 s1, s0  }
0xbc: {  	s0 =	sadd.s32 $0x8F2B, s0  }
0xbd: {  	[sflag:s0] =	ssyncadd.remote.s32 $0x1  }
0xbe: {  	_ =	sfence.sel $0xFFFF  }
0xbf: {  	[dreg:$0x0] =	wrdreg $0xFFFFFFFF;
	(pc) =	sbr.abs _section_cstart, $3  }
0xc0: {  	[dreg:$0x1] =	wrdreg $0xFFFFFFFF  }
0xc1: {  	_ =	task.clear_ibuf [dreg:s7], $0x2FFFF;
	_ =	strace $0x9FFFFFFF  }
0xc2: {  	(tm) =	ssettm $0x7FFFFFFF  }
0xc3: {  	_ =	shalt  }
tec
execute0_lowered:
.L_overlay_start_1:
0x0: {  	(tag) =	ssettag $0x1  }
0x1: {  	s1 =	rddreg [dreg:$0x0]  }
0x2: {  	s4 =	rddreg [dreg:$0x1]  }
0x3: {  	s0 =	rddreg [dreg:$0x2];
	s3 =	simm.s32 $0x0  }
0x4: {  	s2 =	stileid.u32;
	s5 =	srdreg.scid;
	s10 =	simm.s32 $0x5C00  }
0x5: {  	s11 =	simm.s32 $0x9C00;
	s12 =	simm.s32 $0xDC00;
	s13 =	simm.s32 $0x11C00  }
0x6: {  	s14 =	simm.s32 $0x1;
	s15 =	simm.s32 $0x0;
	[smem:$0x7FF] =	sst s3  }
0x7: {  	s6 =	smul.u32 $0x37000, s2;
	s5 =	sand.u32 $0x1, s5;
	s7 =	sshll.u32 s2, $0x1  }
0x8: {  	s8 =	ssub.s32 $0x2, s5;
	s7 =	sor.u32 s5, s7;
	s5 =	smul.u32 $0x1B800, s5  }
0x9: {  	s6 =	sadd.s32 s6, s4;
	s9 =	sshrl.u32 s8, $0x1;
	s7 =	smul.u32 $0x380, s7  }
0xa: {  	_ =	strace $0x80000047;
	s8 =	ssub.s32 s8, s9;
	s6 =	sadd.s32 s5, s6  }
0xb: {  	s9 =	simm.s32 $0x1C00;
	s4 =	sadd.s32 s4, s7;
	s5 =	smax.u32 s8, $0x1  }
0xc: {  	s6 =	sadd.s32 $0x7000, s6;
	s7 =	simm.s32 $0x2;
	s8 =	simm.s32 $0x80  }
.LBB2_1:
0xd: {  	[tilespmem:s3], [sflag:$0x2] =	stream.linear.gather [hbm4b:s4+s3], $0x1B80, $0x38;
	[tilespmem:$0x15C00] =	vst v63  }
0xe: {  	_ =	swait.ge [sflag:s7], $0x1B80  }
0xf: {  	[sflag:s7] =	ssyncset.done $0x0  }
0x10: {  	s16 =	simm.s32 $0x0;
	[sflag:s7] =	ssyncadd.s32 $0xFFFFE480  }
0x11: {  	[tilespmem:s9], [sflag:$0x1] =	stream.indirect.gather [hbm4b:s1+s8], $0x80, s16, s8, $0xb8;
	[tilespmem:$0x15C00] =	vst v63  }
0x12: {  	s28 =	simm.s32 $0x80  }
0x13: {  	[tilespmem:s10], [sflag:$0x1] =	stream.indirect.gather [hbm4b:s1+s8], $0x80, s28, s8, $0xb8;
	[tilespmem:$0x15C00] =	vst v63  }
0x14: {  	s29 =	simm.s32 $0x100  }
0x15: {  	[tilespmem:s11], [sflag:$0x1] =	stream.indirect.gather [hbm4b:s1+s8], $0x80, s29, s8, $0xb8;
	[tilespmem:$0x15C00] =	vst v63  }
0x16: {  	s30 =	simm.s32 $0x180  }
0x17: {  	[tilespmem:s12], [sflag:$0x1] =	stream.indirect.gather [hbm4b:s1+s8], $0x80, s30, s8, $0xb8;
	[tilespmem:$0x15C00] =	vst v63  }
0x18: {  	s31 =	simm.s32 $0x200  }
0x19: {  	[tilespmem:s13], [sflag:$0x1] =	stream.indirect.gather [hbm4b:s1+s8], $0x80, s31, s8, $0xb8;
	[tilespmem:$0x15C00] =	vst v63  }
0x1a: {  	_ =	swait.ge [sflag:s14], $0x4000  }
0x1b: {  	[sflag:s14] =	ssyncset.done $0x0  }
0x1c: {  	[sflag:s14] =	ssyncadd.s32 $0xFFFFC000  }
0x1d: {  	_ =	swait.ge [sflag:s14], $0x4000  }
0x1e: {  	[sflag:s14] =	ssyncset.done $0x0  }
0x1f: {  	[sflag:s14] =	ssyncadd.s32 $0xFFFFC000  }
0x20: {  	_ =	swait.ge [sflag:s14], $0x4000  }
0x21: {  	[sflag:s14] =	ssyncset.done $0x0  }
0x22: {  	[sflag:s14] =	ssyncadd.s32 $0xFFFFC000  }
0x23: {  	_ =	swait.ge [sflag:s14], $0x4000  }
0x24: {  	[sflag:s14] =	ssyncset.done $0x0  }
0x25: {  	[sflag:s14] =	ssyncadd.s32 $0xFFFFC000  }
0x26: {  	_ =	swait.ge [sflag:s14], $0x4000  }
0x27: {  	[sflag:s14] =	ssyncset.done $0x0  }
0x28: {  	[sflag:s14] =	ssyncadd.s32 $0xFFFFC000  }
0x29: {  	[hbm4b:s6+s3] =	stream.linear.scatter [tilespmem:s9], [sflag:$0x2], $0x14000, $0x38;
	[tilespmem:$0x15C00] =	vst v63  }
0x2a: {  	s17 =	simm.s32 $0xA00;
	_ =	swait.ge [sflag:s7], $0x14000  }
0x2b: {  	s18 =	simm.s32 $0x1400;
	s16 =	sadd.s32 $0x2800, s6;
	[sflag:s7] =	ssyncset.done $0x0  }
.LBB2_2:
0x2c: {  	s19 =	sshra.s32 s17, $0x2  }
0x2d: {  	[sflag:s7] =	ssyncadd.s32 $0xFFFEC000;
	s17 =	smov.u32 s18;
	s20 =	sadd.s32 $0xA00, s18  }
0x2e: {  	[tilespmem:s9], [sflag:$0x1] =	stream.indirect.gather [hbm4b:s1+s8], $0x80, s19, s8, $0xb8;
	[tilespmem:$0x15C00] =	vst v63  }
0x2f: {  	p0 =	sne.s32 s18, $0x6400;
	s18 =	sadd.s32 $0x80, s19  }
0x30: {  	[tilespmem:s10], [sflag:$0x1] =	stream.indirect.gather [hbm4b:s1+s8], $0x80, s18, s8, $0xb8;
	[tilespmem:$0x15C00] =	vst v63  }
0x31: {  	s18 =	sadd.s32 $0x100, s19  }
0x32: {  	[tilespmem:s11], [sflag:$0x1] =	stream.indirect.gather [hbm4b:s1+s8], $0x80, s18, s8, $0xb8;
	[tilespmem:$0x15C00] =	vst v63  }
0x33: {  	s18 =	sadd.s32 $0x180, s19  }
0x34: {  	[tilespmem:s12], [sflag:$0x1] =	stream.indirect.gather [hbm4b:s1+s8], $0x80, s18, s8, $0xb8;
	[tilespmem:$0x15C00] =	vst v63  }
0x35: {  	s18 =	sadd.s32 $0x200, s19  }
0x36: {  	[tilespmem:s13], [sflag:$0x1] =	stream.indirect.gather [hbm4b:s1+s8], $0x80, s18, s8, $0xb8;
	[tilespmem:$0x15C00] =	vst v63  }
0x37: {  	_ =	swait.ge [sflag:s14], $0x4000  }
0x38: {  	[sflag:s14] =	ssyncset.done $0x0  }
0x39: {  	[sflag:s14] =	ssyncadd.s32 $0xFFFFC000  }
0x3a: {  	_ =	swait.ge [sflag:s14], $0x4000  }
0x3b: {  	[sflag:s14] =	ssyncset.done $0x0  }
0x3c: {  	[sflag:s14] =	ssyncadd.s32 $0xFFFFC000  }
0x3d: {  	_ =	swait.ge [sflag:s14], $0x4000  }
0x3e: {  	[sflag:s14] =	ssyncset.done $0x0  }
0x3f: {  	[sflag:s14] =	ssyncadd.s32 $0xFFFFC000  }
0x40: {  	_ =	swait.ge [sflag:s14], $0x4000  }
0x41: {  	[sflag:s14] =	ssyncset.done $0x0  }
0x42: {  	[sflag:s14] =	ssyncadd.s32 $0xFFFFC000  }
0x43: {  	_ =	swait.ge [sflag:s14], $0x4000  }
.Ltmp0:
0x44: {  	[sflag:s14] =	ssyncset.done $0x0;
	(pc) =	sbr.rel @p0 .LBB2_2-.Ltmp0, $4  }
0x45: {  	[sflag:s14] =	ssyncadd.s32 $0xFFFFC000  }
0x46: {  	[hbm4b:s16+s3] =	stream.linear.scatter [tilespmem:s9], [sflag:$0x2], $0x14000, $0x38;
	[tilespmem:$0x15C00] =	vst v63  }
0x47: {  	_ =	swait.ge [sflag:s7], $0x14000  }
0x48: {  	s18 =	smov.u32 s20;
	s16 =	sadd.s32 $0x2800, s16;
	[sflag:s7] =	ssyncset.done $0x0  }
0x49: {  	s17 =	sshra.s32 s17, $0x2;
	[sflag:s7] =	ssyncadd.s32 $0xFFFEC000  }
0x4a: {  	[tilespmem:s9], [sflag:$0x1] =	stream.indirect.gather [hbm4b:s1+s8], $0x80, s17, s8, $0xb8;
	[tilespmem:$0x15C00] =	vst v63  }
0x4b: {  	s18 =	sadd.s32 $0x80, s17  }
0x4c: {  	[tilespmem:s10], [sflag:$0x1] =	stream.indirect.gather [hbm4b:s1+s8], $0x80, s18, s8, $0xb8;
	[tilespmem:$0x15C00] =	vst v63  }
0x4d: {  	s30 =	sadd.s32 $0x100, s17  }
0x4e: {  	[tilespmem:s11], [sflag:$0x1] =	stream.indirect.gather [hbm4b:s1+s8], $0x80, s30, s8, $0xb8;
	[tilespmem:$0x15C00] =	vst v63  }
0x4f: {  	s31 =	sadd.s32 $0x180, s17  }
0x50: {  	[tilespmem:s12], [sflag:$0x1] =	stream.indirect.gather [hbm4b:s1+s8], $0x80, s31, s8, $0xb8;
	[tilespmem:$0x15C00] =	vst v63  }
0x51: {  	s17 =	sadd.s32 $0x200, s17  }
0x52: {  	[tilespmem:s13], [sflag:$0x1] =	stream.indirect.gather [hbm4b:s1+s8], $0x80, s17, s8, $0xb8;
	[tilespmem:$0x15C00] =	vst v63  }
0x53: {  	_ =	swait.ge [sflag:s14], $0x4000  }
0x54: {  	[sflag:s14] =	ssyncset.done $0x0  }
0x55: {  	[sflag:s14] =	ssyncadd.s32 $0xFFFFC000  }
0x56: {  	_ =	swait.ge [sflag:s14], $0x4000  }
0x57: {  	[sflag:s14] =	ssyncset.done $0x0  }
0x58: {  	[sflag:s14] =	ssyncadd.s32 $0xFFFFC000  }
0x59: {  	_ =	swait.ge [sflag:s14], $0x4000  }
0x5a: {  	[sflag:s14] =	ssyncset.done $0x0  }
0x5b: {  	[sflag:s14] =	ssyncadd.s32 $0xFFFFC000  }
0x5c: {  	_ =	swait.ge [sflag:s14], $0x4000  }
0x5d: {  	[sflag:s14] =	ssyncset.done $0x0  }
0x5e: {  	[sflag:s14] =	ssyncadd.s32 $0xFFFFC000  }
0x5f: {  	s15 =	sadd.s32 $0x1, s15;
	_ =	swait.ge [sflag:s14], $0x4000  }
0x60: {  	p0 =	sne.s32 s15, s5;
	[sflag:s14] =	ssyncset.done $0x0  }
.Ltmp1:
0x61: {  	[sflag:s14] =	ssyncadd.s32 $0xFFFFC000;
	(pc) =	sbr.rel @p0 .LBB2_1-.Ltmp1, $4  }
0x62: {  	[hbm4b:s16+s3] =	stream.linear.scatter [tilespmem:s9], [sflag:$0x2], $0x14000, $0x38;
	[tilespmem:$0x15C00] =	vst v63  }
0x63: {  	_ =	swait.ge [sflag:s7], $0x14000  }
0x64: {  	[sflag:s7] =	ssyncset.done $0x0  }
0x65: {  	[sflag:s7] =	ssyncadd.s32 $0xFFFEC000  }
0x66: {  	_ =	sfence.sel $0x180000  }
0x67: {  	[bflag:$0x0] =	sbarrier.arrive $0xFFFF  }
0x68: {  	p0 =	sne.s32 s2, $0x0;
	_ =	strace $0x90000047  }
0x69: {  	s0 =	sadd.s32 @!p0 $0x100000, s0;
	[bflag:$0x2] =	sbarrier.arrive $0xFFFF  }
0x6a: {  	[sflag:s0] =	ssyncadd.tile.s32 @!p0 $0x1;
	_ =	shalt  }
.Lfunc_end2:
_tile_overlayer_lowered:
.L_overlay_start_2:
0x6b: {  	(tag) =	ssettag $0x2  }
0x6c: {  	s0 =	rddreg [dreg:$0x0];
	s2 =	stileid.u32  }
0x6d: {  	s1 =	rddreg [dreg:$0x1];
	p0 =	sne.s32 s2, $0x0  }
0x6e: {  	s3 =	rddreg [dreg:$0x2];
	[bflag:$0x3] =	sbarrier.arrive $0xFFFF;
	s2 =	simm.s32 @!p0 $0x1C02  }
0x6f: {  	[timem:s3], [sflag:s2] =	dma.local @!p0 [hbm:s0], s1  }
0x70: {  	s0 =	simm.s32 @!p0 $0x2  }
0x71: {  	_ =	swait.ge @!p0 [sflag:s0], s1  }
0x72: {  	s1 =	ssub.s32 @!p0 $0x0, s1;
	[sflag:s0] =	ssyncset.done @!p0 $0x0  }
0x73: {  	[sflag:s0] =	ssyncadd.s32 @!p0 s1  }
0x74: {  	[bflag:$0x3] =	sbarrier.arrive $0xFFFF  }
0x75: {  	_ =	shalt  }

</sc_bundles>
